<compile_context>
chip_gen: v7x
topology: tpu7x:2x2x1
jax: 0.10.2.dev20260603
libtpu: 0.0.44.dev20260713+nightly
codegen_flags: <defaults>
</compile_context>

<pallas_src>
import functools

import jax
import jax.numpy as jnp
from jax import lax
from jax.experimental import pallas as pl
from jax.experimental.pallas import tpu as pltpu
from jax.experimental.pallas import tpu_sc as plsc

N = 10000
E = 320000
D = 128
DE = 16

NC = 2
NS = 16
NW = NC * NS

EW = E // NW
B = 80
NB = EW // B
N_PAD = 10112
ROWS_PER_TILE = N_PAD // NS
IR = 16



def _sc_msg_body(src_hbm, dst_hbm, e_hbm, x_hbm, out_hbm,
                 agg_sh, is_ring, ev0, ev1, xg0, xg1, idb0, idb1,
                 sem_si, sem_di, sem_e, sem_g, sem_s):
    c = lax.axis_index("c")
    s = lax.axis_index("s")
    wid = s * NC + c
    base = wid * EW

    evs = (ev0, ev1)
    xgs = (xg0, xg1)
    idbs = (idb0, idb1)

    def launch_sidx(j):
        m = lax.rem(j, IR)
        pltpu.async_copy(src_hbm.at[wid, j], is_ring.at[pl.ds(m, 1)],
                         sem_si)

    def wait_sidx(j):
        m = lax.rem(j, IR)
        pltpu.make_async_copy(src_hbm.at[wid, j],
                              is_ring.at[pl.ds(m, 1)], sem_si).wait()

    def launch_eg(j, b):
        pltpu.async_copy(e_hbm.at[pl.ds(base + j * B, B)], evs[b], sem_e)
        pltpu.async_copy(x_hbm.at[is_ring.at[lax.rem(j, IR)]], xgs[b],
                         sem_g)
        pltpu.async_copy(dst_hbm.at[wid, j], idbs[b], sem_di)

    def wait_eg(j, b):
        pltpu.make_async_copy(e_hbm.at[pl.ds(base + j * B, B)], evs[b],
                              sem_e).wait()
        pltpu.make_async_copy(x_hbm.at[is_ring.at[lax.rem(j, IR)]], xgs[b],
                              sem_g).wait()

    def compute(b):
        ev, xg = evs[b], xgs[b]

        def row(i, c2):
            for jj in range(D // 16):
                sl = pl.ds(jj * 16, 16)
                ev[i, sl] = jnp.maximum(ev[i, sl] + xg[i, sl], 0.0)
            return c2

        lax.fori_loop(0, B, row, 0)

    def scatter(j, b):
        pltpu.make_async_copy(dst_hbm.at[wid, j], idbs[b], sem_di).wait()
        pltpu.async_copy(evs[b], agg_sh.at[idbs[b].at[0]], sem_s, add=True)

    def wait_scatter(b):
        pltpu.make_async_copy(evs[b], agg_sh.at[idbs[b].at[0]], sem_s).wait()

    for jp in range(4):
        launch_sidx(jp)

    zero16 = jnp.zeros((16,), jnp.float32)

    def zrow(i, carry):
        for jj in range(D // 16):
            ev0[i, pl.ds(jj * 16, 16)] = zero16
        return carry

    lax.fori_loop(0, B, zrow, 0)
    r0 = s * ROWS_PER_TILE
    nfull, rem = divmod(ROWS_PER_TILE, B)
    for k in range(nfull):
        pltpu.sync_copy(ev0, agg_sh.at[pl.ds(r0 + k * B, B)])
    if rem:
        pltpu.sync_copy(ev0.at[pl.ds(0, rem)],
                        agg_sh.at[pl.ds(r0 + nfull * B, rem)])
    plsc.subcore_barrier()

    wait_sidx(0)
    launch_eg(0, 0)
    npairs = (NB - 1) // 2

    def pair(p, carry):
        j0 = 2 * p
        j1 = j0 + 1

        @pl.when(p > 0)
        def _():
            wait_scatter(1)

        wait_sidx(j1)
        launch_eg(j1, 1)

        @pl.when(j0 + 4 < NB)
        def _():
            launch_sidx(j0 + 4)

        @pl.when(j0 + 5 < NB)
        def _():
            launch_sidx(j0 + 5)

        wait_eg(j0, 0)
        compute(0)
        scatter(j0, 0)
        wait_scatter(0)
        wait_sidx(j0 + 2)
        launch_eg(j0 + 2, 0)
        wait_eg(j1, 1)
        compute(1)
        scatter(j1, 1)
        return carry

    lax.fori_loop(0, npairs, pair, 0)

    wait_scatter(1)
    wait_eg(NB - 1, 0)
    compute(0)
    scatter(NB - 1, 0)
    wait_scatter(0)
    plsc.subcore_barrier()

    pltpu.sync_copy(agg_sh.at[pl.ds(r0, ROWS_PER_TILE)],
                    out_hbm.at[c, pl.ds(r0, ROWS_PER_TILE)])


_sc_msg = pl.kernel(
    _sc_msg_body,
    out_type=jax.ShapeDtypeStruct((NC, N_PAD, D), jnp.float32),
    mesh=plsc.VectorSubcoreMesh(core_axis_name="c", subcore_axis_name="s",
                                num_cores=NC, num_subcores=NS),
    scratch_types=[
        pltpu.VMEM_SHARED((N_PAD, D), jnp.float32),
        pltpu.VMEM((IR, B), jnp.int32),
        pltpu.VMEM((B, D), jnp.float32),
        pltpu.VMEM((B, D), jnp.float32),
        pltpu.VMEM((B, D), jnp.float32),
        pltpu.VMEM((B, D), jnp.float32),
        pltpu.VMEM((1, B), jnp.int32),
        pltpu.VMEM((1, B), jnp.int32),
        pltpu.SemaphoreType.DMA,
        pltpu.SemaphoreType.DMA,
        pltpu.SemaphoreType.DMA,
        pltpu.SemaphoreType.DMA,
        pltpu.SemaphoreType.DMA,
    ],
)



_EB = 3200


def _edge_embed_body(ea_ref, we_ref, out_ref):
    out_ref[...] = jnp.dot(ea_ref[...], we_ref[...],
                           preferred_element_type=jnp.float32)


def _edge_embed(edge_attr, we):
    grid = (E // _EB,)
    return pl.pallas_call(
        _edge_embed_body,
        grid=grid,
        in_specs=[
            pl.BlockSpec((_EB, DE), lambda i: (i, 0)),
            pl.BlockSpec((DE, D), lambda i: (0, 0)),
        ],
        out_specs=pl.BlockSpec((_EB, D), lambda i: (i, 0)),
        out_shape=jax.ShapeDtypeStruct((E, D), jnp.float32),
    )(edge_attr, we)


_NBLK = 2000


def _enc_mlp_body(x_ref, a0_ref, a1_ref, m_ref, w1_ref, b1_ref, w2_ref,
                  b2_ref, e2d_ref, nr_ref, di_ref):
    h = x_ref[...] + a0_ref[0] + a1_ref[0]
    h1 = jnp.maximum(
        jnp.dot(h, w1_ref[...], preferred_element_type=jnp.float32)
        + b1_ref[...], 0.0)
    nr = jnp.dot(h1, w2_ref[...], preferred_element_type=jnp.float32) \
        + b2_ref[...]
    nr_ref[...] = nr
    di = jnp.dot(nr, e2d_ref[...], preferred_element_type=jnp.float32)
    di_ref[...] = jnp.where(m_ref[...] > 0.0, 0.0, di)


def _enc_mlp(x, agg, mask_f, w1, b1, w2, b2, e2d):
    grid = (N // _NBLK,)
    full = lambda i: (0, 0)
    blk = pl.BlockSpec((_NBLK, D), lambda i: (i, 0))
    return pl.pallas_call(
        _enc_mlp_body,
        grid=grid,
        in_specs=[
            blk,
            pl.BlockSpec((1, _NBLK, D), lambda i: (0, i, 0)),
            pl.BlockSpec((1, _NBLK, D), lambda i: (1, i, 0)),
            pl.BlockSpec((_NBLK, 1), lambda i: (i, 0)),
            pl.BlockSpec((D, D), full),
            pl.BlockSpec((1, D), full),
            pl.BlockSpec((D, D), full),
            pl.BlockSpec((1, D), full),
            pl.BlockSpec((D, D), full),
        ],
        out_specs=[blk, blk],
        out_shape=[
            jax.ShapeDtypeStruct((N, D), jnp.float32),
            jax.ShapeDtypeStruct((N, D), jnp.float32),
        ],
    )(x, agg, agg, mask_f, w1, b1, w2, b2, e2d)


def _dec_mlp_body(x_ref, a0_ref, a1_ref, w1_ref, b1_ref, w2_ref, b2_ref,
                  out_ref):
    h = x_ref[...] + a0_ref[0] + a1_ref[0]
    h1 = jnp.maximum(
        jnp.dot(h, w1_ref[...], preferred_element_type=jnp.float32)
        + b1_ref[...], 0.0)
    out_ref[...] = jnp.dot(h1, w2_ref[...],
                           preferred_element_type=jnp.float32) + b2_ref[...]


def _dec_mlp(x, agg, w1, b1, w2, b2):
    grid = (N // _NBLK,)
    full = lambda i: (0, 0)
    blk = pl.BlockSpec((_NBLK, D), lambda i: (i, 0))
    return pl.pallas_call(
        _dec_mlp_body,
        grid=grid,
        in_specs=[
            blk,
            pl.BlockSpec((1, _NBLK, D), lambda i: (0, i, 0)),
            pl.BlockSpec((1, _NBLK, D), lambda i: (1, i, 0)),
            pl.BlockSpec((D, D), full),
            pl.BlockSpec((1, D), full),
            pl.BlockSpec((D, D), full),
            pl.BlockSpec((1, D), full),
        ],
        out_specs=blk,
        out_shape=jax.ShapeDtypeStruct((N, D), jnp.float32),
    )(x, agg, agg, w1, b1, w2, b2)



def kernel(x, edge_index, edge_attr, masked_atom_mask,
           enc_We, enc_W1, enc_b1, enc_W2, enc_b2,
           e2d_W,
           dec_We, dec_W1, dec_b1, dec_W2, dec_b2):
    src = edge_index[0].astype(jnp.int32).reshape(NW, NB, 1, B)
    dst = edge_index[1].astype(jnp.int32).reshape(NW, NB, 1, B)
    mask_f = masked_atom_mask.astype(jnp.float32).reshape(N, 1)

    e_enc = _edge_embed(edge_attr, enc_We)
    agg_enc = _sc_msg(src, dst, e_enc, x)
    e_dec = _edge_embed(edge_attr, dec_We)
    node_rep, decoder_input = _enc_mlp(
        x, agg_enc, mask_f,
        enc_W1, enc_b1.reshape(1, D), enc_W2, enc_b2.reshape(1, D), e2d_W)

    agg_dec = _sc_msg(src, dst, e_dec, decoder_input)
    dec_out = _dec_mlp(
        decoder_input, agg_dec,
        dec_W1, dec_b1.reshape(1, D), dec_W2, dec_b2.reshape(1, D))

    return (node_rep, dec_out)

# --- scband reference (transcript-rebuilt; emitter-appended) ---
"""Pipeline reference for scband-mo-ama-79310866088341 (READ-ONLY COPY).

The authoritative reference and input builder live on the scoring server;
editing this copy changes nothing except your own understanding.
"""

import jax, jax.numpy as jnp
import numpy as np

N = 10000
E = 320000
D = 128
DE = 16


def setup_inputs(seed: int = 0) -> dict:
    key = jax.random.key(seed)
    ks = jax.random.split(key, 16)
    s = 1.0 / np.sqrt(D)
    se = 1.0 / np.sqrt(DE)
    inp = {
        "x": jax.random.normal(ks[0], (N, D), dtype=jnp.float32),
        "edge_index": jax.random.randint(ks[1], (2, E), 0, N, dtype=jnp.int64),
        "edge_attr": jax.random.normal(ks[2], (E, DE), dtype=jnp.float32),
        "masked_atom_mask": jax.random.bernoulli(ks[3], 0.15, (N,)),
        # encoder (GINE-style conv with edge features) params
        "enc_We": jax.random.normal(ks[4], (DE, D), dtype=jnp.float32) * se,
        "enc_W1": jax.random.normal(ks[5], (D, D), dtype=jnp.float32) * s,
        "enc_b1": jnp.zeros((D,), dtype=jnp.float32),
        "enc_W2": jax.random.normal(ks[6], (D, D), dtype=jnp.float32) * s,
        "enc_b2": jnp.zeros((D,), dtype=jnp.float32),
        # encoder_to_decoder linear (no bias)
        "e2d_W": jax.random.normal(ks[7], (D, D), dtype=jnp.float32) * s,
        # decoder GINConv params
        "dec_We": jax.random.normal(ks[8], (DE, D), dtype=jnp.float32) * se,
        "dec_W1": jax.random.normal(ks[9], (D, D), dtype=jnp.float32) * s,
        "dec_b1": jnp.zeros((D,), dtype=jnp.float32),
        "dec_W2": jax.random.normal(ks[10], (D, D), dtype=jnp.float32) * s,
        "dec_b2": jnp.zeros((D,), dtype=jnp.float32),
    }
    return inp


def _gine_conv(x, edge_index, edge_attr, We, W1, b1, W2, b2):
    # GIN conv with edge features: out = MLP((1+eps)*x + sum_j relu(x_j + e_ij)), eps=0
    src = edge_index[0]
    dst = edge_index[1]
    e = edge_attr @ We                        # [E, D] edge embedding
    msg = jax.nn.relu(x[src] + e)             # gather + add, [E, D]
    agg = jnp.zeros_like(x).at[dst].add(msg)  # scatter-add to dst nodes
    h = x + agg
    h = jax.nn.relu(h @ W1 + b1)
    return h @ W2 + b2


def reference(x, edge_index, edge_attr, masked_atom_mask,
              enc_We, enc_W1, enc_b1, enc_W2, enc_b2,
              e2d_W,
              dec_We, dec_W1, dec_b1, dec_W2, dec_b2):
    # encoder GNN
    node_rep = _gine_conv(x, edge_index, edge_attr, enc_We, enc_W1, enc_b1, enc_W2, enc_b2)
    # encoder_to_decoder linear
    decoder_input = node_rep @ e2d_W
    # zero out masked atoms: decoder_input[masked_atom_mask] = 0
    decoder_input = jnp.where(masked_atom_mask[:, None], 0.0, decoder_input)
    # decoder GINConv
    dec_out = _gine_conv(decoder_input, edge_index, edge_attr, dec_We, dec_W1, dec_b1, dec_W2, dec_b2)
    return (node_rep, dec_out)

if __name__ == "__main__":
    import jax
    _d = setup_inputs()
    print(jax.jit(kernel)(*tuple(_d.values())))

</pallas_src>

<mosaic_0001>
#map = affine_map<(d0, d1) -> (0, 0, 0, 0)>
#map1 = affine_map<(d0, d1) -> (0, 0)>
#map2 = affine_map<(d0, d1) -> (0, 0, 0)>
module attributes {stable_mosaic.version = 14 : i64} {
  func.func @_sc_msg_body(%arg0: i32, %arg1: i32, %arg2: memref<32x125x1x80xi32, #tpu.memory_space<hbm>>, %arg3: memref<32x125x1x80xi32, #tpu.memory_space<hbm>>, %arg4: memref<320000x128xf32, #tpu.memory_space<hbm>>, %arg5: memref<10000x128xf32, #tpu.memory_space<hbm>>, %arg6: memref<2x10112x128xf32, #tpu.memory_space<hbm>>, %arg7: memref<10112x128xf32, #tpu.memory_space<vmem_shared>>, %arg8: memref<16x80xi32, #tpu.memory_space<vmem>>, %arg9: memref<80x128xf32, #tpu.memory_space<vmem>>, %arg10: memref<80x128xf32, #tpu.memory_space<vmem>>, %arg11: memref<80x128xf32, #tpu.memory_space<vmem>>, %arg12: memref<80x128xf32, #tpu.memory_space<vmem>>, %arg13: memref<1x80xi32, #tpu.memory_space<vmem>>, %arg14: memref<1x80xi32, #tpu.memory_space<vmem>>, %arg15: memref<!tpu.dma_semaphore, #tpu.memory_space<semaphore_mem>>, %arg16: memref<!tpu.dma_semaphore, #tpu.memory_space<semaphore_mem>>, %arg17: memref<!tpu.dma_semaphore, #tpu.memory_space<semaphore_mem>>, %arg18: memref<!tpu.dma_semaphore, #tpu.memory_space<semaphore_mem>>, %arg19: memref<!tpu.dma_semaphore, #tpu.memory_space<semaphore_mem>>) attributes {dimension_semantics = [#tpu.dimension_semantics<core_parallel>, #tpu.dimension_semantics<subcore_parallel>], iteration_bounds = array<i64: 2, 16>, scalar_prefetch = 0 : i64, scratch_operands = 13 : i64, tpu.core_type = #tpu.core_type<sc_vector_subcore>, window_params = [{transform_indices = #map}, {transform_indices = #map}, {transform_indices = #map1}, {transform_indices = #map1}, {transform_indices = #map2}]} {
    %mul3A = arith.constant 2 : i32
    %mul3A_0 = arith.muli %arg1, %mul3A : i32
    %add3A = arith.addi %mul3A_0, %arg0 : i32
    %mul3A_1 = arith.constant 10000 : i32
    %mul3A_2 = arith.muli %add3A, %mul3A_1 : i32
    %rem3A = arith.constant 0 : i32
    %rem3A_3 = arith.constant 16 : i32
    %rem3A_4 = arith.remsi %rem3A, %rem3A_3 : i32
    %dma_start3A = arith.constant 0 : i32
    %dma_start3A_5 = arith.constant 0 : i32
    %dma_start3A_6 = tpu.memref_slice %arg8[%rem3A_4, %dma_start3A_5] : memref<16x80xi32, #tpu.memory_space<vmem>> -> memref<1x80xi32, #tpu.memory_space<vmem>>
    %dma_start3A_7 = arith.constant 0 : i32
    %dma_start3A_8 = arith.constant 0 : i32
    %dma_start3A_9 = tpu.memref_slice %arg2[%add3A, %dma_start3A, %dma_start3A_7, %dma_start3A_8] : memref<32x125x1x80xi32, #tpu.memory_space<hbm>> -> memref<1x1x1x80xi32, #tpu.memory_space<hbm>>
    %dma_start3A_10 = tpu.memref_squeeze %dma_start3A_9 : memref<1x1x1x80xi32, #tpu.memory_space<hbm>> -> memref<1x80xi32, #tpu.memory_space<hbm>>
    %dma_start3A_11 = arith.constant 0 : i32
    %dma_start3A_12 = tpu.memref_slice %arg8[%rem3A_4, %dma_start3A_11] : memref<16x80xi32, #tpu.memory_space<vmem>> -> memref<1x80xi32, #tpu.memory_space<vmem>>
    %dma_start3A_13 = arith.constant 0 : i32
    %dma_start3A_14 = arith.constant 0 : i32
    %dma_start3A_15 = tpu.memref_slice %arg2[%add3A, %dma_start3A, %dma_start3A_13, %dma_start3A_14] : memref<32x125x1x80xi32, #tpu.memory_space<hbm>> -> memref<1x1x1x80xi32, #tpu.memory_space<hbm>>
    %dma_start3A_16 = tpu.memref_squeeze %dma_start3A_15 : memref<1x1x1x80xi32, #tpu.memory_space<hbm>> -> memref<1x80xi32, #tpu.memory_space<hbm>>
    tpu.enqueue_dma source(%dma_start3A_16 : memref<1x80xi32, #tpu.memory_space<hbm>>) target(%dma_start3A_12 : memref<1x80xi32, #tpu.memory_space<vmem>>) target_semaphore(%arg15 : memref<!tpu.dma_semaphore, #tpu.memory_space<semaphore_mem>>)
    %rem3A_17 = arith.constant 1 : i32
    %rem3A_18 = arith.constant 16 : i32
    %rem3A_19 = arith.remsi %rem3A_17, %rem3A_18 : i32
    %dma_start3A_20 = arith.constant 1 : i32
    %dma_start3A_21 = arith.constant 0 : i32
    %dma_start3A_22 = tpu.memref_slice %arg8[%rem3A_19, %dma_start3A_21] : memref<16x80xi32, #tpu.memory_space<vmem>> -> memref<1x80xi32, #tpu.memory_space<vmem>>
    %dma_start3A_23 = arith.constant 0 : i32
    %dma_start3A_24 = arith.constant 0 : i32
    %dma_start3A_25 = tpu.memref_slice %arg2[%add3A, %dma_start3A_20, %dma_start3A_23, %dma_start3A_24] : memref<32x125x1x80xi32, #tpu.memory_space<hbm>> -> memref<1x1x1x80xi32, #tpu.memory_space<hbm>>
    %dma_start3A_26 = tpu.memref_squeeze %dma_start3A_25 : memref<1x1x1x80xi32, #tpu.memory_space<hbm>> -> memref<1x80xi32, #tpu.memory_space<hbm>>
    %dma_start3A_27 = arith.constant 0 : i32
    %dma_start3A_28 = tpu.memref_slice %arg8[%rem3A_19, %dma_start3A_27] : memref<16x80xi32, #tpu.memory_space<vmem>> -> memref<1x80xi32, #tpu.memory_space<vmem>>
    %dma_start3A_29 = arith.constant 0 : i32
    %dma_start3A_30 = arith.constant 0 : i32
    %dma_start3A_31 = tpu.memref_slice %arg2[%add3A, %dma_start3A_20, %dma_start3A_29, %dma_start3A_30] : memref<32x125x1x80xi32, #tpu.memory_space<hbm>> -> memref<1x1x1x80xi32, #tpu.memory_space<hbm>>
    %dma_start3A_32 = tpu.memref_squeeze %dma_start3A_31 : memref<1x1x1x80xi32, #tpu.memory_space<hbm>> -> memref<1x80xi32, #tpu.memory_space<hbm>>
    tpu.enqueue_dma source(%dma_start3A_32 : memref<1x80xi32, #tpu.memory_space<hbm>>) target(%dma_start3A_28 : memref<1x80xi32, #tpu.memory_space<vmem>>) target_semaphore(%arg15 : memref<!tpu.dma_semaphore, #tpu.memory_space<semaphore_mem>>)
    %rem3A_33 = arith.constant 2 : i32
    %rem3A_34 = arith.constant 16 : i32
    %rem3A_35 = arith.remsi %rem3A_33, %rem3A_34 : i32
    %dma_start3A_36 = arith.constant 2 : i32
    %dma_start3A_37 = arith.constant 0 : i32
    %dma_start3A_38 = tpu.memref_slice %arg8[%rem3A_35, %dma_start3A_37] : memref<16x80xi32, #tpu.memory_space<vmem>> -> memref<1x80xi32, #tpu.memory_space<vmem>>
    %dma_start3A_39 = arith.constant 0 : i32
    %dma_start3A_40 = arith.constant 0 : i32
    %dma_start3A_41 = tpu.memref_slice %arg2[%add3A, %dma_start3A_36, %dma_start3A_39, %dma_start3A_40] : memref<32x125x1x80xi32, #tpu.memory_space<hbm>> -> memref<1x1x1x80xi32, #tpu.memory_space<hbm>>
    %dma_start3A_42 = tpu.memref_squeeze %dma_start3A_41 : memref<1x1x1x80xi32, #tpu.memory_space<hbm>> -> memref<1x80xi32, #tpu.memory_space<hbm>>
    %dma_start3A_43 = arith.constant 0 : i32
    %dma_start3A_44 = tpu.memref_slice %arg8[%rem3A_35, %dma_start3A_43] : memref<16x80xi32, #tpu.memory_space<vmem>> -> memref<1x80xi32, #tpu.memory_space<vmem>>
    %dma_start3A_45 = arith.constant 0 : i32
    %dma_start3A_46 = arith.constant 0 : i32
    %dma_start3A_47 = tpu.memref_slice %arg2[%add3A, %dma_start3A_36, %dma_start3A_45, %dma_start3A_46] : memref<32x125x1x80xi32, #tpu.memory_space<hbm>> -> memref<1x1x1x80xi32, #tpu.memory_space<hbm>>
    %dma_start3A_48 = tpu.memref_squeeze %dma_start3A_47 : memref<1x1x1x80xi32, #tpu.memory_space<hbm>> -> memref<1x80xi32, #tpu.memory_space<hbm>>
    tpu.enqueue_dma source(%dma_start3A_48 : memref<1x80xi32, #tpu.memory_space<hbm>>) target(%dma_start3A_44 : memref<1x80xi32, #tpu.memory_space<vmem>>) target_semaphore(%arg15 : memref<!tpu.dma_semaphore, #tpu.memory_space<semaphore_mem>>)
    %rem3A_49 = arith.constant 3 : i32
    %rem3A_50 = arith.constant 16 : i32
    %rem3A_51 = arith.remsi %rem3A_49, %rem3A_50 : i32
    %dma_start3A_52 = arith.constant 3 : i32
    %dma_start3A_53 = arith.constant 0 : i32
    %dma_start3A_54 = tpu.memref_slice %arg8[%rem3A_51, %dma_start3A_53] : memref<16x80xi32, #tpu.memory_space<vmem>> -> memref<1x80xi32, #tpu.memory_space<vmem>>
    %dma_start3A_55 = arith.constant 0 : i32
    %dma_start3A_56 = arith.constant 0 : i32
    %dma_start3A_57 = tpu.memref_slice %arg2[%add3A, %dma_start3A_52, %dma_start3A_55, %dma_start3A_56] : memref<32x125x1x80xi32, #tpu.memory_space<hbm>> -> memref<1x1x1x80xi32, #tpu.memory_space<hbm>>
    %dma_start3A_58 = tpu.memref_squeeze %dma_start3A_57 : memref<1x1x1x80xi32, #tpu.memory_space<hbm>> -> memref<1x80xi32, #tpu.memory_space<hbm>>
    %dma_start3A_59 = arith.constant 0 : i32
    %dma_start3A_60 = tpu.memref_slice %arg8[%rem3A_51, %dma_start3A_59] : memref<16x80xi32, #tpu.memory_space<vmem>> -> memref<1x80xi32, #tpu.memory_space<vmem>>
    %dma_start3A_61 = arith.constant 0 : i32
    %dma_start3A_62 = arith.constant 0 : i32
    %dma_start3A_63 = tpu.memref_slice %arg2[%add3A, %dma_start3A_52, %dma_start3A_61, %dma_start3A_62] : memref<32x125x1x80xi32, #tpu.memory_space<hbm>> -> memref<1x1x1x80xi32, #tpu.memory_space<hbm>>
    %dma_start3A_64 = tpu.memref_squeeze %dma_start3A_63 : memref<1x1x1x80xi32, #tpu.memory_space<hbm>> -> memref<1x80xi32, #tpu.memory_space<hbm>>
    tpu.enqueue_dma source(%dma_start3A_64 : memref<1x80xi32, #tpu.memory_space<hbm>>) target(%dma_start3A_60 : memref<1x80xi32, #tpu.memory_space<vmem>>) target_semaphore(%arg15 : memref<!tpu.dma_semaphore, #tpu.memory_space<semaphore_mem>>)
    %broadcast_in_dim3A = arith.constant 0.000000e+00 : f32
    %broadcast_in_dim3A_65 = vector.broadcast %broadcast_in_dim3A : f32 to vector<16xf32>
    %scan3A = arith.constant 0 : i32
    %scan3A_66 = arith.constant 0 : i32
    %scan3A_67 = arith.constant 80 : i32
    %scan3A_68 = arith.addi %scan3A_66, %scan3A_67 : i32
    %scan3A_69 = arith.constant 1 : i32
    scf.for %scan3A_186 = %scan3A_66 to %scan3A_68 step %scan3A_69  : i32 {
      %swap3A = arith.index_cast %scan3A_186 : i32 to index
      %swap3A_187 = arith.constant 0 : index
      %swap3A_188 = tpu.vector_load %arg9[%swap3A, %swap3A_187] {strides = array<i32>} : memref<80x128xf32, #tpu.memory_space<vmem>>, vector<1x16xf32>,
      %swap3A_189 = vector.shape_cast %swap3A_188 : vector<1x16xf32> to vector<16xf32>
      %swap3A_190 = vector.shape_cast %broadcast_in_dim3A_65 : vector<16xf32> to vector<1x16xf32>
      tpu.vector_store %arg9[%swap3A, %swap3A_187], %swap3A_190 {strides = array<i32>} : memref<80x128xf32, #tpu.memory_space<vmem>>, vector<1x16xf32>,
      %swap3A_191 = arith.index_cast %scan3A_186 : i32 to index
      %swap3A_192 = arith.constant 16 : index
      %swap3A_193 = tpu.vector_load %arg9[%swap3A_191, %swap3A_192] {strides = array<i32>} : memref<80x128xf32, #tpu.memory_space<vmem>>, vector<1x16xf32>,
      %swap3A_194 = vector.shape_cast %swap3A_193 : vector<1x16xf32> to vector<16xf32>
      %swap3A_195 = vector.shape_cast %broadcast_in_dim3A_65 : vector<16xf32> to vector<1x16xf32>
      tpu.vector_store %arg9[%swap3A_191, %swap3A_192], %swap3A_195 {strides = array<i32>} : memref<80x128xf32, #tpu.memory_space<vmem>>, vector<1x16xf32>,
      %swap3A_196 = arith.index_cast %scan3A_186 : i32 to index
      %swap3A_197 = arith.constant 32 : index
      %swap3A_198 = tpu.vector_load %arg9[%swap3A_196, %swap3A_197] {strides = array<i32>} : memref<80x128xf32, #tpu.memory_space<vmem>>, vector<1x16xf32>,
      %swap3A_199 = vector.shape_cast %swap3A_198 : vector<1x16xf32> to vector<16xf32>
      %swap3A_200 = vector.shape_cast %broadcast_in_dim3A_65 : vector<16xf32> to vector<1x16xf32>
      tpu.vector_store %arg9[%swap3A_196, %swap3A_197], %swap3A_200 {strides = array<i32>} : memref<80x128xf32, #tpu.memory_space<vmem>>, vector<1x16xf32>,
      %swap3A_201 = arith.index_cast %scan3A_186 : i32 to index
      %swap3A_202 = arith.constant 48 : index
      %swap3A_203 = tpu.vector_load %arg9[%swap3A_201, %swap3A_202] {strides = array<i32>} : memref<80x128xf32, #tpu.memory_space<vmem>>, vector<1x16xf32>,
      %swap3A_204 = vector.shape_cast %swap3A_203 : vector<1x16xf32> to vector<16xf32>
      %swap3A_205 = vector.shape_cast %broadcast_in_dim3A_65 : vector<16xf32> to vector<1x16xf32>
      tpu.vector_store %arg9[%swap3A_201, %swap3A_202], %swap3A_205 {strides = array<i32>} : memref<80x128xf32, #tpu.memory_space<vmem>>, vector<1x16xf32>,
      %swap3A_206 = arith.index_cast %scan3A_186 : i32 to index
      %swap3A_207 = arith.constant 64 : index
      %swap3A_208 = tpu.vector_load %arg9[%swap3A_206, %swap3A_207] {strides = array<i32>} : memref<80x128xf32, #tpu.memory_space<vmem>>, vector<1x16xf32>,
      %swap3A_209 = vector.shape_cast %swap3A_208 : vector<1x16xf32> to vector<16xf32>
      %swap3A_210 = vector.shape_cast %broadcast_in_dim3A_65 : vector<16xf32> to vector<1x16xf32>
      tpu.vector_store %arg9[%swap3A_206, %swap3A_207], %swap3A_210 {strides = array<i32>} : memref<80x128xf32, #tpu.memory_space<vmem>>, vector<1x16xf32>,
      %swap3A_211 = arith.index_cast %scan3A_186 : i32 to index
      %swap3A_212 = arith.constant 80 : index
      %swap3A_213 = tpu.vector_load %arg9[%swap3A_211, %swap3A_212] {strides = array<i32>} : memref<80x128xf32, #tpu.memory_space<vmem>>, vector<1x16xf32>,
      %swap3A_214 = vector.shape_cast %swap3A_213 : vector<1x16xf32> to vector<16xf32>
      %swap3A_215 = vector.shape_cast %broadcast_in_dim3A_65 : vector<16xf32> to vector<1x16xf32>
      tpu.vector_store %arg9[%swap3A_211, %swap3A_212], %swap3A_215 {strides = array<i32>} : memref<80x128xf32, #tpu.memory_space<vmem>>, vector<1x16xf32>,
      %swap3A_216 = arith.index_cast %scan3A_186 : i32 to index
      %swap3A_217 = arith.constant 96 : index
      %swap3A_218 = tpu.vector_load %arg9[%swap3A_216, %swap3A_217] {strides = array<i32>} : memref<80x128xf32, #tpu.memory_space<vmem>>, vector<1x16xf32>,
      %swap3A_219 = vector.shape_cast %swap3A_218 : vector<1x16xf32> to vector<16xf32>
      %swap3A_220 = vector.shape_cast %broadcast_in_dim3A_65 : vector<16xf32> to vector<1x16xf32>
      tpu.vector_store %arg9[%swap3A_216, %swap3A_217], %swap3A_220 {strides = array<i32>} : memref<80x128xf32, #tpu.memory_space<vmem>>, vector<1x16xf32>,
      %swap3A_221 = arith.index_cast %scan3A_186 : i32 to index
      %swap3A_222 = arith.constant 112 : index
      %swap3A_223 = tpu.vector_load %arg9[%swap3A_221, %swap3A_222] {strides = array<i32>} : memref<80x128xf32, #tpu.memory_space<vmem>>, vector<1x16xf32>,
      %swap3A_224 = vector.shape_cast %swap3A_223 : vector<1x16xf32> to vector<16xf32>
      %swap3A_225 = vector.shape_cast %broadcast_in_dim3A_65 : vector<16xf32> to vector<1x16xf32>
      tpu.vector_store %arg9[%swap3A_221, %swap3A_222], %swap3A_225 {strides = array<i32>} : memref<80x128xf32, #tpu.memory_space<vmem>>, vector<1x16xf32>,
    }
    %scan3A_70 = arith.constant 80 : i32
    %mul3A_71 = arith.constant 632 : i32
    %mul3A_72 = arith.muli %arg1, %mul3A_71 : i32
    %add3A_73 = arith.constant 0 : i32
    %add3A_74 = arith.addi %mul3A_72, %add3A_73 : i32
    "tpu.region"() ({
      %run_scoped3A = tpu.sem_alloc : memref<!tpu.dma_semaphore, #tpu.memory_space<semaphore_mem>>
      %dma_start3A_186 = arith.constant 0 : i32
      %dma_start3A_187 = tpu.memref_slice %arg7[%add3A_74, %dma_start3A_186] : memref<10112x128xf32, #tpu.memory_space<vmem_shared>> -> memref<80x128xf32, #tpu.memory_space<vmem_shared>>
      %dma_start3A_188 = arith.constant 0 : i32
      %dma_start3A_189 = tpu.memref_slice %arg7[%add3A_74, %dma_start3A_188] : memref<10112x128xf32, #tpu.memory_space<vmem_shared>> -> memref<80x128xf32, #tpu.memory_space<vmem_shared>>
      tpu.enqueue_dma source(%arg9 : memref<80x128xf32, #tpu.memory_space<vmem>>) target(%dma_start3A_189 : memref<80x128xf32, #tpu.memory_space<vmem_shared>>) target_semaphore(%run_scoped3A : memref<!tpu.dma_semaphore, #tpu.memory_space<semaphore_mem>>)
      %dma_wait3A_190 = arith.constant 0 : i32
      %dma_wait3A_191 = tpu.memref_slice %arg7[%add3A_74, %dma_wait3A_190] : memref<10112x128xf32, #tpu.memory_space<vmem_shared>> -> memref<80x128xf32, #tpu.memory_space<vmem_shared>>
      %dma_wait3A_192 = arith.constant 0 : i32
      %dma_wait3A_193 = tpu.memref_slice %arg7[%add3A_74, %dma_wait3A_192] : memref<10112x128xf32, #tpu.memory_space<vmem_shared>> -> memref<80x128xf32, #tpu.memory_space<vmem_shared>>
      tpu.wait_dma2 semaphore(%run_scoped3A : memref<!tpu.dma_semaphore, #tpu.memory_space<semaphore_mem>>) src(%arg9 : memref<80x128xf32, #tpu.memory_space<vmem>>) dst(%dma_wait3A_193 : memref<80x128xf32, #tpu.memory_space<vmem_shared>>)
      tpu.yield
    }) : () -> ()
    %add3A_75 = arith.constant 80 : i32
    %add3A_76 = arith.addi %mul3A_72, %add3A_75 : i32
    "tpu.region"() ({
      %run_scoped3A = tpu.sem_alloc : memref<!tpu.dma_semaphore, #tpu.memory_space<semaphore_mem>>
      %dma_start3A_186 = arith.constant 0 : i32
      %dma_start3A_187 = tpu.memref_slice %arg7[%add3A_76, %dma_start3A_186] : memref<10112x128xf32, #tpu.memory_space<vmem_shared>> -> memref<80x128xf32, #tpu.memory_space<vmem_shared>>
      %dma_start3A_188 = arith.constant 0 : i32
      %dma_start3A_189 = tpu.memref_slice %arg7[%add3A_76, %dma_start3A_188] : memref<10112x128xf32, #tpu.memory_space<vmem_shared>> -> memref<80x128xf32, #tpu.memory_space<vmem_shared>>
      tpu.enqueue_dma source(%arg9 : memref<80x128xf32, #tpu.memory_space<vmem>>) target(%dma_start3A_189 : memref<80x128xf32, #tpu.memory_space<vmem_shared>>) target_semaphore(%run_scoped3A : memref<!tpu.dma_semaphore, #tpu.memory_space<semaphore_mem>>)
      %dma_wait3A_190 = arith.constant 0 : i32
      %dma_wait3A_191 = tpu.memref_slice %arg7[%add3A_76, %dma_wait3A_190] : memref<10112x128xf32, #tpu.memory_space<vmem_shared>> -> memref<80x128xf32, #tpu.memory_space<vmem_shared>>
      %dma_wait3A_192 = arith.constant 0 : i32
      %dma_wait3A_193 = tpu.memref_slice %arg7[%add3A_76, %dma_wait3A_192] : memref<10112x128xf32, #tpu.memory_space<vmem_shared>> -> memref<80x128xf32, #tpu.memory_space<vmem_shared>>
      tpu.wait_dma2 semaphore(%run_scoped3A : memref<!tpu.dma_semaphore, #tpu.memory_space<semaphore_mem>>) src(%arg9 : memref<80x128xf32, #tpu.memory_space<vmem>>) dst(%dma_wait3A_193 : memref<80x128xf32, #tpu.memory_space<vmem_shared>>)
      tpu.yield
    }) : () -> ()
    %add3A_77 = arith.constant 160 : i32
    %add3A_78 = arith.addi %mul3A_72, %add3A_77 : i32
    "tpu.region"() ({
      %run_scoped3A = tpu.sem_alloc : memref<!tpu.dma_semaphore, #tpu.memory_space<semaphore_mem>>
      %dma_start3A_186 = arith.constant 0 : i32
      %dma_start3A_187 = tpu.memref_slice %arg7[%add3A_78, %dma_start3A_186] : memref<10112x128xf32, #tpu.memory_space<vmem_shared>> -> memref<80x128xf32, #tpu.memory_space<vmem_shared>>
      %dma_start3A_188 = arith.constant 0 : i32
      %dma_start3A_189 = tpu.memref_slice %arg7[%add3A_78, %dma_start3A_188] : memref<10112x128xf32, #tpu.memory_space<vmem_shared>> -> memref<80x128xf32, #tpu.memory_space<vmem_shared>>
      tpu.enqueue_dma source(%arg9 : memref<80x128xf32, #tpu.memory_space<vmem>>) target(%dma_start3A_189 : memref<80x128xf32, #tpu.memory_space<vmem_shared>>) target_semaphore(%run_scoped3A : memref<!tpu.dma_semaphore, #tpu.memory_space<semaphore_mem>>)
      %dma_wait3A_190 = arith.constant 0 : i32
      %dma_wait3A_191 = tpu.memref_slice %arg7[%add3A_78, %dma_wait3A_190] : memref<10112x128xf32, #tpu.memory_space<vmem_shared>> -> memref<80x128xf32, #tpu.memory_space<vmem_shared>>
      %dma_wait3A_192 = arith.constant 0 : i32
      %dma_wait3A_193 = tpu.memref_slice %arg7[%add3A_78, %dma_wait3A_192] : memref<10112x128xf32, #tpu.memory_space<vmem_shared>> -> memref<80x128xf32, #tpu.memory_space<vmem_shared>>
      tpu.wait_dma2 semaphore(%run_scoped3A : memref<!tpu.dma_semaphore, #tpu.memory_space<semaphore_mem>>) src(%arg9 : memref<80x128xf32, #tpu.memory_space<vmem>>) dst(%dma_wait3A_193 : memref<80x128xf32, #tpu.memory_space<vmem_shared>>)
      tpu.yield
    }) : () -> ()
    %add3A_79 = arith.constant 240 : i32
    %add3A_80 = arith.addi %mul3A_72, %add3A_79 : i32
    "tpu.region"() ({
      %run_scoped3A = tpu.sem_alloc : memref<!tpu.dma_semaphore, #tpu.memory_space<semaphore_mem>>
      %dma_start3A_186 = arith.constant 0 : i32
      %dma_start3A_187 = tpu.memref_slice %arg7[%add3A_80, %dma_start3A_186] : memref<10112x128xf32, #tpu.memory_space<vmem_shared>> -> memref<80x128xf32, #tpu.memory_space<vmem_shared>>
      %dma_start3A_188 = arith.constant 0 : i32
      %dma_start3A_189 = tpu.memref_slice %arg7[%add3A_80, %dma_start3A_188] : memref<10112x128xf32, #tpu.memory_space<vmem_shared>> -> memref<80x128xf32, #tpu.memory_space<vmem_shared>>
      tpu.enqueue_dma source(%arg9 : memref<80x128xf32, #tpu.memory_space<vmem>>) target(%dma_start3A_189 : memref<80x128xf32, #tpu.memory_space<vmem_shared>>) target_semaphore(%run_scoped3A : memref<!tpu.dma_semaphore, #tpu.memory_space<semaphore_mem>>)
      %dma_wait3A_190 = arith.constant 0 : i32
      %dma_wait3A_191 = tpu.memref_slice %arg7[%add3A_80, %dma_wait3A_190] : memref<10112x128xf32, #tpu.memory_space<vmem_shared>> -> memref<80x128xf32, #tpu.memory_space<vmem_shared>>
      %dma_wait3A_192 = arith.constant 0 : i32
      %dma_wait3A_193 = tpu.memref_slice %arg7[%add3A_80, %dma_wait3A_192] : memref<10112x128xf32, #tpu.memory_space<vmem_shared>> -> memref<80x128xf32, #tpu.memory_space<vmem_shared>>
      tpu.wait_dma2 semaphore(%run_scoped3A : memref<!tpu.dma_semaphore, #tpu.memory_space<semaphore_mem>>) src(%arg9 : memref<80x128xf32, #tpu.memory_space<vmem>>) dst(%dma_wait3A_193 : memref<80x128xf32, #tpu.memory_space<vmem_shared>>)
      tpu.yield
    }) : () -> ()
    %add3A_81 = arith.constant 320 : i32
    %add3A_82 = arith.addi %mul3A_72, %add3A_81 : i32
    "tpu.region"() ({
      %run_scoped3A = tpu.sem_alloc : memref<!tpu.dma_semaphore, #tpu.memory_space<semaphore_mem>>
      %dma_start3A_186 = arith.constant 0 : i32
      %dma_start3A_187 = tpu.memref_slice %arg7[%add3A_82, %dma_start3A_186] : memref<10112x128xf32, #tpu.memory_space<vmem_shared>> -> memref<80x128xf32, #tpu.memory_space<vmem_shared>>
      %dma_start3A_188 = arith.constant 0 : i32
      %dma_start3A_189 = tpu.memref_slice %arg7[%add3A_82, %dma_start3A_188] : memref<10112x128xf32, #tpu.memory_space<vmem_shared>> -> memref<80x128xf32, #tpu.memory_space<vmem_shared>>
      tpu.enqueue_dma source(%arg9 : memref<80x128xf32, #tpu.memory_space<vmem>>) target(%dma_start3A_189 : memref<80x128xf32, #tpu.memory_space<vmem_shared>>) target_semaphore(%run_scoped3A : memref<!tpu.dma_semaphore, #tpu.memory_space<semaphore_mem>>)
      %dma_wait3A_190 = arith.constant 0 : i32
      %dma_wait3A_191 = tpu.memref_slice %arg7[%add3A_82, %dma_wait3A_190] : memref<10112x128xf32, #tpu.memory_space<vmem_shared>> -> memref<80x128xf32, #tpu.memory_space<vmem_shared>>
      %dma_wait3A_192 = arith.constant 0 : i32
      %dma_wait3A_193 = tpu.memref_slice %arg7[%add3A_82, %dma_wait3A_192] : memref<10112x128xf32, #tpu.memory_space<vmem_shared>> -> memref<80x128xf32, #tpu.memory_space<vmem_shared>>
      tpu.wait_dma2 semaphore(%run_scoped3A : memref<!tpu.dma_semaphore, #tpu.memory_space<semaphore_mem>>) src(%arg9 : memref<80x128xf32, #tpu.memory_space<vmem>>) dst(%dma_wait3A_193 : memref<80x128xf32, #tpu.memory_space<vmem_shared>>)
      tpu.yield
    }) : () -> ()
    %add3A_83 = arith.constant 400 : i32
    %add3A_84 = arith.addi %mul3A_72, %add3A_83 : i32
    "tpu.region"() ({
      %run_scoped3A = tpu.sem_alloc : memref<!tpu.dma_semaphore, #tpu.memory_space<semaphore_mem>>
      %dma_start3A_186 = arith.constant 0 : i32
      %dma_start3A_187 = tpu.memref_slice %arg7[%add3A_84, %dma_start3A_186] : memref<10112x128xf32, #tpu.memory_space<vmem_shared>> -> memref<80x128xf32, #tpu.memory_space<vmem_shared>>
      %dma_start3A_188 = arith.constant 0 : i32
      %dma_start3A_189 = tpu.memref_slice %arg7[%add3A_84, %dma_start3A_188] : memref<10112x128xf32, #tpu.memory_space<vmem_shared>> -> memref<80x128xf32, #tpu.memory_space<vmem_shared>>
      tpu.enqueue_dma source(%arg9 : memref<80x128xf32, #tpu.memory_space<vmem>>) target(%dma_start3A_189 : memref<80x128xf32, #tpu.memory_space<vmem_shared>>) target_semaphore(%run_scoped3A : memref<!tpu.dma_semaphore, #tpu.memory_space<semaphore_mem>>)
      %dma_wait3A_190 = arith.constant 0 : i32
      %dma_wait3A_191 = tpu.memref_slice %arg7[%add3A_84, %dma_wait3A_190] : memref<10112x128xf32, #tpu.memory_space<vmem_shared>> -> memref<80x128xf32, #tpu.memory_space<vmem_shared>>
      %dma_wait3A_192 = arith.constant 0 : i32
      %dma_wait3A_193 = tpu.memref_slice %arg7[%add3A_84, %dma_wait3A_192] : memref<10112x128xf32, #tpu.memory_space<vmem_shared>> -> memref<80x128xf32, #tpu.memory_space<vmem_shared>>
      tpu.wait_dma2 semaphore(%run_scoped3A : memref<!tpu.dma_semaphore, #tpu.memory_space<semaphore_mem>>) src(%arg9 : memref<80x128xf32, #tpu.memory_space<vmem>>) dst(%dma_wait3A_193 : memref<80x128xf32, #tpu.memory_space<vmem_shared>>)
      tpu.yield
    }) : () -> ()
    %add3A_85 = arith.constant 480 : i32
    %add3A_86 = arith.addi %mul3A_72, %add3A_85 : i32
    "tpu.region"() ({
      %run_scoped3A = tpu.sem_alloc : memref<!tpu.dma_semaphore, #tpu.memory_space<semaphore_mem>>
      %dma_start3A_186 = arith.constant 0 : i32
      %dma_start3A_187 = tpu.memref_slice %arg7[%add3A_86, %dma_start3A_186] : memref<10112x128xf32, #tpu.memory_space<vmem_shared>> -> memref<80x128xf32, #tpu.memory_space<vmem_shared>>
      %dma_start3A_188 = arith.constant 0 : i32
      %dma_start3A_189 = tpu.memref_slice %arg7[%add3A_86, %dma_start3A_188] : memref<10112x128xf32, #tpu.memory_space<vmem_shared>> -> memref<80x128xf32, #tpu.memory_space<vmem_shared>>
      tpu.enqueue_dma source(%arg9 : memref<80x128xf32, #tpu.memory_space<vmem>>) target(%dma_start3A_189 : memref<80x128xf32, #tpu.memory_space<vmem_shared>>) target_semaphore(%run_scoped3A : memref<!tpu.dma_semaphore, #tpu.memory_space<semaphore_mem>>)
      %dma_wait3A_190 = arith.constant 0 : i32
      %dma_wait3A_191 = tpu.memref_slice %arg7[%add3A_86, %dma_wait3A_190] : memref<10112x128xf32, #tpu.memory_space<vmem_shared>> -> memref<80x128xf32, #tpu.memory_space<vmem_shared>>
      %dma_wait3A_192 = arith.constant 0 : i32
      %dma_wait3A_193 = tpu.memref_slice %arg7[%add3A_86, %dma_wait3A_192] : memref<10112x128xf32, #tpu.memory_space<vmem_shared>> -> memref<80x128xf32, #tpu.memory_space<vmem_shared>>
      tpu.wait_dma2 semaphore(%run_scoped3A : memref<!tpu.dma_semaphore, #tpu.memory_space<semaphore_mem>>) src(%arg9 : memref<80x128xf32, #tpu.memory_space<vmem>>) dst(%dma_wait3A_193 : memref<80x128xf32, #tpu.memory_space<vmem_shared>>)
      tpu.yield
    }) : () -> ()
    %add3A_87 = arith.constant 560 : i32
    %add3A_88 = arith.addi %mul3A_72, %add3A_87 : i32
    "tpu.region"() ({
      %run_scoped3A = tpu.sem_alloc : memref<!tpu.dma_semaphore, #tpu.memory_space<semaphore_mem>>
      %dma_start3A_186 = arith.constant 0 : i32
      %dma_start3A_187 = arith.constant 0 : i32
      %dma_start3A_188 = tpu.memref_slice %arg9[%dma_start3A_186, %dma_start3A_187] : memref<80x128xf32, #tpu.memory_space<vmem>> -> memref<72x128xf32, #tpu.memory_space<vmem>>
      %dma_start3A_189 = arith.constant 0 : i32
      %dma_start3A_190 = tpu.memref_slice %arg7[%add3A_88, %dma_start3A_189] : memref<10112x128xf32, #tpu.memory_space<vmem_shared>> -> memref<72x128xf32, #tpu.memory_space<vmem_shared>>
      %dma_start3A_191 = arith.constant 0 : i32
      %dma_start3A_192 = tpu.memref_slice %arg7[%add3A_88, %dma_start3A_191] : memref<10112x128xf32, #tpu.memory_space<vmem_shared>> -> memref<72x128xf32, #tpu.memory_space<vmem_shared>>
      %dma_start3A_193 = arith.constant 0 : i32
      %dma_start3A_194 = arith.constant 0 : i32
      %dma_start3A_195 = tpu.memref_slice %arg9[%dma_start3A_193, %dma_start3A_194] : memref<80x128xf32, #tpu.memory_space<vmem>> -> memref<72x128xf32, #tpu.memory_space<vmem>>
      tpu.enqueue_dma source(%dma_start3A_195 : memref<72x128xf32, #tpu.memory_space<vmem>>) target(%dma_start3A_192 : memref<72x128xf32, #tpu.memory_space<vmem_shared>>) target_semaphore(%run_scoped3A : memref<!tpu.dma_semaphore, #tpu.memory_space<semaphore_mem>>)
      %dma_wait3A_196 = arith.constant 0 : i32
      %dma_wait3A_197 = arith.constant 0 : i32
      %dma_wait3A_198 = tpu.memref_slice %arg9[%dma_wait3A_196, %dma_wait3A_197] : memref<80x128xf32, #tpu.memory_space<vmem>> -> memref<72x128xf32, #tpu.memory_space<vmem>>
      %dma_wait3A_199 = arith.constant 0 : i32
      %dma_wait3A_200 = tpu.memref_slice %arg7[%add3A_88, %dma_wait3A_199] : memref<10112x128xf32, #tpu.memory_space<vmem_shared>> -> memref<72x128xf32, #tpu.memory_space<vmem_shared>>
      %dma_wait3A_201 = arith.constant 0 : i32
      %dma_wait3A_202 = tpu.memref_slice %arg7[%add3A_88, %dma_wait3A_201] : memref<10112x128xf32, #tpu.memory_space<vmem_shared>> -> memref<72x128xf32, #tpu.memory_space<vmem_shared>>
      %dma_wait3A_203 = arith.constant 0 : i32
      %dma_wait3A_204 = arith.constant 0 : i32
      %dma_wait3A_205 = tpu.memref_slice %arg9[%dma_wait3A_203, %dma_wait3A_204] : memref<80x128xf32, #tpu.memory_space<vmem>> -> memref<72x128xf32, #tpu.memory_space<vmem>>
      tpu.wait_dma2 semaphore(%run_scoped3A : memref<!tpu.dma_semaphore, #tpu.memory_space<semaphore_mem>>) src(%dma_wait3A_205 : memref<72x128xf32, #tpu.memory_space<vmem>>) dst(%dma_wait3A_202 : memref<72x128xf32, #tpu.memory_space<vmem_shared>>)
      tpu.yield
    }) : () -> ()
    %barrier3A = arith.constant 0 : index
    tpu.barrier barrier_id(%barrier3A)
    %rem3A_89 = arith.constant 0 : i32
    %rem3A_90 = arith.constant 16 : i32
    %rem3A_91 = arith.remsi %rem3A_89, %rem3A_90 : i32
    %dma_wait3A = arith.constant 0 : i32
    %dma_wait3A_92 = arith.constant 0 : i32
    %dma_wait3A_93 = tpu.memref_slice %arg8[%rem3A_91, %dma_wait3A_92] : memref<16x80xi32, #tpu.memory_space<vmem>> -> memref<1x80xi32, #tpu.memory_space<vmem>>
    %dma_wait3A_94 = arith.constant 0 : i32
    %dma_wait3A_95 = arith.constant 0 : i32
    %dma_wait3A_96 = tpu.memref_slice %arg2[%add3A, %dma_wait3A, %dma_wait3A_94, %dma_wait3A_95] : memref<32x125x1x80xi32, #tpu.memory_space<hbm>> -> memref<1x1x1x80xi32, #tpu.memory_space<hbm>>
    %dma_wait3A_97 = tpu.memref_squeeze %dma_wait3A_96 : memref<1x1x1x80xi32, #tpu.memory_space<hbm>> -> memref<1x80xi32, #tpu.memory_space<hbm>>
    %dma_wait3A_98 = arith.constant 0 : i32
    %dma_wait3A_99 = tpu.memref_slice %arg8[%rem3A_91, %dma_wait3A_98] : memref<16x80xi32, #tpu.memory_space<vmem>> -> memref<1x80xi32, #tpu.memory_space<vmem>>
    %dma_wait3A_100 = arith.constant 0 : i32
    %dma_wait3A_101 = arith.constant 0 : i32
    %dma_wait3A_102 = tpu.memref_slice %arg2[%add3A, %dma_wait3A, %dma_wait3A_100, %dma_wait3A_101] : memref<32x125x1x80xi32, #tpu.memory_space<hbm>> -> memref<1x1x1x80xi32, #tpu.memory_space<hbm>>
    %dma_wait3A_103 = tpu.memref_squeeze %dma_wait3A_102 : memref<1x1x1x80xi32, #tpu.memory_space<hbm>> -> memref<1x80xi32, #tpu.memory_space<hbm>>
    tpu.wait_dma2 semaphore(%arg15 : memref<!tpu.dma_semaphore, #tpu.memory_space<semaphore_mem>>) src(%dma_wait3A_103 : memref<1x80xi32, #tpu.memory_space<hbm>>) dst(%dma_wait3A_99 : memref<1x80xi32, #tpu.memory_space<vmem>>)
    %add3A_104 = arith.constant 0 : i32
    %add3A_105 = arith.addi %mul3A_2, %add3A_104 : i32
    %dma_start3A_106 = arith.constant 0 : i32
    %dma_start3A_107 = tpu.memref_slice %arg4[%add3A_105, %dma_start3A_106] : memref<320000x128xf32, #tpu.memory_space<hbm>> -> memref<80x128xf32, #tpu.memory_space<hbm>>
    %dma_start3A_108 = arith.constant 0 : i32
    %dma_start3A_109 = tpu.memref_slice %arg4[%add3A_105, %dma_start3A_108] : memref<320000x128xf32, #tpu.memory_space<hbm>> -> memref<80x128xf32, #tpu.memory_space<hbm>>
    tpu.enqueue_dma source(%dma_start3A_109 : memref<80x128xf32, #tpu.memory_space<hbm>>) target(%arg9 : memref<80x128xf32, #tpu.memory_space<vmem>>) target_semaphore(%arg17 : memref<!tpu.dma_semaphore, #tpu.memory_space<semaphore_mem>>)
    %rem3A_110 = arith.constant 0 : i32
    %rem3A_111 = arith.constant 16 : i32
    %rem3A_112 = arith.remsi %rem3A_110, %rem3A_111 : i32
    %dma_start3A_113 = arith.constant 0 : i32
    %dma_start3A_114 = tpu.memref_slice %arg8[%rem3A_112, %dma_start3A_113] : memref<16x80xi32, #tpu.memory_space<vmem>> -> memref<1x80xi32, #tpu.memory_space<vmem>>
    %dma_start3A_115 = tpu.memref_squeeze %dma_start3A_114 : memref<1x80xi32, #tpu.memory_space<vmem>> -> memref<80xi32, #tpu.memory_space<vmem>>
    %dma_start3A_116 = arith.constant 0 : i32
    %dma_start3A_117 = arith.constant 0 : i32
    %dma_start3A_118 = tpu.memref_slice %arg5[%dma_start3A_116, %dma_start3A_117] : memref<10000x128xf32, #tpu.memory_space<hbm>> -> memref<10000x128xf32, #tpu.memory_space<hbm>>
    tpu.enqueue_indirect_dma source(%dma_start3A_118 : memref<10000x128xf32, #tpu.memory_space<hbm>>) target(%arg11 : memref<80x128xf32, #tpu.memory_space<vmem>>) offsets(%dma_start3A_115 : memref<80xi32, #tpu.memory_space<vmem>>) semaphore(%arg18 : memref<!tpu.dma_semaphore, #tpu.memory_space<semaphore_mem>>)
    %dma_start3A_119 = arith.constant 0 : i32
    %dma_start3A_120 = arith.constant 0 : i32
    %dma_start3A_121 = arith.constant 0 : i32
    %dma_start3A_122 = tpu.memref_slice %arg3[%add3A, %dma_start3A_119, %dma_start3A_120, %dma_start3A_121] : memref<32x125x1x80xi32, #tpu.memory_space<hbm>> -> memref<1x1x1x80xi32, #tpu.memory_space<hbm>>
    %dma_start3A_123 = tpu.memref_squeeze %dma_start3A_122 : memref<1x1x1x80xi32, #tpu.memory_space<hbm>> -> memref<1x80xi32, #tpu.memory_space<hbm>>
    %dma_start3A_124 = arith.constant 0 : i32
    %dma_start3A_125 = arith.constant 0 : i32
    %dma_start3A_126 = tpu.memref_slice %arg3[%add3A, %dma_start3A_119, %dma_start3A_124, %dma_start3A_125] : memref<32x125x1x80xi32, #tpu.memory_space<hbm>> -> memref<1x1x1x80xi32, #tpu.memory_space<hbm>>
    %dma_start3A_127 = tpu.memref_squeeze %dma_start3A_126 : memref<1x1x1x80xi32, #tpu.memory_space<hbm>> -> memref<1x80xi32, #tpu.memory_space<hbm>>
    tpu.enqueue_dma source(%dma_start3A_127 : memref<1x80xi32, #tpu.memory_space<hbm>>) target(%arg13 : memref<1x80xi32, #tpu.memory_space<vmem>>) target_semaphore(%arg16 : memref<!tpu.dma_semaphore, #tpu.memory_space<semaphore_mem>>)
    %scan3A_128 = arith.constant 0 : i32
    %scan3A_129 = arith.constant 0 : i32
    %scan3A_130 = arith.constant 62 : i32
    %scan3A_131 = arith.addi %scan3A_129, %scan3A_130 : i32
    %scan3A_132 = arith.constant 1 : i32
    scf.for %scan3A_186 = %scan3A_129 to %scan3A_131 step %scan3A_132  : i32 {
      %mul3A_187 = arith.constant 2 : i32
      %mul3A_188 = arith.muli %mul3A_187, %scan3A_186 : i32
      %add3A_189 = arith.constant 1 : i32
      %add3A_190 = arith.addi %mul3A_188, %add3A_189 : i32
      %gt3A = arith.constant 0 : i32
      %gt3A_191 = arith.cmpi sgt, %scan3A_186, %gt3A : i32
      %convert_element_type3A = arith.extui %gt3A_191 : i1 to i32
      %cond3A = arith.constant 0 : i32
      %cond3A_192 = arith.cmpi ne, %convert_element_type3A, %cond3A : i32
      scf.if %cond3A_192 {
        %dma_wait3A_363 = arith.constant 0 : i32
        %dma_wait3A_364 = arith.constant 0 : i32
        %dma_wait3A_365 = tpu.memref_slice %arg14[%dma_wait3A_363, %dma_wait3A_364] : memref<1x80xi32, #tpu.memory_space<vmem>> -> memref<1x80xi32, #tpu.memory_space<vmem>>
        %dma_wait3A_366 = tpu.memref_squeeze %dma_wait3A_365 : memref<1x80xi32, #tpu.memory_space<vmem>> -> memref<80xi32, #tpu.memory_space<vmem>>
        %dma_wait3A_367 = arith.constant 0 : i32
        %dma_wait3A_368 = arith.constant 0 : i32
        %dma_wait3A_369 = tpu.memref_slice %arg7[%dma_wait3A_367, %dma_wait3A_368] : memref<10112x128xf32, #tpu.memory_space<vmem_shared>> -> memref<10112x128xf32, #tpu.memory_space<vmem_shared>>
        tpu.wait_indirect_dma semaphore(%arg19 : memref<!tpu.dma_semaphore, #tpu.memory_space<semaphore_mem>>) src(%arg10 : memref<80x128xf32, #tpu.memory_space<vmem>>) dst(%dma_wait3A_369 : memref<10112x128xf32, #tpu.memory_space<vmem_shared>>)
      } else {
      }
      %rem3A_193 = arith.constant 16 : i32
      %rem3A_194 = arith.remsi %add3A_190, %rem3A_193 : i32
      %dma_wait3A_195 = arith.constant 0 : i32
      %dma_wait3A_196 = tpu.memref_slice %arg8[%rem3A_194, %dma_wait3A_195] : memref<16x80xi32, #tpu.memory_space<vmem>> -> memref<1x80xi32, #tpu.memory_space<vmem>>
      %dma_wait3A_197 = arith.constant 0 : i32
      %dma_wait3A_198 = arith.constant 0 : i32
      %dma_wait3A_199 = tpu.memref_slice %arg2[%add3A, %add3A_190, %dma_wait3A_197, %dma_wait3A_198] : memref<32x125x1x80xi32, #tpu.memory_space<hbm>> -> memref<1x1x1x80xi32, #tpu.memory_space<hbm>>
      %dma_wait3A_200 = tpu.memref_squeeze %dma_wait3A_199 : memref<1x1x1x80xi32, #tpu.memory_space<hbm>> -> memref<1x80xi32, #tpu.memory_space<hbm>>
      %dma_wait3A_201 = arith.constant 0 : i32
      %dma_wait3A_202 = tpu.memref_slice %arg8[%rem3A_194, %dma_wait3A_201] : memref<16x80xi32, #tpu.memory_space<vmem>> -> memref<1x80xi32, #tpu.memory_space<vmem>>
      %dma_wait3A_203 = arith.constant 0 : i32
      %dma_wait3A_204 = arith.constant 0 : i32
      %dma_wait3A_205 = tpu.memref_slice %arg2[%add3A, %add3A_190, %dma_wait3A_203, %dma_wait3A_204] : memref<32x125x1x80xi32, #tpu.memory_space<hbm>> -> memref<1x1x1x80xi32, #tpu.memory_space<hbm>>
      %dma_wait3A_206 = tpu.memref_squeeze %dma_wait3A_205 : memref<1x1x1x80xi32, #tpu.memory_space<hbm>> -> memref<1x80xi32, #tpu.memory_space<hbm>>
      tpu.wait_dma2 semaphore(%arg15 : memref<!tpu.dma_semaphore, #tpu.memory_space<semaphore_mem>>) src(%dma_wait3A_206 : memref<1x80xi32, #tpu.memory_space<hbm>>) dst(%dma_wait3A_202 : memref<1x80xi32, #tpu.memory_space<vmem>>)
      %mul3A_207 = arith.constant 80 : i32
      %mul3A_208 = arith.muli %add3A_190, %mul3A_207 : i32
      %add3A_209 = arith.addi %mul3A_2, %mul3A_208 : i32
      %dma_start3A_210 = arith.constant 0 : i32
      %dma_start3A_211 = tpu.memref_slice %arg4[%add3A_209, %dma_start3A_210] : memref<320000x128xf32, #tpu.memory_space<hbm>> -> memref<80x128xf32, #tpu.memory_space<hbm>>
      %dma_start3A_212 = arith.constant 0 : i32
      %dma_start3A_213 = tpu.memref_slice %arg4[%add3A_209, %dma_start3A_212] : memref<320000x128xf32, #tpu.memory_space<hbm>> -> memref<80x128xf32, #tpu.memory_space<hbm>>
      tpu.enqueue_dma source(%dma_start3A_213 : memref<80x128xf32, #tpu.memory_space<hbm>>) target(%arg10 : memref<80x128xf32, #tpu.memory_space<vmem>>) target_semaphore(%arg17 : memref<!tpu.dma_semaphore, #tpu.memory_space<semaphore_mem>>)
      %rem3A_214 = arith.constant 16 : i32
      %rem3A_215 = arith.remsi %add3A_190, %rem3A_214 : i32
      %dma_start3A_216 = arith.constant 0 : i32
      %dma_start3A_217 = tpu.memref_slice %arg8[%rem3A_215, %dma_start3A_216] : memref<16x80xi32, #tpu.memory_space<vmem>> -> memref<1x80xi32, #tpu.memory_space<vmem>>
      %dma_start3A_218 = tpu.memref_squeeze %dma_start3A_217 : memref<1x80xi32, #tpu.memory_space<vmem>> -> memref<80xi32, #tpu.memory_space<vmem>>
      %dma_start3A_219 = arith.constant 0 : i32
      %dma_start3A_220 = arith.constant 0 : i32
      %dma_start3A_221 = tpu.memref_slice %arg5[%dma_start3A_219, %dma_start3A_220] : memref<10000x128xf32, #tpu.memory_space<hbm>> -> memref<10000x128xf32, #tpu.memory_space<hbm>>
      tpu.enqueue_indirect_dma source(%dma_start3A_221 : memref<10000x128xf32, #tpu.memory_space<hbm>>) target(%arg12 : memref<80x128xf32, #tpu.memory_space<vmem>>) offsets(%dma_start3A_218 : memref<80xi32, #tpu.memory_space<vmem>>) semaphore(%arg18 : memref<!tpu.dma_semaphore, #tpu.memory_space<semaphore_mem>>)
      %dma_start3A_222 = arith.constant 0 : i32
      %dma_start3A_223 = arith.constant 0 : i32
      %dma_start3A_224 = tpu.memref_slice %arg3[%add3A, %add3A_190, %dma_start3A_222, %dma_start3A_223] : memref<32x125x1x80xi32, #tpu.memory_space<hbm>> -> memref<1x1x1x80xi32, #tpu.memory_space<hbm>>
      %dma_start3A_225 = tpu.memref_squeeze %dma_start3A_224 : memref<1x1x1x80xi32, #tpu.memory_space<hbm>> -> memref<1x80xi32, #tpu.memory_space<hbm>>
      %dma_start3A_226 = arith.constant 0 : i32
      %dma_start3A_227 = arith.constant 0 : i32
      %dma_start3A_228 = tpu.memref_slice %arg3[%add3A, %add3A_190, %dma_start3A_226, %dma_start3A_227] : memref<32x125x1x80xi32, #tpu.memory_space<hbm>> -> memref<1x1x1x80xi32, #tpu.memory_space<hbm>>
      %dma_start3A_229 = tpu.memref_squeeze %dma_start3A_228 : memref<1x1x1x80xi32, #tpu.memory_space<hbm>> -> memref<1x80xi32, #tpu.memory_space<hbm>>
      tpu.enqueue_dma source(%dma_start3A_229 : memref<1x80xi32, #tpu.memory_space<hbm>>) target(%arg14 : memref<1x80xi32, #tpu.memory_space<vmem>>) target_semaphore(%arg16 : memref<!tpu.dma_semaphore, #tpu.memory_space<semaphore_mem>>)
      %add3A_230 = arith.constant 4 : i32
      %add3A_231 = arith.addi %mul3A_188, %add3A_230 : i32
      %lt3A = arith.constant 125 : i32
      %lt3A_232 = arith.cmpi slt, %add3A_231, %lt3A : i32
      %convert_element_type3A_233 = arith.extui %lt3A_232 : i1 to i32
      %cond3A_234 = arith.constant 0 : i32
      %cond3A_235 = arith.cmpi ne, %convert_element_type3A_233, %cond3A_234 : i32
      scf.if %cond3A_235 {
        %add3A_363 = arith.constant 4 : i32
        %add3A_364 = arith.addi %mul3A_188, %add3A_363 : i32
        %rem3A_365 = arith.constant 16 : i32
        %rem3A_366 = arith.remsi %add3A_364, %rem3A_365 : i32
        %dma_start3A_367 = arith.constant 0 : i32
        %dma_start3A_368 = tpu.memref_slice %arg8[%rem3A_366, %dma_start3A_367] : memref<16x80xi32, #tpu.memory_space<vmem>> -> memref<1x80xi32, #tpu.memory_space<vmem>>
        %dma_start3A_369 = arith.constant 0 : i32
        %dma_start3A_370 = arith.constant 0 : i32
        %dma_start3A_371 = tpu.memref_slice %arg2[%add3A, %add3A_364, %dma_start3A_369, %dma_start3A_370] : memref<32x125x1x80xi32, #tpu.memory_space<hbm>> -> memref<1x1x1x80xi32, #tpu.memory_space<hbm>>
        %dma_start3A_372 = tpu.memref_squeeze %dma_start3A_371 : memref<1x1x1x80xi32, #tpu.memory_space<hbm>> -> memref<1x80xi32, #tpu.memory_space<hbm>>
        %dma_start3A_373 = arith.constant 0 : i32
        %dma_start3A_374 = tpu.memref_slice %arg8[%rem3A_366, %dma_start3A_373] : memref<16x80xi32, #tpu.memory_space<vmem>> -> memref<1x80xi32, #tpu.memory_space<vmem>>
        %dma_start3A_375 = arith.constant 0 : i32
        %dma_start3A_376 = arith.constant 0 : i32
        %dma_start3A_377 = tpu.memref_slice %arg2[%add3A, %add3A_364, %dma_start3A_375, %dma_start3A_376] : memref<32x125x1x80xi32, #tpu.memory_space<hbm>> -> memref<1x1x1x80xi32, #tpu.memory_space<hbm>>
        %dma_start3A_378 = tpu.memref_squeeze %dma_start3A_377 : memref<1x1x1x80xi32, #tpu.memory_space<hbm>> -> memref<1x80xi32, #tpu.memory_space<hbm>>
        tpu.enqueue_dma source(%dma_start3A_378 : memref<1x80xi32, #tpu.memory_space<hbm>>) target(%dma_start3A_374 : memref<1x80xi32, #tpu.memory_space<vmem>>) target_semaphore(%arg15 : memref<!tpu.dma_semaphore, #tpu.memory_space<semaphore_mem>>)
      } else {
      }
      %add3A_236 = arith.constant 5 : i32
      %add3A_237 = arith.addi %mul3A_188, %add3A_236 : i32
      %lt3A_238 = arith.constant 125 : i32
      %lt3A_239 = arith.cmpi slt, %add3A_237, %lt3A_238 : i32
      %convert_element_type3A_240 = arith.extui %lt3A_239 : i1 to i32
      %cond3A_241 = arith.constant 0 : i32
      %cond3A_242 = arith.cmpi ne, %convert_element_type3A_240, %cond3A_241 : i32
      scf.if %cond3A_242 {
        %add3A_363 = arith.constant 5 : i32
        %add3A_364 = arith.addi %mul3A_188, %add3A_363 : i32
        %rem3A_365 = arith.constant 16 : i32
        %rem3A_366 = arith.remsi %add3A_364, %rem3A_365 : i32
        %dma_start3A_367 = arith.constant 0 : i32
        %dma_start3A_368 = tpu.memref_slice %arg8[%rem3A_366, %dma_start3A_367] : memref<16x80xi32, #tpu.memory_space<vmem>> -> memref<1x80xi32, #tpu.memory_space<vmem>>
        %dma_start3A_369 = arith.constant 0 : i32
        %dma_start3A_370 = arith.constant 0 : i32
        %dma_start3A_371 = tpu.memref_slice %arg2[%add3A, %add3A_364, %dma_start3A_369, %dma_start3A_370] : memref<32x125x1x80xi32, #tpu.memory_space<hbm>> -> memref<1x1x1x80xi32, #tpu.memory_space<hbm>>
        %dma_start3A_372 = tpu.memref_squeeze %dma_start3A_371 : memref<1x1x1x80xi32, #tpu.memory_space<hbm>> -> memref<1x80xi32, #tpu.memory_space<hbm>>
        %dma_start3A_373 = arith.constant 0 : i32
        %dma_start3A_374 = tpu.memref_slice %arg8[%rem3A_366, %dma_start3A_373] : memref<16x80xi32, #tpu.memory_space<vmem>> -> memref<1x80xi32, #tpu.memory_space<vmem>>
        %dma_start3A_375 = arith.constant 0 : i32
        %dma_start3A_376 = arith.constant 0 : i32
        %dma_start3A_377 = tpu.memref_slice %arg2[%add3A, %add3A_364, %dma_start3A_375, %dma_start3A_376] : memref<32x125x1x80xi32, #tpu.memory_space<hbm>> -> memref<1x1x1x80xi32, #tpu.memory_space<hbm>>
        %dma_start3A_378 = tpu.memref_squeeze %dma_start3A_377 : memref<1x1x1x80xi32, #tpu.memory_space<hbm>> -> memref<1x80xi32, #tpu.memory_space<hbm>>
        tpu.enqueue_dma source(%dma_start3A_378 : memref<1x80xi32, #tpu.memory_space<hbm>>) target(%dma_start3A_374 : memref<1x80xi32, #tpu.memory_space<vmem>>) target_semaphore(%arg15 : memref<!tpu.dma_semaphore, #tpu.memory_space<semaphore_mem>>)
      } else {
      }
      %mul3A_243 = arith.constant 80 : i32
      %mul3A_244 = arith.muli %mul3A_188, %mul3A_243 : i32
      %add3A_245 = arith.addi %mul3A_2, %mul3A_244 : i32
      %dma_wait3A_246 = arith.constant 0 : i32
      %dma_wait3A_247 = tpu.memref_slice %arg4[%add3A_245, %dma_wait3A_246] : memref<320000x128xf32, #tpu.memory_space<hbm>> -> memref<80x128xf32, #tpu.memory_space<hbm>>
      %dma_wait3A_248 = arith.constant 0 : i32
      %dma_wait3A_249 = tpu.memref_slice %arg4[%add3A_245, %dma_wait3A_248] : memref<320000x128xf32, #tpu.memory_space<hbm>> -> memref<80x128xf32, #tpu.memory_space<hbm>>
      tpu.wait_dma2 semaphore(%arg17 : memref<!tpu.dma_semaphore, #tpu.memory_space<semaphore_mem>>) src(%dma_wait3A_249 : memref<80x128xf32, #tpu.memory_space<hbm>>) dst(%arg9 : memref<80x128xf32, #tpu.memory_space<vmem>>)
      %rem3A_250 = arith.constant 16 : i32
      %rem3A_251 = arith.remsi %mul3A_188, %rem3A_250 : i32
      %dma_wait3A_252 = arith.constant 0 : i32
      %dma_wait3A_253 = tpu.memref_slice %arg8[%rem3A_251, %dma_wait3A_252] : memref<16x80xi32, #tpu.memory_space<vmem>> -> memref<1x80xi32, #tpu.memory_space<vmem>>
      %dma_wait3A_254 = tpu.memref_squeeze %dma_wait3A_253 : memref<1x80xi32, #tpu.memory_space<vmem>> -> memref<80xi32, #tpu.memory_space<vmem>>
      %dma_wait3A_255 = arith.constant 0 : i32
      %dma_wait3A_256 = arith.constant 0 : i32
      %dma_wait3A_257 = tpu.memref_slice %arg5[%dma_wait3A_255, %dma_wait3A_256] : memref<10000x128xf32, #tpu.memory_space<hbm>> -> memref<10000x128xf32, #tpu.memory_space<hbm>>
      tpu.wait_indirect_dma semaphore(%arg18 : memref<!tpu.dma_semaphore, #tpu.memory_space<semaphore_mem>>) src(%dma_wait3A_257 : memref<10000x128xf32, #tpu.memory_space<hbm>>) dst(%arg11 : memref<80x128xf32, #tpu.memory_space<vmem>>)
      %scan3A_258 = arith.constant 0 : i32
      %scan3A_259 = arith.constant 0 : i32
      %scan3A_260 = arith.constant 80 : i32
      %scan3A_261 = arith.addi %scan3A_259, %scan3A_260 : i32
      %scan3A_262 = arith.constant 1 : i32
      scf.for %scan3A_363 = %scan3A_259 to %scan3A_261 step %scan3A_262  : i32 {
        %get3A = arith.index_cast %scan3A_363 : i32 to index
        %get3A_364 = arith.constant 0 : index
        %get3A_365 = tpu.vector_load %arg9[%get3A, %get3A_364] {strides = array<i32>} : memref<80x128xf32, #tpu.memory_space<vmem>>, vector<1x16xf32>,
        %get3A_366 = vector.shape_cast %get3A_365 : vector<1x16xf32> to vector<16xf32>
        %get3A_367 = arith.index_cast %scan3A_363 : i32 to index
        %get3A_368 = arith.constant 0 : index
        %get3A_369 = tpu.vector_load %arg11[%get3A_367, %get3A_368] {strides = array<i32>} : memref<80x128xf32, #tpu.memory_space<vmem>>, vector<1x16xf32>,
        %get3A_370 = vector.shape_cast %get3A_369 : vector<1x16xf32> to vector<16xf32>
        %add3A_371 = arith.addf %get3A_366, %get3A_370 : vector<16xf32>
        %max3A = arith.constant 0.000000e+00 : f32
        %max3A_372 = vector.broadcast %max3A : f32 to vector<16xf32>
        %max3A_373 = arith.maximumf %add3A_371, %max3A_372 : vector<16xf32>
        %swap3A = arith.index_cast %scan3A_363 : i32 to index
        %swap3A_374 = arith.constant 0 : index
        %swap3A_375 = tpu.vector_load %arg9[%swap3A, %swap3A_374] {strides = array<i32>} : memref<80x128xf32, #tpu.memory_space<vmem>>, vector<1x16xf32>,
        %swap3A_376 = vector.shape_cast %swap3A_375 : vector<1x16xf32> to vector<16xf32>
        %swap3A_377 = vector.shape_cast %max3A_373 : vector<16xf32> to vector<1x16xf32>
        tpu.vector_store %arg9[%swap3A, %swap3A_374], %swap3A_377 {strides = array<i32>} : memref<80x128xf32, #tpu.memory_space<vmem>>, vector<1x16xf32>,
        %get3A_378 = arith.index_cast %scan3A_363 : i32 to index
        %get3A_379 = arith.constant 16 : index
        %get3A_380 = tpu.vector_load %arg9[%get3A_378, %get3A_379] {strides = array<i32>} : memref<80x128xf32, #tpu.memory_space<vmem>>, vector<1x16xf32>,
        %get3A_381 = vector.shape_cast %get3A_380 : vector<1x16xf32> to vector<16xf32>
        %get3A_382 = arith.index_cast %scan3A_363 : i32 to index
        %get3A_383 = arith.constant 16 : index
        %get3A_384 = tpu.vector_load %arg11[%get3A_382, %get3A_383] {strides = array<i32>} : memref<80x128xf32, #tpu.memory_space<vmem>>, vector<1x16xf32>,
        %get3A_385 = vector.shape_cast %get3A_384 : vector<1x16xf32> to vector<16xf32>
        %add3A_386 = arith.addf %get3A_381, %get3A_385 : vector<16xf32>
        %max3A_387 = arith.constant 0.000000e+00 : f32
        %max3A_388 = vector.broadcast %max3A_387 : f32 to vector<16xf32>
        %max3A_389 = arith.maximumf %add3A_386, %max3A_388 : vector<16xf32>
        %swap3A_390 = arith.index_cast %scan3A_363 : i32 to index
        %swap3A_391 = arith.constant 16 : index
        %swap3A_392 = tpu.vector_load %arg9[%swap3A_390, %swap3A_391] {strides = array<i32>} : memref<80x128xf32, #tpu.memory_space<vmem>>, vector<1x16xf32>,
        %swap3A_393 = vector.shape_cast %swap3A_392 : vector<1x16xf32> to vector<16xf32>
        %swap3A_394 = vector.shape_cast %max3A_389 : vector<16xf32> to vector<1x16xf32>
        tpu.vector_store %arg9[%swap3A_390, %swap3A_391], %swap3A_394 {strides = array<i32>} : memref<80x128xf32, #tpu.memory_space<vmem>>, vector<1x16xf32>,
        %get3A_395 = arith.index_cast %scan3A_363 : i32 to index
        %get3A_396 = arith.constant 32 : index
        %get3A_397 = tpu.vector_load %arg9[%get3A_395, %get3A_396] {strides = array<i32>} : memref<80x128xf32, #tpu.memory_space<vmem>>, vector<1x16xf32>,
        %get3A_398 = vector.shape_cast %get3A_397 : vector<1x16xf32> to vector<16xf32>
        %get3A_399 = arith.index_cast %scan3A_363 : i32 to index
        %get3A_400 = arith.constant 32 : index
        %get3A_401 = tpu.vector_load %arg11[%get3A_399, %get3A_400] {strides = array<i32>} : memref<80x128xf32, #tpu.memory_space<vmem>>, vector<1x16xf32>,
        %get3A_402 = vector.shape_cast %get3A_401 : vector<1x16xf32> to vector<16xf32>
        %add3A_403 = arith.addf %get3A_398, %get3A_402 : vector<16xf32>
        %max3A_404 = arith.constant 0.000000e+00 : f32
        %max3A_405 = vector.broadcast %max3A_404 : f32 to vector<16xf32>
        %max3A_406 = arith.maximumf %add3A_403, %max3A_405 : vector<16xf32>
        %swap3A_407 = arith.index_cast %scan3A_363 : i32 to index
        %swap3A_408 = arith.constant 32 : index
        %swap3A_409 = tpu.vector_load %arg9[%swap3A_407, %swap3A_408] {strides = array<i32>} : memref<80x128xf32, #tpu.memory_space<vmem>>, vector<1x16xf32>,
        %swap3A_410 = vector.shape_cast %swap3A_409 : vector<1x16xf32> to vector<16xf32>
        %swap3A_411 = vector.shape_cast %max3A_406 : vector<16xf32> to vector<1x16xf32>
        tpu.vector_store %arg9[%swap3A_407, %swap3A_408], %swap3A_411 {strides = array<i32>} : memref<80x128xf32, #tpu.memory_space<vmem>>, vector<1x16xf32>,
        %get3A_412 = arith.index_cast %scan3A_363 : i32 to index
        %get3A_413 = arith.constant 48 : index
        %get3A_414 = tpu.vector_load %arg9[%get3A_412, %get3A_413] {strides = array<i32>} : memref<80x128xf32, #tpu.memory_space<vmem>>, vector<1x16xf32>,
        %get3A_415 = vector.shape_cast %get3A_414 : vector<1x16xf32> to vector<16xf32>
        %get3A_416 = arith.index_cast %scan3A_363 : i32 to index
        %get3A_417 = arith.constant 48 : index
        %get3A_418 = tpu.vector_load %arg11[%get3A_416, %get3A_417] {strides = array<i32>} : memref<80x128xf32, #tpu.memory_space<vmem>>, vector<1x16xf32>,
        %get3A_419 = vector.shape_cast %get3A_418 : vector<1x16xf32> to vector<16xf32>
        %add3A_420 = arith.addf %get3A_415, %get3A_419 : vector<16xf32>
        %max3A_421 = arith.constant 0.000000e+00 : f32
        %max3A_422 = vector.broadcast %max3A_421 : f32 to vector<16xf32>
        %max3A_423 = arith.maximumf %add3A_420, %max3A_422 : vector<16xf32>
        %swap3A_424 = arith.index_cast %scan3A_363 : i32 to index
        %swap3A_425 = arith.constant 48 : index
        %swap3A_426 = tpu.vector_load %arg9[%swap3A_424, %swap3A_425] {strides = array<i32>} : memref<80x128xf32, #tpu.memory_space<vmem>>, vector<1x16xf32>,
        %swap3A_427 = vector.shape_cast %swap3A_426 : vector<1x16xf32> to vector<16xf32>
        %swap3A_428 = vector.shape_cast %max3A_423 : vector<16xf32> to vector<1x16xf32>
        tpu.vector_store %arg9[%swap3A_424, %swap3A_425], %swap3A_428 {strides = array<i32>} : memref<80x128xf32, #tpu.memory_space<vmem>>, vector<1x16xf32>,
        %get3A_429 = arith.index_cast %scan3A_363 : i32 to index
        %get3A_430 = arith.constant 64 : index
        %get3A_431 = tpu.vector_load %arg9[%get3A_429, %get3A_430] {strides = array<i32>} : memref<80x128xf32, #tpu.memory_space<vmem>>, vector<1x16xf32>,
        %get3A_432 = vector.shape_cast %get3A_431 : vector<1x16xf32> to vector<16xf32>
        %get3A_433 = arith.index_cast %scan3A_363 : i32 to index
        %get3A_434 = arith.constant 64 : index
        %get3A_435 = tpu.vector_load %arg11[%get3A_433, %get3A_434] {strides = array<i32>} : memref<80x128xf32, #tpu.memory_space<vmem>>, vector<1x16xf32>,
        %get3A_436 = vector.shape_cast %get3A_435 : vector<1x16xf32> to vector<16xf32>
        %add3A_437 = arith.addf %get3A_432, %get3A_436 : vector<16xf32>
        %max3A_438 = arith.constant 0.000000e+00 : f32
        %max3A_439 = vector.broadcast %max3A_438 : f32 to vector<16xf32>
        %max3A_440 = arith.maximumf %add3A_437, %max3A_439 : vector<16xf32>
        %swap3A_441 = arith.index_cast %scan3A_363 : i32 to index
        %swap3A_442 = arith.constant 64 : index
        %swap3A_443 = tpu.vector_load %arg9[%swap3A_441, %swap3A_442] {strides = array<i32>} : memref<80x128xf32, #tpu.memory_space<vmem>>, vector<1x16xf32>,
        %swap3A_444 = vector.shape_cast %swap3A_443 : vector<1x16xf32> to vector<16xf32>
        %swap3A_445 = vector.shape_cast %max3A_440 : vector<16xf32> to vector<1x16xf32>
        tpu.vector_store %arg9[%swap3A_441, %swap3A_442], %swap3A_445 {strides = array<i32>} : memref<80x128xf32, #tpu.memory_space<vmem>>, vector<1x16xf32>,
        %get3A_446 = arith.index_cast %scan3A_363 : i32 to index
        %get3A_447 = arith.constant 80 : index
        %get3A_448 = tpu.vector_load %arg9[%get3A_446, %get3A_447] {strides = array<i32>} : memref<80x128xf32, #tpu.memory_space<vmem>>, vector<1x16xf32>,
        %get3A_449 = vector.shape_cast %get3A_448 : vector<1x16xf32> to vector<16xf32>
        %get3A_450 = arith.index_cast %scan3A_363 : i32 to index
        %get3A_451 = arith.constant 80 : index
        %get3A_452 = tpu.vector_load %arg11[%get3A_450, %get3A_451] {strides = array<i32>} : memref<80x128xf32, #tpu.memory_space<vmem>>, vector<1x16xf32>,
        %get3A_453 = vector.shape_cast %get3A_452 : vector<1x16xf32> to vector<16xf32>
        %add3A_454 = arith.addf %get3A_449, %get3A_453 : vector<16xf32>
        %max3A_455 = arith.constant 0.000000e+00 : f32
        %max3A_456 = vector.broadcast %max3A_455 : f32 to vector<16xf32>
        %max3A_457 = arith.maximumf %add3A_454, %max3A_456 : vector<16xf32>
        %swap3A_458 = arith.index_cast %scan3A_363 : i32 to index
        %swap3A_459 = arith.constant 80 : index
        %swap3A_460 = tpu.vector_load %arg9[%swap3A_458, %swap3A_459] {strides = array<i32>} : memref<80x128xf32, #tpu.memory_space<vmem>>, vector<1x16xf32>,
        %swap3A_461 = vector.shape_cast %swap3A_460 : vector<1x16xf32> to vector<16xf32>
        %swap3A_462 = vector.shape_cast %max3A_457 : vector<16xf32> to vector<1x16xf32>
        tpu.vector_store %arg9[%swap3A_458, %swap3A_459], %swap3A_462 {strides = array<i32>} : memref<80x128xf32, #tpu.memory_space<vmem>>, vector<1x16xf32>,
        %get3A_463 = arith.index_cast %scan3A_363 : i32 to index
        %get3A_464 = arith.constant 96 : index
        %get3A_465 = tpu.vector_load %arg9[%get3A_463, %get3A_464] {strides = array<i32>} : memref<80x128xf32, #tpu.memory_space<vmem>>, vector<1x16xf32>,
        %get3A_466 = vector.shape_cast %get3A_465 : vector<1x16xf32> to vector<16xf32>
        %get3A_467 = arith.index_cast %scan3A_363 : i32 to index
        %get3A_468 = arith.constant 96 : index
        %get3A_469 = tpu.vector_load %arg11[%get3A_467, %get3A_468] {strides = array<i32>} : memref<80x128xf32, #tpu.memory_space<vmem>>, vector<1x16xf32>,
        %get3A_470 = vector.shape_cast %get3A_469 : vector<1x16xf32> to vector<16xf32>
        %add3A_471 = arith.addf %get3A_466, %get3A_470 : vector<16xf32>
        %max3A_472 = arith.constant 0.000000e+00 : f32
        %max3A_473 = vector.broadcast %max3A_472 : f32 to vector<16xf32>
        %max3A_474 = arith.maximumf %add3A_471, %max3A_473 : vector<16xf32>
        %swap3A_475 = arith.index_cast %scan3A_363 : i32 to index
        %swap3A_476 = arith.constant 96 : index
        %swap3A_477 = tpu.vector_load %arg9[%swap3A_475, %swap3A_476] {strides = array<i32>} : memref<80x128xf32, #tpu.memory_space<vmem>>, vector<1x16xf32>,
        %swap3A_478 = vector.shape_cast %swap3A_477 : vector<1x16xf32> to vector<16xf32>
        %swap3A_479 = vector.shape_cast %max3A_474 : vector<16xf32> to vector<1x16xf32>
        tpu.vector_store %arg9[%swap3A_475, %swap3A_476], %swap3A_479 {strides = array<i32>} : memref<80x128xf32, #tpu.memory_space<vmem>>, vector<1x16xf32>,
        %get3A_480 = arith.index_cast %scan3A_363 : i32 to index
        %get3A_481 = arith.constant 112 : index
        %get3A_482 = tpu.vector_load %arg9[%get3A_480, %get3A_481] {strides = array<i32>} : memref<80x128xf32, #tpu.memory_space<vmem>>, vector<1x16xf32>,
        %get3A_483 = vector.shape_cast %get3A_482 : vector<1x16xf32> to vector<16xf32>
        %get3A_484 = arith.index_cast %scan3A_363 : i32 to index
        %get3A_485 = arith.constant 112 : index
        %get3A_486 = tpu.vector_load %arg11[%get3A_484, %get3A_485] {strides = array<i32>} : memref<80x128xf32, #tpu.memory_space<vmem>>, vector<1x16xf32>,
        %get3A_487 = vector.shape_cast %get3A_486 : vector<1x16xf32> to vector<16xf32>
        %add3A_488 = arith.addf %get3A_483, %get3A_487 : vector<16xf32>
        %max3A_489 = arith.constant 0.000000e+00 : f32
        %max3A_490 = vector.broadcast %max3A_489 : f32 to vector<16xf32>
        %max3A_491 = arith.maximumf %add3A_488, %max3A_490 : vector<16xf32>
        %swap3A_492 = arith.index_cast %scan3A_363 : i32 to index
        %swap3A_493 = arith.constant 112 : index
        %swap3A_494 = tpu.vector_load %arg9[%swap3A_492, %swap3A_493] {strides = array<i32>} : memref<80x128xf32, #tpu.memory_space<vmem>>, vector<1x16xf32>,
        %swap3A_495 = vector.shape_cast %swap3A_494 : vector<1x16xf32> to vector<16xf32>
        %swap3A_496 = vector.shape_cast %max3A_491 : vector<16xf32> to vector<1x16xf32>
        tpu.vector_store %arg9[%swap3A_492, %swap3A_493], %swap3A_496 {strides = array<i32>} : memref<80x128xf32, #tpu.memory_space<vmem>>, vector<1x16xf32>,
      }
      %scan3A_263 = arith.constant 80 : i32
      %dma_wait3A_264 = arith.constant 0 : i32
      %dma_wait3A_265 = arith.constant 0 : i32
      %dma_wait3A_266 = tpu.memref_slice %arg3[%add3A, %mul3A_188, %dma_wait3A_264, %dma_wait3A_265] : memref<32x125x1x80xi32, #tpu.memory_space<hbm>> -> memref<1x1x1x80xi32, #tpu.memory_space<hbm>>
      %dma_wait3A_267 = tpu.memref_squeeze %dma_wait3A_266 : memref<1x1x1x80xi32, #tpu.memory_space<hbm>> -> memref<1x80xi32, #tpu.memory_space<hbm>>
      %dma_wait3A_268 = arith.constant 0 : i32
      %dma_wait3A_269 = arith.constant 0 : i32
      %dma_wait3A_270 = tpu.memref_slice %arg3[%add3A, %mul3A_188, %dma_wait3A_268, %dma_wait3A_269] : memref<32x125x1x80xi32, #tpu.memory_space<hbm>> -> memref<1x1x1x80xi32, #tpu.memory_space<hbm>>
      %dma_wait3A_271 = tpu.memref_squeeze %dma_wait3A_270 : memref<1x1x1x80xi32, #tpu.memory_space<hbm>> -> memref<1x80xi32, #tpu.memory_space<hbm>>
      tpu.wait_dma2 semaphore(%arg16 : memref<!tpu.dma_semaphore, #tpu.memory_space<semaphore_mem>>) src(%dma_wait3A_271 : memref<1x80xi32, #tpu.memory_space<hbm>>) dst(%arg13 : memref<1x80xi32, #tpu.memory_space<vmem>>)
      %dma_start3A_272 = arith.constant 0 : i32
      %dma_start3A_273 = arith.constant 0 : i32
      %dma_start3A_274 = tpu.memref_slice %arg13[%dma_start3A_272, %dma_start3A_273] : memref<1x80xi32, #tpu.memory_space<vmem>> -> memref<1x80xi32, #tpu.memory_space<vmem>>
      %dma_start3A_275 = tpu.memref_squeeze %dma_start3A_274 : memref<1x80xi32, #tpu.memory_space<vmem>> -> memref<80xi32, #tpu.memory_space<vmem>>
      %dma_start3A_276 = arith.constant 0 : i32
      %dma_start3A_277 = arith.constant 0 : i32
      %dma_start3A_278 = tpu.memref_slice %arg7[%dma_start3A_276, %dma_start3A_277] : memref<10112x128xf32, #tpu.memory_space<vmem_shared>> -> memref<10112x128xf32, #tpu.memory_space<vmem_shared>>
      tpu.enqueue_indirect_dma source(%arg9 : memref<80x128xf32, #tpu.memory_space<vmem>>) target(%dma_start3A_278 : memref<10112x128xf32, #tpu.memory_space<vmem_shared>>) offsets(%dma_start3A_275 : memref<80xi32, #tpu.memory_space<vmem>>) semaphore(%arg19 : memref<!tpu.dma_semaphore, #tpu.memory_space<semaphore_mem>>) {add = true}
      %dma_wait3A_279 = arith.constant 0 : i32
      %dma_wait3A_280 = arith.constant 0 : i32
      %dma_wait3A_281 = tpu.memref_slice %arg13[%dma_wait3A_279, %dma_wait3A_280] : memref<1x80xi32, #tpu.memory_space<vmem>> -> memref<1x80xi32, #tpu.memory_space<vmem>>
      %dma_wait3A_282 = tpu.memref_squeeze %dma_wait3A_281 : memref<1x80xi32, #tpu.memory_space<vmem>> -> memref<80xi32, #tpu.memory_space<vmem>>
      %dma_wait3A_283 = arith.constant 0 : i32
      %dma_wait3A_284 = arith.constant 0 : i32
      %dma_wait3A_285 = tpu.memref_slice %arg7[%dma_wait3A_283, %dma_wait3A_284] : memref<10112x128xf32, #tpu.memory_space<vmem_shared>> -> memref<10112x128xf32, #tpu.memory_space<vmem_shared>>
      tpu.wait_indirect_dma semaphore(%arg19 : memref<!tpu.dma_semaphore, #tpu.memory_space<semaphore_mem>>) src(%arg9 : memref<80x128xf32, #tpu.memory_space<vmem>>) dst(%dma_wait3A_285 : memref<10112x128xf32, #tpu.memory_space<vmem_shared>>)
      %add3A_286 = arith.constant 2 : i32
      %add3A_287 = arith.addi %mul3A_188, %add3A_286 : i32
      %rem3A_288 = arith.constant 16 : i32
      %rem3A_289 = arith.remsi %add3A_287, %rem3A_288 : i32
      %dma_wait3A_290 = arith.constant 0 : i32
      %dma_wait3A_291 = tpu.memref_slice %arg8[%rem3A_289, %dma_wait3A_290] : memref<16x80xi32, #tpu.memory_space<vmem>> -> memref<1x80xi32, #tpu.memory_space<vmem>>
      %dma_wait3A_292 = arith.constant 0 : i32
      %dma_wait3A_293 = arith.constant 0 : i32
      %dma_wait3A_294 = tpu.memref_slice %arg2[%add3A, %add3A_287, %dma_wait3A_292, %dma_wait3A_293] : memref<32x125x1x80xi32, #tpu.memory_space<hbm>> -> memref<1x1x1x80xi32, #tpu.memory_space<hbm>>
      %dma_wait3A_295 = tpu.memref_squeeze %dma_wait3A_294 : memref<1x1x1x80xi32, #tpu.memory_space<hbm>> -> memref<1x80xi32, #tpu.memory_space<hbm>>
      %dma_wait3A_296 = arith.constant 0 : i32
      %dma_wait3A_297 = tpu.memref_slice %arg8[%rem3A_289, %dma_wait3A_296] : memref<16x80xi32, #tpu.memory_space<vmem>> -> memref<1x80xi32, #tpu.memory_space<vmem>>
      %dma_wait3A_298 = arith.constant 0 : i32
      %dma_wait3A_299 = arith.constant 0 : i32
      %dma_wait3A_300 = tpu.memref_slice %arg2[%add3A, %add3A_287, %dma_wait3A_298, %dma_wait3A_299] : memref<32x125x1x80xi32, #tpu.memory_space<hbm>> -> memref<1x1x1x80xi32, #tpu.memory_space<hbm>>
      %dma_wait3A_301 = tpu.memref_squeeze %dma_wait3A_300 : memref<1x1x1x80xi32, #tpu.memory_space<hbm>> -> memref<1x80xi32, #tpu.memory_space<hbm>>
      tpu.wait_dma2 semaphore(%arg15 : memref<!tpu.dma_semaphore, #tpu.memory_space<semaphore_mem>>) src(%dma_wait3A_301 : memref<1x80xi32, #tpu.memory_space<hbm>>) dst(%dma_wait3A_297 : memref<1x80xi32, #tpu.memory_space<vmem>>)
      %add3A_302 = arith.constant 2 : i32
      %add3A_303 = arith.addi %mul3A_188, %add3A_302 : i32
      %mul3A_304 = arith.constant 80 : i32
      %mul3A_305 = arith.muli %add3A_303, %mul3A_304 : i32
      %add3A_306 = arith.addi %mul3A_2, %mul3A_305 : i32
      %dma_start3A_307 = arith.constant 0 : i32
      %dma_start3A_308 = tpu.memref_slice %arg4[%add3A_306, %dma_start3A_307] : memref<320000x128xf32, #tpu.memory_space<hbm>> -> memref<80x128xf32, #tpu.memory_space<hbm>>
      %dma_start3A_309 = arith.constant 0 : i32
      %dma_start3A_310 = tpu.memref_slice %arg4[%add3A_306, %dma_start3A_309] : memref<320000x128xf32, #tpu.memory_space<hbm>> -> memref<80x128xf32, #tpu.memory_space<hbm>>
      tpu.enqueue_dma source(%dma_start3A_310 : memref<80x128xf32, #tpu.memory_space<hbm>>) target(%arg9 : memref<80x128xf32, #tpu.memory_space<vmem>>) target_semaphore(%arg17 : memref<!tpu.dma_semaphore, #tpu.memory_space<semaphore_mem>>)
      %rem3A_311 = arith.constant 16 : i32
      %rem3A_312 = arith.remsi %add3A_303, %rem3A_311 : i32
      %dma_start3A_313 = arith.constant 0 : i32
      %dma_start3A_314 = tpu.memref_slice %arg8[%rem3A_312, %dma_start3A_313] : memref<16x80xi32, #tpu.memory_space<vmem>> -> memref<1x80xi32, #tpu.memory_space<vmem>>
      %dma_start3A_315 = tpu.memref_squeeze %dma_start3A_314 : memref<1x80xi32, #tpu.memory_space<vmem>> -> memref<80xi32, #tpu.memory_space<vmem>>
      %dma_start3A_316 = arith.constant 0 : i32
      %dma_start3A_317 = arith.constant 0 : i32
      %dma_start3A_318 = tpu.memref_slice %arg5[%dma_start3A_316, %dma_start3A_317] : memref<10000x128xf32, #tpu.memory_space<hbm>> -> memref<10000x128xf32, #tpu.memory_space<hbm>>
      tpu.enqueue_indirect_dma source(%dma_start3A_318 : memref<10000x128xf32, #tpu.memory_space<hbm>>) target(%arg11 : memref<80x128xf32, #tpu.memory_space<vmem>>) offsets(%dma_start3A_315 : memref<80xi32, #tpu.memory_space<vmem>>) semaphore(%arg18 : memref<!tpu.dma_semaphore, #tpu.memory_space<semaphore_mem>>)
      %dma_start3A_319 = arith.constant 0 : i32
      %dma_start3A_320 = arith.constant 0 : i32
      %dma_start3A_321 = tpu.memref_slice %arg3[%add3A, %add3A_303, %dma_start3A_319, %dma_start3A_320] : memref<32x125x1x80xi32, #tpu.memory_space<hbm>> -> memref<1x1x1x80xi32, #tpu.memory_space<hbm>>
      %dma_start3A_322 = tpu.memref_squeeze %dma_start3A_321 : memref<1x1x1x80xi32, #tpu.memory_space<hbm>> -> memref<1x80xi32, #tpu.memory_space<hbm>>
      %dma_start3A_323 = arith.constant 0 : i32
      %dma_start3A_324 = arith.constant 0 : i32
      %dma_start3A_325 = tpu.memref_slice %arg3[%add3A, %add3A_303, %dma_start3A_323, %dma_start3A_324] : memref<32x125x1x80xi32, #tpu.memory_space<hbm>> -> memref<1x1x1x80xi32, #tpu.memory_space<hbm>>
      %dma_start3A_326 = tpu.memref_squeeze %dma_start3A_325 : memref<1x1x1x80xi32, #tpu.memory_space<hbm>> -> memref<1x80xi32, #tpu.memory_space<hbm>>
      tpu.enqueue_dma source(%dma_start3A_326 : memref<1x80xi32, #tpu.memory_space<hbm>>) target(%arg13 : memref<1x80xi32, #tpu.memory_space<vmem>>) target_semaphore(%arg16 : memref<!tpu.dma_semaphore, #tpu.memory_space<semaphore_mem>>)
      %mul3A_327 = arith.constant 80 : i32
      %mul3A_328 = arith.muli %add3A_190, %mul3A_327 : i32
      %add3A_329 = arith.addi %mul3A_2, %mul3A_328 : i32
      %dma_wait3A_330 = arith.constant 0 : i32
      %dma_wait3A_331 = tpu.memref_slice %arg4[%add3A_329, %dma_wait3A_330] : memref<320000x128xf32, #tpu.memory_space<hbm>> -> memref<80x128xf32, #tpu.memory_space<hbm>>
      %dma_wait3A_332 = arith.constant 0 : i32
      %dma_wait3A_333 = tpu.memref_slice %arg4[%add3A_329, %dma_wait3A_332] : memref<320000x128xf32, #tpu.memory_space<hbm>> -> memref<80x128xf32, #tpu.memory_space<hbm>>
      tpu.wait_dma2 semaphore(%arg17 : memref<!tpu.dma_semaphore, #tpu.memory_space<semaphore_mem>>) src(%dma_wait3A_333 : memref<80x128xf32, #tpu.memory_space<hbm>>) dst(%arg10 : memref<80x128xf32, #tpu.memory_space<vmem>>)
      %rem3A_334 = arith.constant 16 : i32
      %rem3A_335 = arith.remsi %add3A_190, %rem3A_334 : i32
      %dma_wait3A_336 = arith.constant 0 : i32
      %dma_wait3A_337 = tpu.memref_slice %arg8[%rem3A_335, %dma_wait3A_336] : memref<16x80xi32, #tpu.memory_space<vmem>> -> memref<1x80xi32, #tpu.memory_space<vmem>>
      %dma_wait3A_338 = tpu.memref_squeeze %dma_wait3A_337 : memref<1x80xi32, #tpu.memory_space<vmem>> -> memref<80xi32, #tpu.memory_space<vmem>>
      %dma_wait3A_339 = arith.constant 0 : i32
      %dma_wait3A_340 = arith.constant 0 : i32
      %dma_wait3A_341 = tpu.memref_slice %arg5[%dma_wait3A_339, %dma_wait3A_340] : memref<10000x128xf32, #tpu.memory_space<hbm>> -> memref<10000x128xf32, #tpu.memory_space<hbm>>
      tpu.wait_indirect_dma semaphore(%arg18 : memref<!tpu.dma_semaphore, #tpu.memory_space<semaphore_mem>>) src(%dma_wait3A_341 : memref<10000x128xf32, #tpu.memory_space<hbm>>) dst(%arg12 : memref<80x128xf32, #tpu.memory_space<vmem>>)
      %scan3A_342 = arith.constant 0 : i32
      %scan3A_343 = arith.constant 0 : i32
      %scan3A_344 = arith.constant 80 : i32
      %scan3A_345 = arith.addi %scan3A_343, %scan3A_344 : i32
      %scan3A_346 = arith.constant 1 : i32
      scf.for %scan3A_363 = %scan3A_343 to %scan3A_345 step %scan3A_346  : i32 {
        %get3A = arith.index_cast %scan3A_363 : i32 to index
        %get3A_364 = arith.constant 0 : index
        %get3A_365 = tpu.vector_load %arg10[%get3A, %get3A_364] {strides = array<i32>} : memref<80x128xf32, #tpu.memory_space<vmem>>, vector<1x16xf32>,
        %get3A_366 = vector.shape_cast %get3A_365 : vector<1x16xf32> to vector<16xf32>
        %get3A_367 = arith.index_cast %scan3A_363 : i32 to index
        %get3A_368 = arith.constant 0 : index
        %get3A_369 = tpu.vector_load %arg12[%get3A_367, %get3A_368] {strides = array<i32>} : memref<80x128xf32, #tpu.memory_space<vmem>>, vector<1x16xf32>,
        %get3A_370 = vector.shape_cast %get3A_369 : vector<1x16xf32> to vector<16xf32>
        %add3A_371 = arith.addf %get3A_366, %get3A_370 : vector<16xf32>
        %max3A = arith.constant 0.000000e+00 : f32
        %max3A_372 = vector.broadcast %max3A : f32 to vector<16xf32>
        %max3A_373 = arith.maximumf %add3A_371, %max3A_372 : vector<16xf32>
        %swap3A = arith.index_cast %scan3A_363 : i32 to index
        %swap3A_374 = arith.constant 0 : index
        %swap3A_375 = tpu.vector_load %arg10[%swap3A, %swap3A_374] {strides = array<i32>} : memref<80x128xf32, #tpu.memory_space<vmem>>, vector<1x16xf32>,
        %swap3A_376 = vector.shape_cast %swap3A_375 : vector<1x16xf32> to vector<16xf32>
        %swap3A_377 = vector.shape_cast %max3A_373 : vector<16xf32> to vector<1x16xf32>
        tpu.vector_store %arg10[%swap3A, %swap3A_374], %swap3A_377 {strides = array<i32>} : memref<80x128xf32, #tpu.memory_space<vmem>>, vector<1x16xf32>,
        %get3A_378 = arith.index_cast %scan3A_363 : i32 to index
        %get3A_379 = arith.constant 16 : index
        %get3A_380 = tpu.vector_load %arg10[%get3A_378, %get3A_379] {strides = array<i32>} : memref<80x128xf32, #tpu.memory_space<vmem>>, vector<1x16xf32>,
        %get3A_381 = vector.shape_cast %get3A_380 : vector<1x16xf32> to vector<16xf32>
        %get3A_382 = arith.index_cast %scan3A_363 : i32 to index
        %get3A_383 = arith.constant 16 : index
        %get3A_384 = tpu.vector_load %arg12[%get3A_382, %get3A_383] {strides = array<i32>} : memref<80x128xf32, #tpu.memory_space<vmem>>, vector<1x16xf32>,
        %get3A_385 = vector.shape_cast %get3A_384 : vector<1x16xf32> to vector<16xf32>
        %add3A_386 = arith.addf %get3A_381, %get3A_385 : vector<16xf32>
        %max3A_387 = arith.constant 0.000000e+00 : f32
        %max3A_388 = vector.broadcast %max3A_387 : f32 to vector<16xf32>
        %max3A_389 = arith.maximumf %add3A_386, %max3A_388 : vector<16xf32>
        %swap3A_390 = arith.index_cast %scan3A_363 : i32 to index
        %swap3A_391 = arith.constant 16 : index
        %swap3A_392 = tpu.vector_load %arg10[%swap3A_390, %swap3A_391] {strides = array<i32>} : memref<80x128xf32, #tpu.memory_space<vmem>>, vector<1x16xf32>,
        %swap3A_393 = vector.shape_cast %swap3A_392 : vector<1x16xf32> to vector<16xf32>
        %swap3A_394 = vector.shape_cast %max3A_389 : vector<16xf32> to vector<1x16xf32>
        tpu.vector_store %arg10[%swap3A_390, %swap3A_391], %swap3A_394 {strides = array<i32>} : memref<80x128xf32, #tpu.memory_space<vmem>>, vector<1x16xf32>,
        %get3A_395 = arith.index_cast %scan3A_363 : i32 to index
        %get3A_396 = arith.constant 32 : index
        %get3A_397 = tpu.vector_load %arg10[%get3A_395, %get3A_396] {strides = array<i32>} : memref<80x128xf32, #tpu.memory_space<vmem>>, vector<1x16xf32>,
        %get3A_398 = vector.shape_cast %get3A_397 : vector<1x16xf32> to vector<16xf32>
        %get3A_399 = arith.index_cast %scan3A_363 : i32 to index
        %get3A_400 = arith.constant 32 : index
        %get3A_401 = tpu.vector_load %arg12[%get3A_399, %get3A_400] {strides = array<i32>} : memref<80x128xf32, #tpu.memory_space<vmem>>, vector<1x16xf32>,
        %get3A_402 = vector.shape_cast %get3A_401 : vector<1x16xf32> to vector<16xf32>
        %add3A_403 = arith.addf %get3A_398, %get3A_402 : vector<16xf32>
        %max3A_404 = arith.constant 0.000000e+00 : f32
        %max3A_405 = vector.broadcast %max3A_404 : f32 to vector<16xf32>
        %max3A_406 = arith.maximumf %add3A_403, %max3A_405 : vector<16xf32>
        %swap3A_407 = arith.index_cast %scan3A_363 : i32 to index
        %swap3A_408 = arith.constant 32 : index
        %swap3A_409 = tpu.vector_load %arg10[%swap3A_407, %swap3A_408] {strides = array<i32>} : memref<80x128xf32, #tpu.memory_space<vmem>>, vector<1x16xf32>,
        %swap3A_410 = vector.shape_cast %swap3A_409 : vector<1x16xf32> to vector<16xf32>
        %swap3A_411 = vector.shape_cast %max3A_406 : vector<16xf32> to vector<1x16xf32>
        tpu.vector_store %arg10[%swap3A_407, %swap3A_408], %swap3A_411 {strides = array<i32>} : memref<80x128xf32, #tpu.memory_space<vmem>>, vector<1x16xf32>,
        %get3A_412 = arith.index_cast %scan3A_363 : i32 to index
        %get3A_413 = arith.constant 48 : index
        %get3A_414 = tpu.vector_load %arg10[%get3A_412, %get3A_413] {strides = array<i32>} : memref<80x128xf32, #tpu.memory_space<vmem>>, vector<1x16xf32>,
        %get3A_415 = vector.shape_cast %get3A_414 : vector<1x16xf32> to vector<16xf32>
        %get3A_416 = arith.index_cast %scan3A_363 : i32 to index
        %get3A_417 = arith.constant 48 : index
        %get3A_418 = tpu.vector_load %arg12[%get3A_416, %get3A_417] {strides = array<i32>} : memref<80x128xf32, #tpu.memory_space<vmem>>, vector<1x16xf32>,
        %get3A_419 = vector.shape_cast %get3A_418 : vector<1x16xf32> to vector<16xf32>
        %add3A_420 = arith.addf %get3A_415, %get3A_419 : vector<16xf32>
        %max3A_421 = arith.constant 0.000000e+00 : f32
        %max3A_422 = vector.broadcast %max3A_421 : f32 to vector<16xf32>
        %max3A_423 = arith.maximumf %add3A_420, %max3A_422 : vector<16xf32>
        %swap3A_424 = arith.index_cast %scan3A_363 : i32 to index
        %swap3A_425 = arith.constant 48 : index
        %swap3A_426 = tpu.vector_load %arg10[%swap3A_424, %swap3A_425] {strides = array<i32>} : memref<80x128xf32, #tpu.memory_space<vmem>>, vector<1x16xf32>,
        %swap3A_427 = vector.shape_cast %swap3A_426 : vector<1x16xf32> to vector<16xf32>
        %swap3A_428 = vector.shape_cast %max3A_423 : vector<16xf32> to vector<1x16xf32>
        tpu.vector_store %arg10[%swap3A_424, %swap3A_425], %swap3A_428 {strides = array<i32>} : memref<80x128xf32, #tpu.memory_space<vmem>>, vector<1x16xf32>,
        %get3A_429 = arith.index_cast %scan3A_363 : i32 to index
        %get3A_430 = arith.constant 64 : index
        %get3A_431 = tpu.vector_load %arg10[%get3A_429, %get3A_430] {strides = array<i32>} : memref<80x128xf32, #tpu.memory_space<vmem>>, vector<1x16xf32>,
        %get3A_432 = vector.shape_cast %get3A_431 : vector<1x16xf32> to vector<16xf32>
        %get3A_433 = arith.index_cast %scan3A_363 : i32 to index
        %get3A_434 = arith.constant 64 : index
        %get3A_435 = tpu.vector_load %arg12[%get3A_433, %get3A_434] {strides = array<i32>} : memref<80x128xf32, #tpu.memory_space<vmem>>, vector<1x16xf32>,
        %get3A_436 = vector.shape_cast %get3A_435 : vector<1x16xf32> to vector<16xf32>
        %add3A_437 = arith.addf %get3A_432, %get3A_436 : vector<16xf32>
        %max3A_438 = arith.constant 0.000000e+00 : f32
        %max3A_439 = vector.broadcast %max3A_438 : f32 to vector<16xf32>
        %max3A_440 = arith.maximumf %add3A_437, %max3A_439 : vector<16xf32>
        %swap3A_441 = arith.index_cast %scan3A_363 : i32 to index
        %swap3A_442 = arith.constant 64 : index
        %swap3A_443 = tpu.vector_load %arg10[%swap3A_441, %swap3A_442] {strides = array<i32>} : memref<80x128xf32, #tpu.memory_space<vmem>>, vector<1x16xf32>,
        %swap3A_444 = vector.shape_cast %swap3A_443 : vector<1x16xf32> to vector<16xf32>
        %swap3A_445 = vector.shape_cast %max3A_440 : vector<16xf32> to vector<1x16xf32>
        tpu.vector_store %arg10[%swap3A_441, %swap3A_442], %swap3A_445 {strides = array<i32>} : memref<80x128xf32, #tpu.memory_space<vmem>>, vector<1x16xf32>,
        %get3A_446 = arith.index_cast %scan3A_363 : i32 to index
        %get3A_447 = arith.constant 80 : index
        %get3A_448 = tpu.vector_load %arg10[%get3A_446, %get3A_447] {strides = array<i32>} : memref<80x128xf32, #tpu.memory_space<vmem>>, vector<1x16xf32>,
        %get3A_449 = vector.shape_cast %get3A_448 : vector<1x16xf32> to vector<16xf32>
        %get3A_450 = arith.index_cast %scan3A_363 : i32 to index
        %get3A_451 = arith.constant 80 : index
        %get3A_452 = tpu.vector_load %arg12[%get3A_450, %get3A_451] {strides = array<i32>} : memref<80x128xf32, #tpu.memory_space<vmem>>, vector<1x16xf32>,
        %get3A_453 = vector.shape_cast %get3A_452 : vector<1x16xf32> to vector<16xf32>
        %add3A_454 = arith.addf %get3A_449, %get3A_453 : vector<16xf32>
        %max3A_455 = arith.constant 0.000000e+00 : f32
        %max3A_456 = vector.broadcast %max3A_455 : f32 to vector<16xf32>
        %max3A_457 = arith.maximumf %add3A_454, %max3A_456 : vector<16xf32>
        %swap3A_458 = arith.index_cast %scan3A_363 : i32 to index
        %swap3A_459 = arith.constant 80 : index
        %swap3A_460 = tpu.vector_load %arg10[%swap3A_458, %swap3A_459] {strides = array<i32>} : memref<80x128xf32, #tpu.memory_space<vmem>>, vector<1x16xf32>,
        %swap3A_461 = vector.shape_cast %swap3A_460 : vector<1x16xf32> to vector<16xf32>
        %swap3A_462 = vector.shape_cast %max3A_457 : vector<16xf32> to vector<1x16xf32>
        tpu.vector_store %arg10[%swap3A_458, %swap3A_459], %swap3A_462 {strides = array<i32>} : memref<80x128xf32, #tpu.memory_space<vmem>>, vector<1x16xf32>,
        %get3A_463 = arith.index_cast %scan3A_363 : i32 to index
        %get3A_464 = arith.constant 96 : index
        %get3A_465 = tpu.vector_load %arg10[%get3A_463, %get3A_464] {strides = array<i32>} : memref<80x128xf32, #tpu.memory_space<vmem>>, vector<1x16xf32>,
        %get3A_466 = vector.shape_cast %get3A_465 : vector<1x16xf32> to vector<16xf32>
        %get3A_467 = arith.index_cast %scan3A_363 : i32 to index
        %get3A_468 = arith.constant 96 : index
        %get3A_469 = tpu.vector_load %arg12[%get3A_467, %get3A_468] {strides = array<i32>} : memref<80x128xf32, #tpu.memory_space<vmem>>, vector<1x16xf32>,
        %get3A_470 = vector.shape_cast %get3A_469 : vector<1x16xf32> to vector<16xf32>
        %add3A_471 = arith.addf %get3A_466, %get3A_470 : vector<16xf32>
        %max3A_472 = arith.constant 0.000000e+00 : f32
        %max3A_473 = vector.broadcast %max3A_472 : f32 to vector<16xf32>
        %max3A_474 = arith.maximumf %add3A_471, %max3A_473 : vector<16xf32>
        %swap3A_475 = arith.index_cast %scan3A_363 : i32 to index
        %swap3A_476 = arith.constant 96 : index
        %swap3A_477 = tpu.vector_load %arg10[%swap3A_475, %swap3A_476] {strides = array<i32>} : memref<80x128xf32, #tpu.memory_space<vmem>>, vector<1x16xf32>,
        %swap3A_478 = vector.shape_cast %swap3A_477 : vector<1x16xf32> to vector<16xf32>
        %swap3A_479 = vector.shape_cast %max3A_474 : vector<16xf32> to vector<1x16xf32>
        tpu.vector_store %arg10[%swap3A_475, %swap3A_476], %swap3A_479 {strides = array<i32>} : memref<80x128xf32, #tpu.memory_space<vmem>>, vector<1x16xf32>,
        %get3A_480 = arith.index_cast %scan3A_363 : i32 to index
        %get3A_481 = arith.constant 112 : index
        %get3A_482 = tpu.vector_load %arg10[%get3A_480, %get3A_481] {strides = array<i32>} : memref<80x128xf32, #tpu.memory_space<vmem>>, vector<1x16xf32>,
        %get3A_483 = vector.shape_cast %get3A_482 : vector<1x16xf32> to vector<16xf32>
        %get3A_484 = arith.index_cast %scan3A_363 : i32 to index
        %get3A_485 = arith.constant 112 : index
        %get3A_486 = tpu.vector_load %arg12[%get3A_484, %get3A_485] {strides = array<i32>} : memref<80x128xf32, #tpu.memory_space<vmem>>, vector<1x16xf32>,
        %get3A_487 = vector.shape_cast %get3A_486 : vector<1x16xf32> to vector<16xf32>
        %add3A_488 = arith.addf %get3A_483, %get3A_487 : vector<16xf32>
        %max3A_489 = arith.constant 0.000000e+00 : f32
        %max3A_490 = vector.broadcast %max3A_489 : f32 to vector<16xf32>
        %max3A_491 = arith.maximumf %add3A_488, %max3A_490 : vector<16xf32>
        %swap3A_492 = arith.index_cast %scan3A_363 : i32 to index
        %swap3A_493 = arith.constant 112 : index
        %swap3A_494 = tpu.vector_load %arg10[%swap3A_492, %swap3A_493] {strides = array<i32>} : memref<80x128xf32, #tpu.memory_space<vmem>>, vector<1x16xf32>,
        %swap3A_495 = vector.shape_cast %swap3A_494 : vector<1x16xf32> to vector<16xf32>
        %swap3A_496 = vector.shape_cast %max3A_491 : vector<16xf32> to vector<1x16xf32>
        tpu.vector_store %arg10[%swap3A_492, %swap3A_493], %swap3A_496 {strides = array<i32>} : memref<80x128xf32, #tpu.memory_space<vmem>>, vector<1x16xf32>,
      }
      %scan3A_347 = arith.constant 80 : i32
      %dma_wait3A_348 = arith.constant 0 : i32
      %dma_wait3A_349 = arith.constant 0 : i32
      %dma_wait3A_350 = tpu.memref_slice %arg3[%add3A, %add3A_190, %dma_wait3A_348, %dma_wait3A_349] : memref<32x125x1x80xi32, #tpu.memory_space<hbm>> -> memref<1x1x1x80xi32, #tpu.memory_space<hbm>>
      %dma_wait3A_351 = tpu.memref_squeeze %dma_wait3A_350 : memref<1x1x1x80xi32, #tpu.memory_space<hbm>> -> memref<1x80xi32, #tpu.memory_space<hbm>>
      %dma_wait3A_352 = arith.constant 0 : i32
      %dma_wait3A_353 = arith.constant 0 : i32
      %dma_wait3A_354 = tpu.memref_slice %arg3[%add3A, %add3A_190, %dma_wait3A_352, %dma_wait3A_353] : memref<32x125x1x80xi32, #tpu.memory_space<hbm>> -> memref<1x1x1x80xi32, #tpu.memory_space<hbm>>
      %dma_wait3A_355 = tpu.memref_squeeze %dma_wait3A_354 : memref<1x1x1x80xi32, #tpu.memory_space<hbm>> -> memref<1x80xi32, #tpu.memory_space<hbm>>
      tpu.wait_dma2 semaphore(%arg16 : memref<!tpu.dma_semaphore, #tpu.memory_space<semaphore_mem>>) src(%dma_wait3A_355 : memref<1x80xi32, #tpu.memory_space<hbm>>) dst(%arg14 : memref<1x80xi32, #tpu.memory_space<vmem>>)
      %dma_start3A_356 = arith.constant 0 : i32
      %dma_start3A_357 = arith.constant 0 : i32
      %dma_start3A_358 = tpu.memref_slice %arg14[%dma_start3A_356, %dma_start3A_357] : memref<1x80xi32, #tpu.memory_space<vmem>> -> memref<1x80xi32, #tpu.memory_space<vmem>>
      %dma_start3A_359 = tpu.memref_squeeze %dma_start3A_358 : memref<1x80xi32, #tpu.memory_space<vmem>> -> memref<80xi32, #tpu.memory_space<vmem>>
      %dma_start3A_360 = arith.constant 0 : i32
      %dma_start3A_361 = arith.constant 0 : i32
      %dma_start3A_362 = tpu.memref_slice %arg7[%dma_start3A_360, %dma_start3A_361] : memref<10112x128xf32, #tpu.memory_space<vmem_shared>> -> memref<10112x128xf32, #tpu.memory_space<vmem_shared>>
      tpu.enqueue_indirect_dma source(%arg10 : memref<80x128xf32, #tpu.memory_space<vmem>>) target(%dma_start3A_362 : memref<10112x128xf32, #tpu.memory_space<vmem_shared>>) offsets(%dma_start3A_359 : memref<80xi32, #tpu.memory_space<vmem>>) semaphore(%arg19 : memref<!tpu.dma_semaphore, #tpu.memory_space<semaphore_mem>>) {add = true}
    }
    %scan3A_133 = arith.constant 62 : i32
    %dma_wait3A_134 = arith.constant 0 : i32
    %dma_wait3A_135 = arith.constant 0 : i32
    %dma_wait3A_136 = tpu.memref_slice %arg14[%dma_wait3A_134, %dma_wait3A_135] : memref<1x80xi32, #tpu.memory_space<vmem>> -> memref<1x80xi32, #tpu.memory_space<vmem>>
    %dma_wait3A_137 = tpu.memref_squeeze %dma_wait3A_136 : memref<1x80xi32, #tpu.memory_space<vmem>> -> memref<80xi32, #tpu.memory_space<vmem>>
    %dma_wait3A_138 = arith.constant 0 : i32
    %dma_wait3A_139 = arith.constant 0 : i32
    %dma_wait3A_140 = tpu.memref_slice %arg7[%dma_wait3A_138, %dma_wait3A_139] : memref<10112x128xf32, #tpu.memory_space<vmem_shared>> -> memref<10112x128xf32, #tpu.memory_space<vmem_shared>>
    tpu.wait_indirect_dma semaphore(%arg19 : memref<!tpu.dma_semaphore, #tpu.memory_space<semaphore_mem>>) src(%arg10 : memref<80x128xf32, #tpu.memory_space<vmem>>) dst(%dma_wait3A_140 : memref<10112x128xf32, #tpu.memory_space<vmem_shared>>)
    %add3A_141 = arith.constant 9920 : i32
    %add3A_142 = arith.addi %mul3A_2, %add3A_141 : i32
    %dma_wait3A_143 = arith.constant 0 : i32
    %dma_wait3A_144 = tpu.memref_slice %arg4[%add3A_142, %dma_wait3A_143] : memref<320000x128xf32, #tpu.memory_space<hbm>> -> memref<80x128xf32, #tpu.memory_space<hbm>>
    %dma_wait3A_145 = arith.constant 0 : i32
    %dma_wait3A_146 = tpu.memref_slice %arg4[%add3A_142, %dma_wait3A_145] : memref<320000x128xf32, #tpu.memory_space<hbm>> -> memref<80x128xf32, #tpu.memory_space<hbm>>
    tpu.wait_dma2 semaphore(%arg17 : memref<!tpu.dma_semaphore, #tpu.memory_space<semaphore_mem>>) src(%dma_wait3A_146 : memref<80x128xf32, #tpu.memory_space<hbm>>) dst(%arg9 : memref<80x128xf32, #tpu.memory_space<vmem>>)
    %rem3A_147 = arith.constant 124 : i32
    %rem3A_148 = arith.constant 16 : i32
    %rem3A_149 = arith.remsi %rem3A_147, %rem3A_148 : i32
    %dma_wait3A_150 = arith.constant 0 : i32
    %dma_wait3A_151 = tpu.memref_slice %arg8[%rem3A_149, %dma_wait3A_150] : memref<16x80xi32, #tpu.memory_space<vmem>> -> memref<1x80xi32, #tpu.memory_space<vmem>>
    %dma_wait3A_152 = tpu.memref_squeeze %dma_wait3A_151 : memref<1x80xi32, #tpu.memory_space<vmem>> -> memref<80xi32, #tpu.memory_space<vmem>>
    %dma_wait3A_153 = arith.constant 0 : i32
    %dma_wait3A_154 = arith.constant 0 : i32
    %dma_wait3A_155 = tpu.memref_slice %arg5[%dma_wait3A_153, %dma_wait3A_154] : memref<10000x128xf32, #tpu.memory_space<hbm>> -> memref<10000x128xf32, #tpu.memory_space<hbm>>
    tpu.wait_indirect_dma semaphore(%arg18 : memref<!tpu.dma_semaphore, #tpu.memory_space<semaphore_mem>>) src(%dma_wait3A_155 : memref<10000x128xf32, #tpu.memory_space<hbm>>) dst(%arg11 : memref<80x128xf32, #tpu.memory_space<vmem>>)
    %scan3A_156 = arith.constant 0 : i32
    %scan3A_157 = arith.constant 0 : i32
    %scan3A_158 = arith.constant 80 : i32
    %scan3A_159 = arith.addi %scan3A_157, %scan3A_158 : i32
    %scan3A_160 = arith.constant 1 : i32
    scf.for %scan3A_186 = %scan3A_157 to %scan3A_159 step %scan3A_160  : i32 {
      %get3A = arith.index_cast %scan3A_186 : i32 to index
      %get3A_187 = arith.constant 0 : index
      %get3A_188 = tpu.vector_load %arg9[%get3A, %get3A_187] {strides = array<i32>} : memref<80x128xf32, #tpu.memory_space<vmem>>, vector<1x16xf32>,
      %get3A_189 = vector.shape_cast %get3A_188 : vector<1x16xf32> to vector<16xf32>
      %get3A_190 = arith.index_cast %scan3A_186 : i32 to index
      %get3A_191 = arith.constant 0 : index
      %get3A_192 = tpu.vector_load %arg11[%get3A_190, %get3A_191] {strides = array<i32>} : memref<80x128xf32, #tpu.memory_space<vmem>>, vector<1x16xf32>,
      %get3A_193 = vector.shape_cast %get3A_192 : vector<1x16xf32> to vector<16xf32>
      %add3A_194 = arith.addf %get3A_189, %get3A_193 : vector<16xf32>
      %max3A = arith.constant 0.000000e+00 : f32
      %max3A_195 = vector.broadcast %max3A : f32 to vector<16xf32>
      %max3A_196 = arith.maximumf %add3A_194, %max3A_195 : vector<16xf32>
      %swap3A = arith.index_cast %scan3A_186 : i32 to index
      %swap3A_197 = arith.constant 0 : index
      %swap3A_198 = tpu.vector_load %arg9[%swap3A, %swap3A_197] {strides = array<i32>} : memref<80x128xf32, #tpu.memory_space<vmem>>, vector<1x16xf32>,
      %swap3A_199 = vector.shape_cast %swap3A_198 : vector<1x16xf32> to vector<16xf32>
      %swap3A_200 = vector.shape_cast %max3A_196 : vector<16xf32> to vector<1x16xf32>
      tpu.vector_store %arg9[%swap3A, %swap3A_197], %swap3A_200 {strides = array<i32>} : memref<80x128xf32, #tpu.memory_space<vmem>>, vector<1x16xf32>,
      %get3A_201 = arith.index_cast %scan3A_186 : i32 to index
      %get3A_202 = arith.constant 16 : index
      %get3A_203 = tpu.vector_load %arg9[%get3A_201, %get3A_202] {strides = array<i32>} : memref<80x128xf32, #tpu.memory_space<vmem>>, vector<1x16xf32>,
      %get3A_204 = vector.shape_cast %get3A_203 : vector<1x16xf32> to vector<16xf32>
      %get3A_205 = arith.index_cast %scan3A_186 : i32 to index
      %get3A_206 = arith.constant 16 : index
      %get3A_207 = tpu.vector_load %arg11[%get3A_205, %get3A_206] {strides = array<i32>} : memref<80x128xf32, #tpu.memory_space<vmem>>, vector<1x16xf32>,
      %get3A_208 = vector.shape_cast %get3A_207 : vector<1x16xf32> to vector<16xf32>
      %add3A_209 = arith.addf %get3A_204, %get3A_208 : vector<16xf32>
      %max3A_210 = arith.constant 0.000000e+00 : f32
      %max3A_211 = vector.broadcast %max3A_210 : f32 to vector<16xf32>
      %max3A_212 = arith.maximumf %add3A_209, %max3A_211 : vector<16xf32>
      %swap3A_213 = arith.index_cast %scan3A_186 : i32 to index
      %swap3A_214 = arith.constant 16 : index
      %swap3A_215 = tpu.vector_load %arg9[%swap3A_213, %swap3A_214] {strides = array<i32>} : memref<80x128xf32, #tpu.memory_space<vmem>>, vector<1x16xf32>,
      %swap3A_216 = vector.shape_cast %swap3A_215 : vector<1x16xf32> to vector<16xf32>
      %swap3A_217 = vector.shape_cast %max3A_212 : vector<16xf32> to vector<1x16xf32>
      tpu.vector_store %arg9[%swap3A_213, %swap3A_214], %swap3A_217 {strides = array<i32>} : memref<80x128xf32, #tpu.memory_space<vmem>>, vector<1x16xf32>,
      %get3A_218 = arith.index_cast %scan3A_186 : i32 to index
      %get3A_219 = arith.constant 32 : index
      %get3A_220 = tpu.vector_load %arg9[%get3A_218, %get3A_219] {strides = array<i32>} : memref<80x128xf32, #tpu.memory_space<vmem>>, vector<1x16xf32>,
      %get3A_221 = vector.shape_cast %get3A_220 : vector<1x16xf32> to vector<16xf32>
      %get3A_222 = arith.index_cast %scan3A_186 : i32 to index
      %get3A_223 = arith.constant 32 : index
      %get3A_224 = tpu.vector_load %arg11[%get3A_222, %get3A_223] {strides = array<i32>} : memref<80x128xf32, #tpu.memory_space<vmem>>, vector<1x16xf32>,
      %get3A_225 = vector.shape_cast %get3A_224 : vector<1x16xf32> to vector<16xf32>
      %add3A_226 = arith.addf %get3A_221, %get3A_225 : vector<16xf32>
      %max3A_227 = arith.constant 0.000000e+00 : f32
      %max3A_228 = vector.broadcast %max3A_227 : f32 to vector<16xf32>
      %max3A_229 = arith.maximumf %add3A_226, %max3A_228 : vector<16xf32>
      %swap3A_230 = arith.index_cast %scan3A_186 : i32 to index
      %swap3A_231 = arith.constant 32 : index
      %swap3A_232 = tpu.vector_load %arg9[%swap3A_230, %swap3A_231] {strides = array<i32>} : memref<80x128xf32, #tpu.memory_space<vmem>>, vector<1x16xf32>,
      %swap3A_233 = vector.shape_cast %swap3A_232 : vector<1x16xf32> to vector<16xf32>
      %swap3A_234 = vector.shape_cast %max3A_229 : vector<16xf32> to vector<1x16xf32>
      tpu.vector_store %arg9[%swap3A_230, %swap3A_231], %swap3A_234 {strides = array<i32>} : memref<80x128xf32, #tpu.memory_space<vmem>>, vector<1x16xf32>,
      %get3A_235 = arith.index_cast %scan3A_186 : i32 to index
      %get3A_236 = arith.constant 48 : index
      %get3A_237 = tpu.vector_load %arg9[%get3A_235, %get3A_236] {strides = array<i32>} : memref<80x128xf32, #tpu.memory_space<vmem>>, vector<1x16xf32>,
      %get3A_238 = vector.shape_cast %get3A_237 : vector<1x16xf32> to vector<16xf32>
      %get3A_239 = arith.index_cast %scan3A_186 : i32 to index
      %get3A_240 = arith.constant 48 : index
      %get3A_241 = tpu.vector_load %arg11[%get3A_239, %get3A_240] {strides = array<i32>} : memref<80x128xf32, #tpu.memory_space<vmem>>, vector<1x16xf32>,
      %get3A_242 = vector.shape_cast %get3A_241 : vector<1x16xf32> to vector<16xf32>
      %add3A_243 = arith.addf %get3A_238, %get3A_242 : vector<16xf32>
      %max3A_244 = arith.constant 0.000000e+00 : f32
      %max3A_245 = vector.broadcast %max3A_244 : f32 to vector<16xf32>
      %max3A_246 = arith.maximumf %add3A_243, %max3A_245 : vector<16xf32>
      %swap3A_247 = arith.index_cast %scan3A_186 : i32 to index
      %swap3A_248 = arith.constant 48 : index
      %swap3A_249 = tpu.vector_load %arg9[%swap3A_247, %swap3A_248] {strides = array<i32>} : memref<80x128xf32, #tpu.memory_space<vmem>>, vector<1x16xf32>,
      %swap3A_250 = vector.shape_cast %swap3A_249 : vector<1x16xf32> to vector<16xf32>
      %swap3A_251 = vector.shape_cast %max3A_246 : vector<16xf32> to vector<1x16xf32>
      tpu.vector_store %arg9[%swap3A_247, %swap3A_248], %swap3A_251 {strides = array<i32>} : memref<80x128xf32, #tpu.memory_space<vmem>>, vector<1x16xf32>,
      %get3A_252 = arith.index_cast %scan3A_186 : i32 to index
      %get3A_253 = arith.constant 64 : index
      %get3A_254 = tpu.vector_load %arg9[%get3A_252, %get3A_253] {strides = array<i32>} : memref<80x128xf32, #tpu.memory_space<vmem>>, vector<1x16xf32>,
      %get3A_255 = vector.shape_cast %get3A_254 : vector<1x16xf32> to vector<16xf32>
      %get3A_256 = arith.index_cast %scan3A_186 : i32 to index
      %get3A_257 = arith.constant 64 : index
      %get3A_258 = tpu.vector_load %arg11[%get3A_256, %get3A_257] {strides = array<i32>} : memref<80x128xf32, #tpu.memory_space<vmem>>, vector<1x16xf32>,
      %get3A_259 = vector.shape_cast %get3A_258 : vector<1x16xf32> to vector<16xf32>
      %add3A_260 = arith.addf %get3A_255, %get3A_259 : vector<16xf32>
      %max3A_261 = arith.constant 0.000000e+00 : f32
      %max3A_262 = vector.broadcast %max3A_261 : f32 to vector<16xf32>
      %max3A_263 = arith.maximumf %add3A_260, %max3A_262 : vector<16xf32>
      %swap3A_264 = arith.index_cast %scan3A_186 : i32 to index
      %swap3A_265 = arith.constant 64 : index
      %swap3A_266 = tpu.vector_load %arg9[%swap3A_264, %swap3A_265] {strides = array<i32>} : memref<80x128xf32, #tpu.memory_space<vmem>>, vector<1x16xf32>,
      %swap3A_267 = vector.shape_cast %swap3A_266 : vector<1x16xf32> to vector<16xf32>
      %swap3A_268 = vector.shape_cast %max3A_263 : vector<16xf32> to vector<1x16xf32>
      tpu.vector_store %arg9[%swap3A_264, %swap3A_265], %swap3A_268 {strides = array<i32>} : memref<80x128xf32, #tpu.memory_space<vmem>>, vector<1x16xf32>,
      %get3A_269 = arith.index_cast %scan3A_186 : i32 to index
      %get3A_270 = arith.constant 80 : index
      %get3A_271 = tpu.vector_load %arg9[%get3A_269, %get3A_270] {strides = array<i32>} : memref<80x128xf32, #tpu.memory_space<vmem>>, vector<1x16xf32>,
      %get3A_272 = vector.shape_cast %get3A_271 : vector<1x16xf32> to vector<16xf32>
      %get3A_273 = arith.index_cast %scan3A_186 : i32 to index
      %get3A_274 = arith.constant 80 : index
      %get3A_275 = tpu.vector_load %arg11[%get3A_273, %get3A_274] {strides = array<i32>} : memref<80x128xf32, #tpu.memory_space<vmem>>, vector<1x16xf32>,
      %get3A_276 = vector.shape_cast %get3A_275 : vector<1x16xf32> to vector<16xf32>
      %add3A_277 = arith.addf %get3A_272, %get3A_276 : vector<16xf32>
      %max3A_278 = arith.constant 0.000000e+00 : f32
      %max3A_279 = vector.broadcast %max3A_278 : f32 to vector<16xf32>
      %max3A_280 = arith.maximumf %add3A_277, %max3A_279 : vector<16xf32>
      %swap3A_281 = arith.index_cast %scan3A_186 : i32 to index
      %swap3A_282 = arith.constant 80 : index
      %swap3A_283 = tpu.vector_load %arg9[%swap3A_281, %swap3A_282] {strides = array<i32>} : memref<80x128xf32, #tpu.memory_space<vmem>>, vector<1x16xf32>,
      %swap3A_284 = vector.shape_cast %swap3A_283 : vector<1x16xf32> to vector<16xf32>
      %swap3A_285 = vector.shape_cast %max3A_280 : vector<16xf32> to vector<1x16xf32>
      tpu.vector_store %arg9[%swap3A_281, %swap3A_282], %swap3A_285 {strides = array<i32>} : memref<80x128xf32, #tpu.memory_space<vmem>>, vector<1x16xf32>,
      %get3A_286 = arith.index_cast %scan3A_186 : i32 to index
      %get3A_287 = arith.constant 96 : index
      %get3A_288 = tpu.vector_load %arg9[%get3A_286, %get3A_287] {strides = array<i32>} : memref<80x128xf32, #tpu.memory_space<vmem>>, vector<1x16xf32>,
      %get3A_289 = vector.shape_cast %get3A_288 : vector<1x16xf32> to vector<16xf32>
      %get3A_290 = arith.index_cast %scan3A_186 : i32 to index
      %get3A_291 = arith.constant 96 : index
      %get3A_292 = tpu.vector_load %arg11[%get3A_290, %get3A_291] {strides = array<i32>} : memref<80x128xf32, #tpu.memory_space<vmem>>, vector<1x16xf32>,
      %get3A_293 = vector.shape_cast %get3A_292 : vector<1x16xf32> to vector<16xf32>
      %add3A_294 = arith.addf %get3A_289, %get3A_293 : vector<16xf32>
      %max3A_295 = arith.constant 0.000000e+00 : f32
      %max3A_296 = vector.broadcast %max3A_295 : f32 to vector<16xf32>
      %max3A_297 = arith.maximumf %add3A_294, %max3A_296 : vector<16xf32>
      %swap3A_298 = arith.index_cast %scan3A_186 : i32 to index
      %swap3A_299 = arith.constant 96 : index
      %swap3A_300 = tpu.vector_load %arg9[%swap3A_298, %swap3A_299] {strides = array<i32>} : memref<80x128xf32, #tpu.memory_space<vmem>>, vector<1x16xf32>,
      %swap3A_301 = vector.shape_cast %swap3A_300 : vector<1x16xf32> to vector<16xf32>
      %swap3A_302 = vector.shape_cast %max3A_297 : vector<16xf32> to vector<1x16xf32>
      tpu.vector_store %arg9[%swap3A_298, %swap3A_299], %swap3A_302 {strides = array<i32>} : memref<80x128xf32, #tpu.memory_space<vmem>>, vector<1x16xf32>,
      %get3A_303 = arith.index_cast %scan3A_186 : i32 to index
      %get3A_304 = arith.constant 112 : index
      %get3A_305 = tpu.vector_load %arg9[%get3A_303, %get3A_304] {strides = array<i32>} : memref<80x128xf32, #tpu.memory_space<vmem>>, vector<1x16xf32>,
      %get3A_306 = vector.shape_cast %get3A_305 : vector<1x16xf32> to vector<16xf32>
      %get3A_307 = arith.index_cast %scan3A_186 : i32 to index
      %get3A_308 = arith.constant 112 : index
      %get3A_309 = tpu.vector_load %arg11[%get3A_307, %get3A_308] {strides = array<i32>} : memref<80x128xf32, #tpu.memory_space<vmem>>, vector<1x16xf32>,
      %get3A_310 = vector.shape_cast %get3A_309 : vector<1x16xf32> to vector<16xf32>
      %add3A_311 = arith.addf %get3A_306, %get3A_310 : vector<16xf32>
      %max3A_312 = arith.constant 0.000000e+00 : f32
      %max3A_313 = vector.broadcast %max3A_312 : f32 to vector<16xf32>
      %max3A_314 = arith.maximumf %add3A_311, %max3A_313 : vector<16xf32>
      %swap3A_315 = arith.index_cast %scan3A_186 : i32 to index
      %swap3A_316 = arith.constant 112 : index
      %swap3A_317 = tpu.vector_load %arg9[%swap3A_315, %swap3A_316] {strides = array<i32>} : memref<80x128xf32, #tpu.memory_space<vmem>>, vector<1x16xf32>,
      %swap3A_318 = vector.shape_cast %swap3A_317 : vector<1x16xf32> to vector<16xf32>
      %swap3A_319 = vector.shape_cast %max3A_314 : vector<16xf32> to vector<1x16xf32>
      tpu.vector_store %arg9[%swap3A_315, %swap3A_316], %swap3A_319 {strides = array<i32>} : memref<80x128xf32, #tpu.memory_space<vmem>>, vector<1x16xf32>,
    }
    %scan3A_161 = arith.constant 80 : i32
    %dma_wait3A_162 = arith.constant 124 : i32
    %dma_wait3A_163 = arith.constant 0 : i32
    %dma_wait3A_164 = arith.constant 0 : i32
    %dma_wait3A_165 = tpu.memref_slice %arg3[%add3A, %dma_wait3A_162, %dma_wait3A_163, %dma_wait3A_164] : memref<32x125x1x80xi32, #tpu.memory_space<hbm>> -> memref<1x1x1x80xi32, #tpu.memory_space<hbm>>
    %dma_wait3A_166 = tpu.memref_squeeze %dma_wait3A_165 : memref<1x1x1x80xi32, #tpu.memory_space<hbm>> -> memref<1x80xi32, #tpu.memory_space<hbm>>
    %dma_wait3A_167 = arith.constant 0 : i32
    %dma_wait3A_168 = arith.constant 0 : i32
    %dma_wait3A_169 = tpu.memref_slice %arg3[%add3A, %dma_wait3A_162, %dma_wait3A_167, %dma_wait3A_168] : memref<32x125x1x80xi32, #tpu.memory_space<hbm>> -> memref<1x1x1x80xi32, #tpu.memory_space<hbm>>
    %dma_wait3A_170 = tpu.memref_squeeze %dma_wait3A_169 : memref<1x1x1x80xi32, #tpu.memory_space<hbm>> -> memref<1x80xi32, #tpu.memory_space<hbm>>
    tpu.wait_dma2 semaphore(%arg16 : memref<!tpu.dma_semaphore, #tpu.memory_space<semaphore_mem>>) src(%dma_wait3A_170 : memref<1x80xi32, #tpu.memory_space<hbm>>) dst(%arg13 : memref<1x80xi32, #tpu.memory_space<vmem>>)
    %dma_start3A_171 = arith.constant 0 : i32
    %dma_start3A_172 = arith.constant 0 : i32
    %dma_start3A_173 = tpu.memref_slice %arg13[%dma_start3A_171, %dma_start3A_172] : memref<1x80xi32, #tpu.memory_space<vmem>> -> memref<1x80xi32, #tpu.memory_space<vmem>>
    %dma_start3A_174 = tpu.memref_squeeze %dma_start3A_173 : memref<1x80xi32, #tpu.memory_space<vmem>> -> memref<80xi32, #tpu.memory_space<vmem>>
    %dma_start3A_175 = arith.constant 0 : i32
    %dma_start3A_176 = arith.constant 0 : i32
    %dma_start3A_177 = tpu.memref_slice %arg7[%dma_start3A_175, %dma_start3A_176] : memref<10112x128xf32, #tpu.memory_space<vmem_shared>> -> memref<10112x128xf32, #tpu.memory_space<vmem_shared>>
    tpu.enqueue_indirect_dma source(%arg9 : memref<80x128xf32, #tpu.memory_space<vmem>>) target(%dma_start3A_177 : memref<10112x128xf32, #tpu.memory_space<vmem_shared>>) offsets(%dma_start3A_174 : memref<80xi32, #tpu.memory_space<vmem>>) semaphore(%arg19 : memref<!tpu.dma_semaphore, #tpu.memory_space<semaphore_mem>>) {add = true}
    %dma_wait3A_178 = arith.constant 0 : i32
    %dma_wait3A_179 = arith.constant 0 : i32
    %dma_wait3A_180 = tpu.memref_slice %arg13[%dma_wait3A_178, %dma_wait3A_179] : memref<1x80xi32, #tpu.memory_space<vmem>> -> memref<1x80xi32, #tpu.memory_space<vmem>>
    %dma_wait3A_181 = tpu.memref_squeeze %dma_wait3A_180 : memref<1x80xi32, #tpu.memory_space<vmem>> -> memref<80xi32, #tpu.memory_space<vmem>>
    %dma_wait3A_182 = arith.constant 0 : i32
    %dma_wait3A_183 = arith.constant 0 : i32
    %dma_wait3A_184 = tpu.memref_slice %arg7[%dma_wait3A_182, %dma_wait3A_183] : memref<10112x128xf32, #tpu.memory_space<vmem_shared>> -> memref<10112x128xf32, #tpu.memory_space<vmem_shared>>
    tpu.wait_indirect_dma semaphore(%arg19 : memref<!tpu.dma_semaphore, #tpu.memory_space<semaphore_mem>>) src(%arg9 : memref<80x128xf32, #tpu.memory_space<vmem>>) dst(%dma_wait3A_184 : memref<10112x128xf32, #tpu.memory_space<vmem_shared>>)
    %barrier3A_185 = arith.constant 0 : index
    tpu.barrier barrier_id(%barrier3A_185)
    "tpu.region"() ({
      %run_scoped3A = tpu.sem_alloc : memref<!tpu.dma_semaphore, #tpu.memory_space<semaphore_mem>>
      %dma_start3A_186 = arith.constant 0 : i32
      %dma_start3A_187 = tpu.memref_slice %arg6[%arg0, %mul3A_72, %dma_start3A_186] : memref<2x10112x128xf32, #tpu.memory_space<hbm>> -> memref<1x632x128xf32, #tpu.memory_space<hbm>>
      %dma_start3A_188 = tpu.memref_squeeze %dma_start3A_187 : memref<1x632x128xf32, #tpu.memory_space<hbm>> -> memref<632x128xf32, #tpu.memory_space<hbm>>
      %dma_start3A_189 = arith.constant 0 : i32
      %dma_start3A_190 = tpu.memref_slice %arg7[%mul3A_72, %dma_start3A_189] : memref<10112x128xf32, #tpu.memory_space<vmem_shared>> -> memref<632x128xf32, #tpu.memory_space<vmem_shared>>
      tpu.enqueue_dma source(%dma_start3A_190 : memref<632x128xf32, #tpu.memory_space<vmem_shared>>) target(%dma_start3A_188 : memref<632x128xf32, #tpu.memory_space<hbm>>) target_semaphore(%run_scoped3A : memref<!tpu.dma_semaphore, #tpu.memory_space<semaphore_mem>>)
      %dma_wait3A_191 = arith.constant 0 : i32
      %dma_wait3A_192 = tpu.memref_slice %arg6[%arg0, %mul3A_72, %dma_wait3A_191] : memref<2x10112x128xf32, #tpu.memory_space<hbm>> -> memref<1x632x128xf32, #tpu.memory_space<hbm>>
      %dma_wait3A_193 = tpu.memref_squeeze %dma_wait3A_192 : memref<1x632x128xf32, #tpu.memory_space<hbm>> -> memref<632x128xf32, #tpu.memory_space<hbm>>
      %dma_wait3A_194 = arith.constant 0 : i32
      %dma_wait3A_195 = tpu.memref_slice %arg7[%mul3A_72, %dma_wait3A_194] : memref<10112x128xf32, #tpu.memory_space<vmem_shared>> -> memref<632x128xf32, #tpu.memory_space<vmem_shared>>
      tpu.wait_dma2 semaphore(%run_scoped3A : memref<!tpu.dma_semaphore, #tpu.memory_space<semaphore_mem>>) src(%dma_wait3A_195 : memref<632x128xf32, #tpu.memory_space<vmem_shared>>) dst(%dma_wait3A_193 : memref<632x128xf32, #tpu.memory_space<hbm>>)
      tpu.yield
    }) : () -> ()
    return
  }
}

#map = affine_map<(d0, d1) -> (0, 0, 0, 0)>
#map1 = affine_map<(d0, d1) -> (0, 0)>
#map2 = affine_map<(d0, d1) -> (0, 0, 0)>
module attributes {stable_mosaic.version = 14 : i64} {
  func.func @_sc_msg_body(%arg0: i32, %arg1: i32, %arg2: memref<32x125x1x80xi32, #tpu.memory_space<hbm>>, %arg3: memref<32x125x1x80xi32, #tpu.memory_space<hbm>>, %arg4: memref<320000x128xf32, #tpu.memory_space<hbm>>, %arg5: memref<10000x128xf32, #tpu.memory_space<hbm>>, %arg6: memref<2x10112x128xf32, #tpu.memory_space<hbm>>, %arg7: memref<10112x128xf32, #tpu.memory_space<vmem_shared>>, %arg8: memref<16x80xi32, #tpu.memory_space<vmem>>, %arg9: memref<80x128xf32, #tpu.memory_space<vmem>>, %arg10: memref<80x128xf32, #tpu.memory_space<vmem>>, %arg11: memref<80x128xf32, #tpu.memory_space<vmem>>, %arg12: memref<80x128xf32, #tpu.memory_space<vmem>>, %arg13: memref<1x80xi32, #tpu.memory_space<vmem>>, %arg14: memref<1x80xi32, #tpu.memory_space<vmem>>, %arg15: memref<!tpu.dma_semaphore, #tpu.memory_space<semaphore_mem>>, %arg16: memref<!tpu.dma_semaphore, #tpu.memory_space<semaphore_mem>>, %arg17: memref<!tpu.dma_semaphore, #tpu.memory_space<semaphore_mem>>, %arg18: memref<!tpu.dma_semaphore, #tpu.memory_space<semaphore_mem>>, %arg19: memref<!tpu.dma_semaphore, #tpu.memory_space<semaphore_mem>>) attributes {dimension_semantics = [#tpu.dimension_semantics<core_parallel>, #tpu.dimension_semantics<subcore_parallel>], iteration_bounds = array<i64: 2, 16>, scalar_prefetch = 0 : i64, scratch_operands = 13 : i64, tpu.core_type = #tpu.core_type<sc_vector_subcore>, window_params = [{transform_indices = #map}, {transform_indices = #map}, {transform_indices = #map1}, {transform_indices = #map1}, {transform_indices = #map2}]} {
    %mul3A = arith.constant 2 : i32
    %mul3A_0 = arith.muli %arg1, %mul3A : i32
    %add3A = arith.addi %mul3A_0, %arg0 : i32
    %mul3A_1 = arith.constant 10000 : i32
    %mul3A_2 = arith.muli %add3A, %mul3A_1 : i32
    %rem3A = arith.constant 0 : i32
    %rem3A_3 = arith.constant 16 : i32
    %rem3A_4 = arith.remsi %rem3A, %rem3A_3 : i32
    %dma_start3A = arith.constant 0 : i32
    %dma_start3A_5 = arith.constant 0 : i32
    %dma_start3A_6 = tpu.memref_slice %arg8[%rem3A_4, %dma_start3A_5] : memref<16x80xi32, #tpu.memory_space<vmem>> -> memref<1x80xi32, #tpu.memory_space<vmem>>
    %dma_start3A_7 = arith.constant 0 : i32
    %dma_start3A_8 = arith.constant 0 : i32
    %dma_start3A_9 = tpu.memref_slice %arg2[%add3A, %dma_start3A, %dma_start3A_7, %dma_start3A_8] : memref<32x125x1x80xi32, #tpu.memory_space<hbm>> -> memref<1x1x1x80xi32, #tpu.memory_space<hbm>>
    %dma_start3A_10 = tpu.memref_squeeze %dma_start3A_9 : memref<1x1x1x80xi32, #tpu.memory_space<hbm>> -> memref<1x80xi32, #tpu.memory_space<hbm>>
    %dma_start3A_11 = arith.constant 0 : i32
    %dma_start3A_12 = tpu.memref_slice %arg8[%rem3A_4, %dma_start3A_11] : memref<16x80xi32, #tpu.memory_space<vmem>> -> memref<1x80xi32, #tpu.memory_space<vmem>>
    %dma_start3A_13 = arith.constant 0 : i32
    %dma_start3A_14 = arith.constant 0 : i32
    %dma_start3A_15 = tpu.memref_slice %arg2[%add3A, %dma_start3A, %dma_start3A_13, %dma_start3A_14] : memref<32x125x1x80xi32, #tpu.memory_space<hbm>> -> memref<1x1x1x80xi32, #tpu.memory_space<hbm>>
    %dma_start3A_16 = tpu.memref_squeeze %dma_start3A_15 : memref<1x1x1x80xi32, #tpu.memory_space<hbm>> -> memref<1x80xi32, #tpu.memory_space<hbm>>
    tpu.enqueue_dma source(%dma_start3A_16 : memref<1x80xi32, #tpu.memory_space<hbm>>) target(%dma_start3A_12 : memref<1x80xi32, #tpu.memory_space<vmem>>) target_semaphore(%arg15 : memref<!tpu.dma_semaphore, #tpu.memory_space<semaphore_mem>>)
    %rem3A_17 = arith.constant 1 : i32
    %rem3A_18 = arith.constant 16 : i32
    %rem3A_19 = arith.remsi %rem3A_17, %rem3A_18 : i32
    %dma_start3A_20 = arith.constant 1 : i32
    %dma_start3A_21 = arith.constant 0 : i32
    %dma_start3A_22 = tpu.memref_slice %arg8[%rem3A_19, %dma_start3A_21] : memref<16x80xi32, #tpu.memory_space<vmem>> -> memref<1x80xi32, #tpu.memory_space<vmem>>
    %dma_start3A_23 = arith.constant 0 : i32
    %dma_start3A_24 = arith.constant 0 : i32
    %dma_start3A_25 = tpu.memref_slice %arg2[%add3A, %dma_start3A_20, %dma_start3A_23, %dma_start3A_24] : memref<32x125x1x80xi32, #tpu.memory_space<hbm>> -> memref<1x1x1x80xi32, #tpu.memory_space<hbm>>
    %dma_start3A_26 = tpu.memref_squeeze %dma_start3A_25 : memref<1x1x1x80xi32, #tpu.memory_space<hbm>> -> memref<1x80xi32, #tpu.memory_space<hbm>>
    %dma_start3A_27 = arith.constant 0 : i32
    %dma_start3A_28 = tpu.memref_slice %arg8[%rem3A_19, %dma_start3A_27] : memref<16x80xi32, #tpu.memory_space<vmem>> -> memref<1x80xi32, #tpu.memory_space<vmem>>
    %dma_start3A_29 = arith.constant 0 : i32
    %dma_start3A_30 = arith.constant 0 : i32
    %dma_start3A_31 = tpu.memref_slice %arg2[%add3A, %dma_start3A_20, %dma_start3A_29, %dma_start3A_30] : memref<32x125x1x80xi32, #tpu.memory_space<hbm>> -> memref<1x1x1x80xi32, #tpu.memory_space<hbm>>
    %dma_start3A_32 = tpu.memref_squeeze %dma_start3A_31 : memref<1x1x1x80xi32, #tpu.memory_space<hbm>> -> memref<1x80xi32, #tpu.memory_space<hbm>>
    tpu.enqueue_dma source(%dma_start3A_32 : memref<1x80xi32, #tpu.memory_space<hbm>>) target(%dma_start3A_28 : memref<1x80xi32, #tpu.memory_space<vmem>>) target_semaphore(%arg15 : memref<!tpu.dma_semaphore, #tpu.memory_space<semaphore_mem>>)
    %rem3A_33 = arith.constant 2 : i32
    %rem3A_34 = arith.constant 16 : i32
    %rem3A_35 = arith.remsi %rem3A_33, %rem3A_34 : i32
    %dma_start3A_36 = arith.constant 2 : i32
    %dma_start3A_37 = arith.constant 0 : i32
    %dma_start3A_38 = tpu.memref_slice %arg8[%rem3A_35, %dma_start3A_37] : memref<16x80xi32, #tpu.memory_space<vmem>> -> memref<1x80xi32, #tpu.memory_space<vmem>>
    %dma_start3A_39 = arith.constant 0 : i32
    %dma_start3A_40 = arith.constant 0 : i32
    %dma_start3A_41 = tpu.memref_slice %arg2[%add3A, %dma_start3A_36, %dma_start3A_39, %dma_start3A_40] : memref<32x125x1x80xi32, #tpu.memory_space<hbm>> -> memref<1x1x1x80xi32, #tpu.memory_space<hbm>>
    %dma_start3A_42 = tpu.memref_squeeze %dma_start3A_41 : memref<1x1x1x80xi32, #tpu.memory_space<hbm>> -> memref<1x80xi32, #tpu.memory_space<hbm>>
    %dma_start3A_43 = arith.constant 0 : i32
    %dma_start3A_44 = tpu.memref_slice %arg8[%rem3A_35, %dma_start3A_43] : memref<16x80xi32, #tpu.memory_space<vmem>> -> memref<1x80xi32, #tpu.memory_space<vmem>>
    %dma_start3A_45 = arith.constant 0 : i32
    %dma_start3A_46 = arith.constant 0 : i32
    %dma_start3A_47 = tpu.memref_slice %arg2[%add3A, %dma_start3A_36, %dma_start3A_45, %dma_start3A_46] : memref<32x125x1x80xi32, #tpu.memory_space<hbm>> -> memref<1x1x1x80xi32, #tpu.memory_space<hbm>>
    %dma_start3A_48 = tpu.memref_squeeze %dma_start3A_47 : memref<1x1x1x80xi32, #tpu.memory_space<hbm>> -> memref<1x80xi32, #tpu.memory_space<hbm>>
    tpu.enqueue_dma source(%dma_start3A_48 : memref<1x80xi32, #tpu.memory_space<hbm>>) target(%dma_start3A_44 : memref<1x80xi32, #tpu.memory_space<vmem>>) target_semaphore(%arg15 : memref<!tpu.dma_semaphore, #tpu.memory_space<semaphore_mem>>)
    %rem3A_49 = arith.constant 3 : i32
    %rem3A_50 = arith.constant 16 : i32
    %rem3A_51 = arith.remsi %rem3A_49, %rem3A_50 : i32
    %dma_start3A_52 = arith.constant 3 : i32
    %dma_start3A_53 = arith.constant 0 : i32
    %dma_start3A_54 = tpu.memref_slice %arg8[%rem3A_51, %dma_start3A_53] : memref<16x80xi32, #tpu.memory_space<vmem>> -> memref<1x80xi32, #tpu.memory_space<vmem>>
    %dma_start3A_55 = arith.constant 0 : i32
    %dma_start3A_56 = arith.constant 0 : i32
    %dma_start3A_57 = tpu.memref_slice %arg2[%add3A, %dma_start3A_52, %dma_start3A_55, %dma_start3A_56] : memref<32x125x1x80xi32, #tpu.memory_space<hbm>> -> memref<1x1x1x80xi32, #tpu.memory_space<hbm>>
    %dma_start3A_58 = tpu.memref_squeeze %dma_start3A_57 : memref<1x1x1x80xi32, #tpu.memory_space<hbm>> -> memref<1x80xi32, #tpu.memory_space<hbm>>
    %dma_start3A_59 = arith.constant 0 : i32
    %dma_start3A_60 = tpu.memref_slice %arg8[%rem3A_51, %dma_start3A_59] : memref<16x80xi32, #tpu.memory_space<vmem>> -> memref<1x80xi32, #tpu.memory_space<vmem>>
    %dma_start3A_61 = arith.constant 0 : i32
    %dma_start3A_62 = arith.constant 0 : i32
    %dma_start3A_63 = tpu.memref_slice %arg2[%add3A, %dma_start3A_52, %dma_start3A_61, %dma_start3A_62] : memref<32x125x1x80xi32, #tpu.memory_space<hbm>> -> memref<1x1x1x80xi32, #tpu.memory_space<hbm>>
    %dma_start3A_64 = tpu.memref_squeeze %dma_start3A_63 : memref<1x1x1x80xi32, #tpu.memory_space<hbm>> -> memref<1x80xi32, #tpu.memory_space<hbm>>
    tpu.enqueue_dma source(%dma_start3A_64 : memref<1x80xi32, #tpu.memory_space<hbm>>) target(%dma_start3A_60 : memref<1x80xi32, #tpu.memory_space<vmem>>) target_semaphore(%arg15 : memref<!tpu.dma_semaphore, #tpu.memory_space<semaphore_mem>>)
    %broadcast_in_dim3A = arith.constant 0.000000e+00 : f32
    %broadcast_in_dim3A_65 = vector.broadcast %broadcast_in_dim3A : f32 to vector<16xf32>
    %scan3A = arith.constant 0 : i32
    %scan3A_66 = arith.constant 0 : i32
    %scan3A_67 = arith.constant 80 : i32
    %scan3A_68 = arith.addi %scan3A_66, %scan3A_67 : i32
    %scan3A_69 = arith.constant 1 : i32
    scf.for %scan3A_186 = %scan3A_66 to %scan3A_68 step %scan3A_69  : i32 {
      %swap3A = arith.index_cast %scan3A_186 : i32 to index
      %swap3A_187 = arith.constant 0 : index
      %swap3A_188 = tpu.vector_load %arg9[%swap3A, %swap3A_187] {strides = array<i32>} : memref<80x128xf32, #tpu.memory_space<vmem>>, vector<1x16xf32>,
      %swap3A_189 = vector.shape_cast %swap3A_188 : vector<1x16xf32> to vector<16xf32>
      %swap3A_190 = vector.shape_cast %broadcast_in_dim3A_65 : vector<16xf32> to vector<1x16xf32>
      tpu.vector_store %arg9[%swap3A, %swap3A_187], %swap3A_190 {strides = array<i32>} : memref<80x128xf32, #tpu.memory_space<vmem>>, vector<1x16xf32>,
      %swap3A_191 = arith.index_cast %scan3A_186 : i32 to index
      %swap3A_192 = arith.constant 16 : index
      %swap3A_193 = tpu.vector_load %arg9[%swap3A_191, %swap3A_192] {strides = array<i32>} : memref<80x128xf32, #tpu.memory_space<vmem>>, vector<1x16xf32>,
      %swap3A_194 = vector.shape_cast %swap3A_193 : vector<1x16xf32> to vector<16xf32>
      %swap3A_195 = vector.shape_cast %broadcast_in_dim3A_65 : vector<16xf32> to vector<1x16xf32>
      tpu.vector_store %arg9[%swap3A_191, %swap3A_192], %swap3A_195 {strides = array<i32>} : memref<80x128xf32, #tpu.memory_space<vmem>>, vector<1x16xf32>,
      %swap3A_196 = arith.index_cast %scan3A_186 : i32 to index
      %swap3A_197 = arith.constant 32 : index
      %swap3A_198 = tpu.vector_load %arg9[%swap3A_196, %swap3A_197] {strides = array<i32>} : memref<80x128xf32, #tpu.memory_space<vmem>>, vector<1x16xf32>,
      %swap3A_199 = vector.shape_cast %swap3A_198 : vector<1x16xf32> to vector<16xf32>
      %swap3A_200 = vector.shape_cast %broadcast_in_dim3A_65 : vector<16xf32> to vector<1x16xf32>
      tpu.vector_store %arg9[%swap3A_196, %swap3A_197], %swap3A_200 {strides = array<i32>} : memref<80x128xf32, #tpu.memory_space<vmem>>, vector<1x16xf32>,
      %swap3A_201 = arith.index_cast %scan3A_186 : i32 to index
      %swap3A_202 = arith.constant 48 : index
      %swap3A_203 = tpu.vector_load %arg9[%swap3A_201, %swap3A_202] {strides = array<i32>} : memref<80x128xf32, #tpu.memory_space<vmem>>, vector<1x16xf32>,
      %swap3A_204 = vector.shape_cast %swap3A_203 : vector<1x16xf32> to vector<16xf32>
      %swap3A_205 = vector.shape_cast %broadcast_in_dim3A_65 : vector<16xf32> to vector<1x16xf32>
      tpu.vector_store %arg9[%swap3A_201, %swap3A_202], %swap3A_205 {strides = array<i32>} : memref<80x128xf32, #tpu.memory_space<vmem>>, vector<1x16xf32>,
      %swap3A_206 = arith.index_cast %scan3A_186 : i32 to index
      %swap3A_207 = arith.constant 64 : index
      %swap3A_208 = tpu.vector_load %arg9[%swap3A_206, %swap3A_207] {strides = array<i32>} : memref<80x128xf32, #tpu.memory_space<vmem>>, vector<1x16xf32>,
      %swap3A_209 = vector.shape_cast %swap3A_208 : vector<1x16xf32> to vector<16xf32>
      %swap3A_210 = vector.shape_cast %broadcast_in_dim3A_65 : vector<16xf32> to vector<1x16xf32>
      tpu.vector_store %arg9[%swap3A_206, %swap3A_207], %swap3A_210 {strides = array<i32>} : memref<80x128xf32, #tpu.memory_space<vmem>>, vector<1x16xf32>,
      %swap3A_211 = arith.index_cast %scan3A_186 : i32 to index
      %swap3A_212 = arith.constant 80 : index
      %swap3A_213 = tpu.vector_load %arg9[%swap3A_211, %swap3A_212] {strides = array<i32>} : memref<80x128xf32, #tpu.memory_space<vmem>>, vector<1x16xf32>,
      %swap3A_214 = vector.shape_cast %swap3A_213 : vector<1x16xf32> to vector<16xf32>
      %swap3A_215 = vector.shape_cast %broadcast_in_dim3A_65 : vector<16xf32> to vector<1x16xf32>
      tpu.vector_store %arg9[%swap3A_211, %swap3A_212], %swap3A_215 {strides = array<i32>} : memref<80x128xf32, #tpu.memory_space<vmem>>, vector<1x16xf32>,
      %swap3A_216 = arith.index_cast %scan3A_186 : i32 to index
      %swap3A_217 = arith.constant 96 : index
      %swap3A_218 = tpu.vector_load %arg9[%swap3A_216, %swap3A_217] {strides = array<i32>} : memref<80x128xf32, #tpu.memory_space<vmem>>, vector<1x16xf32>,
      %swap3A_219 = vector.shape_cast %swap3A_218 : vector<1x16xf32> to vector<16xf32>
      %swap3A_220 = vector.shape_cast %broadcast_in_dim3A_65 : vector<16xf32> to vector<1x16xf32>
      tpu.vector_store %arg9[%swap3A_216, %swap3A_217], %swap3A_220 {strides = array<i32>} : memref<80x128xf32, #tpu.memory_space<vmem>>, vector<1x16xf32>,
      %swap3A_221 = arith.index_cast %scan3A_186 : i32 to index
      %swap3A_222 = arith.constant 112 : index
      %swap3A_223 = tpu.vector_load %arg9[%swap3A_221, %swap3A_222] {strides = array<i32>} : memref<80x128xf32, #tpu.memory_space<vmem>>, vector<1x16xf32>,
      %swap3A_224 = vector.shape_cast %swap3A_223 : vector<1x16xf32> to vector<16xf32>
      %swap3A_225 = vector.shape_cast %broadcast_in_dim3A_65 : vector<16xf32> to vector<1x16xf32>
      tpu.vector_store %arg9[%swap3A_221, %swap3A_222], %swap3A_225 {strides = array<i32>} : memref<80x128xf32, #tpu.memory_space<vmem>>, vector<1x16xf32>,
    }
    %scan3A_70 = arith.constant 80 : i32
    %mul3A_71 = arith.constant 632 : i32
    %mul3A_72 = arith.muli %arg1, %mul3A_71 : i32
    %add3A_73 = arith.constant 0 : i32
    %add3A_74 = arith.addi %mul3A_72, %add3A_73 : i32
    "tpu.region"() ({
      %run_scoped3A = tpu.sem_alloc : memref<!tpu.dma_semaphore, #tpu.memory_space<semaphore_mem>>
      %dma_start3A_186 = arith.constant 0 : i32
      %dma_start3A_187 = tpu.memref_slice %arg7[%add3A_74, %dma_start3A_186] : memref<10112x128xf32, #tpu.memory_space<vmem_shared>> -> memref<80x128xf32, #tpu.memory_space<vmem_shared>>
      %dma_start3A_188 = arith.constant 0 : i32
      %dma_start3A_189 = tpu.memref_slice %arg7[%add3A_74, %dma_start3A_188] : memref<10112x128xf32, #tpu.memory_space<vmem_shared>> -> memref<80x128xf32, #tpu.memory_space<vmem_shared>>
      tpu.enqueue_dma source(%arg9 : memref<80x128xf32, #tpu.memory_space<vmem>>) target(%dma_start3A_189 : memref<80x128xf32, #tpu.memory_space<vmem_shared>>) target_semaphore(%run_scoped3A : memref<!tpu.dma_semaphore, #tpu.memory_space<semaphore_mem>>)
      %dma_wait3A_190 = arith.constant 0 : i32
      %dma_wait3A_191 = tpu.memref_slice %arg7[%add3A_74, %dma_wait3A_190] : memref<10112x128xf32, #tpu.memory_space<vmem_shared>> -> memref<80x128xf32, #tpu.memory_space<vmem_shared>>
      %dma_wait3A_192 = arith.constant 0 : i32
      %dma_wait3A_193 = tpu.memref_slice %arg7[%add3A_74, %dma_wait3A_192] : memref<10112x128xf32, #tpu.memory_space<vmem_shared>> -> memref<80x128xf32, #tpu.memory_space<vmem_shared>>
      tpu.wait_dma2 semaphore(%run_scoped3A : memref<!tpu.dma_semaphore, #tpu.memory_space<semaphore_mem>>) src(%arg9 : memref<80x128xf32, #tpu.memory_space<vmem>>) dst(%dma_wait3A_193 : memref<80x128xf32, #tpu.memory_space<vmem_shared>>)
      tpu.yield
    }) : () -> ()
    %add3A_75 = arith.constant 80 : i32
    %add3A_76 = arith.addi %mul3A_72, %add3A_75 : i32
    "tpu.region"() ({
      %run_scoped3A = tpu.sem_alloc : memref<!tpu.dma_semaphore, #tpu.memory_space<semaphore_mem>>
      %dma_start3A_186 = arith.constant 0 : i32
      %dma_start3A_187 = tpu.memref_slice %arg7[%add3A_76, %dma_start3A_186] : memref<10112x128xf32, #tpu.memory_space<vmem_shared>> -> memref<80x128xf32, #tpu.memory_space<vmem_shared>>
      %dma_start3A_188 = arith.constant 0 : i32
      %dma_start3A_189 = tpu.memref_slice %arg7[%add3A_76, %dma_start3A_188] : memref<10112x128xf32, #tpu.memory_space<vmem_shared>> -> memref<80x128xf32, #tpu.memory_space<vmem_shared>>
      tpu.enqueue_dma source(%arg9 : memref<80x128xf32, #tpu.memory_space<vmem>>) target(%dma_start3A_189 : memref<80x128xf32, #tpu.memory_space<vmem_shared>>) target_semaphore(%run_scoped3A : memref<!tpu.dma_semaphore, #tpu.memory_space<semaphore_mem>>)
      %dma_wait3A_190 = arith.constant 0 : i32
      %dma_wait3A_191 = tpu.memref_slice %arg7[%add3A_76, %dma_wait3A_190] : memref<10112x128xf32, #tpu.memory_space<vmem_shared>> -> memref<80x128xf32, #tpu.memory_space<vmem_shared>>
      %dma_wait3A_192 = arith.constant 0 : i32
      %dma_wait3A_193 = tpu.memref_slice %arg7[%add3A_76, %dma_wait3A_192] : memref<10112x128xf32, #tpu.memory_space<vmem_shared>> -> memref<80x128xf32, #tpu.memory_space<vmem_shared>>
      tpu.wait_dma2 semaphore(%run_scoped3A : memref<!tpu.dma_semaphore, #tpu.memory_space<semaphore_mem>>) src(%arg9 : memref<80x128xf32, #tpu.memory_space<vmem>>) dst(%dma_wait3A_193 : memref<80x128xf32, #tpu.memory_space<vmem_shared>>)
      tpu.yield
    }) : () -> ()
    %add3A_77 = arith.constant 160 : i32
    %add3A_78 = arith.addi %mul3A_72, %add3A_77 : i32
    "tpu.region"() ({
      %run_scoped3A = tpu.sem_alloc : memref<!tpu.dma_semaphore, #tpu.memory_space<semaphore_mem>>
      %dma_start3A_186 = arith.constant 0 : i32
      %dma_start3A_187 = tpu.memref_slice %arg7[%add3A_78, %dma_start3A_186] : memref<10112x128xf32, #tpu.memory_space<vmem_shared>> -> memref<80x128xf32, #tpu.memory_space<vmem_shared>>
      %dma_start3A_188 = arith.constant 0 : i32
      %dma_start3A_189 = tpu.memref_slice %arg7[%add3A_78, %dma_start3A_188] : memref<10112x128xf32, #tpu.memory_space<vmem_shared>> -> memref<80x128xf32, #tpu.memory_space<vmem_shared>>
      tpu.enqueue_dma source(%arg9 : memref<80x128xf32, #tpu.memory_space<vmem>>) target(%dma_start3A_189 : memref<80x128xf32, #tpu.memory_space<vmem_shared>>) target_semaphore(%run_scoped3A : memref<!tpu.dma_semaphore, #tpu.memory_space<semaphore_mem>>)
      %dma_wait3A_190 = arith.constant 0 : i32
      %dma_wait3A_191 = tpu.memref_slice %arg7[%add3A_78, %dma_wait3A_190] : memref<10112x128xf32, #tpu.memory_space<vmem_shared>> -> memref<80x128xf32, #tpu.memory_space<vmem_shared>>
      %dma_wait3A_192 = arith.constant 0 : i32
      %dma_wait3A_193 = tpu.memref_slice %arg7[%add3A_78, %dma_wait3A_192] : memref<10112x128xf32, #tpu.memory_space<vmem_shared>> -> memref<80x128xf32, #tpu.memory_space<vmem_shared>>
      tpu.wait_dma2 semaphore(%run_scoped3A : memref<!tpu.dma_semaphore, #tpu.memory_space<semaphore_mem>>) src(%arg9 : memref<80x128xf32, #tpu.memory_space<vmem>>) dst(%dma_wait3A_193 : memref<80x128xf32, #tpu.memory_space<vmem_shared>>)
      tpu.yield
    }) : () -> ()
    %add3A_79 = arith.constant 240 : i32
    %add3A_80 = arith.addi %mul3A_72, %add3A_79 : i32
    "tpu.region"() ({
      %run_scoped3A = tpu.sem_alloc : memref<!tpu.dma_semaphore, #tpu.memory_space<semaphore_mem>>
      %dma_start3A_186 = arith.constant 0 : i32
      %dma_start3A_187 = tpu.memref_slice %arg7[%add3A_80, %dma_start3A_186] : memref<10112x128xf32, #tpu.memory_space<vmem_shared>> -> memref<80x128xf32, #tpu.memory_space<vmem_shared>>
      %dma_start3A_188 = arith.constant 0 : i32
      %dma_start3A_189 = tpu.memref_slice %arg7[%add3A_80, %dma_start3A_188] : memref<10112x128xf32, #tpu.memory_space<vmem_shared>> -> memref<80x128xf32, #tpu.memory_space<vmem_shared>>
      tpu.enqueue_dma source(%arg9 : memref<80x128xf32, #tpu.memory_space<vmem>>) target(%dma_start3A_189 : memref<80x128xf32, #tpu.memory_space<vmem_shared>>) target_semaphore(%run_scoped3A : memref<!tpu.dma_semaphore, #tpu.memory_space<semaphore_mem>>)
      %dma_wait3A_190 = arith.constant 0 : i32
      %dma_wait3A_191 = tpu.memref_slice %arg7[%add3A_80, %dma_wait3A_190] : memref<10112x128xf32, #tpu.memory_space<vmem_shared>> -> memref<80x128xf32, #tpu.memory_space<vmem_shared>>
      %dma_wait3A_192 = arith.constant 0 : i32
      %dma_wait3A_193 = tpu.memref_slice %arg7[%add3A_80, %dma_wait3A_192] : memref<10112x128xf32, #tpu.memory_space<vmem_shared>> -> memref<80x128xf32, #tpu.memory_space<vmem_shared>>
      tpu.wait_dma2 semaphore(%run_scoped3A : memref<!tpu.dma_semaphore, #tpu.memory_space<semaphore_mem>>) src(%arg9 : memref<80x128xf32, #tpu.memory_space<vmem>>) dst(%dma_wait3A_193 : memref<80x128xf32, #tpu.memory_space<vmem_shared>>)
      tpu.yield
    }) : () -> ()
    %add3A_81 = arith.constant 320 : i32
    %add3A_82 = arith.addi %mul3A_72, %add3A_81 : i32
    "tpu.region"() ({
      %run_scoped3A = tpu.sem_alloc : memref<!tpu.dma_semaphore, #tpu.memory_space<semaphore_mem>>
      %dma_start3A_186 = arith.constant 0 : i32
      %dma_start3A_187 = tpu.memref_slice %arg7[%add3A_82, %dma_start3A_186] : memref<10112x128xf32, #tpu.memory_space<vmem_shared>> -> memref<80x128xf32, #tpu.memory_space<vmem_shared>>
      %dma_start3A_188 = arith.constant 0 : i32
      %dma_start3A_189 = tpu.memref_slice %arg7[%add3A_82, %dma_start3A_188] : memref<10112x128xf32, #tpu.memory_space<vmem_shared>> -> memref<80x128xf32, #tpu.memory_space<vmem_shared>>
      tpu.enqueue_dma source(%arg9 : memref<80x128xf32, #tpu.memory_space<vmem>>) target(%dma_start3A_189 : memref<80x128xf32, #tpu.memory_space<vmem_shared>>) target_semaphore(%run_scoped3A : memref<!tpu.dma_semaphore, #tpu.memory_space<semaphore_mem>>)
      %dma_wait3A_190 = arith.constant 0 : i32
      %dma_wait3A_191 = tpu.memref_slice %arg7[%add3A_82, %dma_wait3A_190] : memref<10112x128xf32, #tpu.memory_space<vmem_shared>> -> memref<80x128xf32, #tpu.memory_space<vmem_shared>>
      %dma_wait3A_192 = arith.constant 0 : i32
      %dma_wait3A_193 = tpu.memref_slice %arg7[%add3A_82, %dma_wait3A_192] : memref<10112x128xf32, #tpu.memory_space<vmem_shared>> -> memref<80x128xf32, #tpu.memory_space<vmem_shared>>
      tpu.wait_dma2 semaphore(%run_scoped3A : memref<!tpu.dma_semaphore, #tpu.memory_space<semaphore_mem>>) src(%arg9 : memref<80x128xf32, #tpu.memory_space<vmem>>) dst(%dma_wait3A_193 : memref<80x128xf32, #tpu.memory_space<vmem_shared>>)
      tpu.yield
    }) : () -> ()
    %add3A_83 = arith.constant 400 : i32
    %add3A_84 = arith.addi %mul3A_72, %add3A_83 : i32
    "tpu.region"() ({
      %run_scoped3A = tpu.sem_alloc : memref<!tpu.dma_semaphore, #tpu.memory_space<semaphore_mem>>
      %dma_start3A_186 = arith.constant 0 : i32
      %dma_start3A_187 = tpu.memref_slice %arg7[%add3A_84, %dma_start3A_186] : memref<10112x128xf32, #tpu.memory_space<vmem_shared>> -> memref<80x128xf32, #tpu.memory_space<vmem_shared>>
      %dma_start3A_188 = arith.constant 0 : i32
      %dma_start3A_189 = tpu.memref_slice %arg7[%add3A_84, %dma_start3A_188] : memref<10112x128xf32, #tpu.memory_space<vmem_shared>> -> memref<80x128xf32, #tpu.memory_space<vmem_shared>>
      tpu.enqueue_dma source(%arg9 : memref<80x128xf32, #tpu.memory_space<vmem>>) target(%dma_start3A_189 : memref<80x128xf32, #tpu.memory_space<vmem_shared>>) target_semaphore(%run_scoped3A : memref<!tpu.dma_semaphore, #tpu.memory_space<semaphore_mem>>)
      %dma_wait3A_190 = arith.constant 0 : i32
      %dma_wait3A_191 = tpu.memref_slice %arg7[%add3A_84, %dma_wait3A_190] : memref<10112x128xf32, #tpu.memory_space<vmem_shared>> -> memref<80x128xf32, #tpu.memory_space<vmem_shared>>
      %dma_wait3A_192 = arith.constant 0 : i32
      %dma_wait3A_193 = tpu.memref_slice %arg7[%add3A_84, %dma_wait3A_192] : memref<10112x128xf32, #tpu.memory_space<vmem_shared>> -> memref<80x128xf32, #tpu.memory_space<vmem_shared>>
      tpu.wait_dma2 semaphore(%run_scoped3A : memref<!tpu.dma_semaphore, #tpu.memory_space<semaphore_mem>>) src(%arg9 : memref<80x128xf32, #tpu.memory_space<vmem>>) dst(%dma_wait3A_193 : memref<80x128xf32, #tpu.memory_space<vmem_shared>>)
      tpu.yield
    }) : () -> ()
    %add3A_85 = arith.constant 480 : i32
    %add3A_86 = arith.addi %mul3A_72, %add3A_85 : i32
    "tpu.region"() ({
      %run_scoped3A = tpu.sem_alloc : memref<!tpu.dma_semaphore, #tpu.memory_space<semaphore_mem>>
      %dma_start3A_186 = arith.constant 0 : i32
      %dma_start3A_187 = tpu.memref_slice %arg7[%add3A_86, %dma_start3A_186] : memref<10112x128xf32, #tpu.memory_space<vmem_shared>> -> memref<80x128xf32, #tpu.memory_space<vmem_shared>>
      %dma_start3A_188 = arith.constant 0 : i32
      %dma_start3A_189 = tpu.memref_slice %arg7[%add3A_86, %dma_start3A_188] : memref<10112x128xf32, #tpu.memory_space<vmem_shared>> -> memref<80x128xf32, #tpu.memory_space<vmem_shared>>
      tpu.enqueue_dma source(%arg9 : memref<80x128xf32, #tpu.memory_space<vmem>>) target(%dma_start3A_189 : memref<80x128xf32, #tpu.memory_space<vmem_shared>>) target_semaphore(%run_scoped3A : memref<!tpu.dma_semaphore, #tpu.memory_space<semaphore_mem>>)
      %dma_wait3A_190 = arith.constant 0 : i32
      %dma_wait3A_191 = tpu.memref_slice %arg7[%add3A_86, %dma_wait3A_190] : memref<10112x128xf32, #tpu.memory_space<vmem_shared>> -> memref<80x128xf32, #tpu.memory_space<vmem_shared>>
      %dma_wait3A_192 = arith.constant 0 : i32
      %dma_wait3A_193 = tpu.memref_slice %arg7[%add3A_86, %dma_wait3A_192] : memref<10112x128xf32, #tpu.memory_space<vmem_shared>> -> memref<80x128xf32, #tpu.memory_space<vmem_shared>>
      tpu.wait_dma2 semaphore(%run_scoped3A : memref<!tpu.dma_semaphore, #tpu.memory_space<semaphore_mem>>) src(%arg9 : memref<80x128xf32, #tpu.memory_space<vmem>>) dst(%dma_wait3A_193 : memref<80x128xf32, #tpu.memory_space<vmem_shared>>)
      tpu.yield
    }) : () -> ()
    %add3A_87 = arith.constant 560 : i32
    %add3A_88 = arith.addi %mul3A_72, %add3A_87 : i32
    "tpu.region"() ({
      %run_scoped3A = tpu.sem_alloc : memref<!tpu.dma_semaphore, #tpu.memory_space<semaphore_mem>>
      %dma_start3A_186 = arith.constant 0 : i32
      %dma_start3A_187 = arith.constant 0 : i32
      %dma_start3A_188 = tpu.memref_slice %arg9[%dma_start3A_186, %dma_start3A_187] : memref<80x128xf32, #tpu.memory_space<vmem>> -> memref<72x128xf32, #tpu.memory_space<vmem>>
      %dma_start3A_189 = arith.constant 0 : i32
      %dma_start3A_190 = tpu.memref_slice %arg7[%add3A_88, %dma_start3A_189] : memref<10112x128xf32, #tpu.memory_space<vmem_shared>> -> memref<72x128xf32, #tpu.memory_space<vmem_shared>>
      %dma_start3A_191 = arith.constant 0 : i32
      %dma_start3A_192 = tpu.memref_slice %arg7[%add3A_88, %dma_start3A_191] : memref<10112x128xf32, #tpu.memory_space<vmem_shared>> -> memref<72x128xf32, #tpu.memory_space<vmem_shared>>
      %dma_start3A_193 = arith.constant 0 : i32
      %dma_start3A_194 = arith.constant 0 : i32
      %dma_start3A_195 = tpu.memref_slice %arg9[%dma_start3A_193, %dma_start3A_194] : memref<80x128xf32, #tpu.memory_space<vmem>> -> memref<72x128xf32, #tpu.memory_space<vmem>>
      tpu.enqueue_dma source(%dma_start3A_195 : memref<72x128xf32, #tpu.memory_space<vmem>>) target(%dma_start3A_192 : memref<72x128xf32, #tpu.memory_space<vmem_shared>>) target_semaphore(%run_scoped3A : memref<!tpu.dma_semaphore, #tpu.memory_space<semaphore_mem>>)
      %dma_wait3A_196 = arith.constant 0 : i32
      %dma_wait3A_197 = arith.constant 0 : i32
      %dma_wait3A_198 = tpu.memref_slice %arg9[%dma_wait3A_196, %dma_wait3A_197] : memref<80x128xf32, #tpu.memory_space<vmem>> -> memref<72x128xf32, #tpu.memory_space<vmem>>
      %dma_wait3A_199 = arith.constant 0 : i32
      %dma_wait3A_200 = tpu.memref_slice %arg7[%add3A_88, %dma_wait3A_199] : memref<10112x128xf32, #tpu.memory_space<vmem_shared>> -> memref<72x128xf32, #tpu.memory_space<vmem_shared>>
      %dma_wait3A_201 = arith.constant 0 : i32
      %dma_wait3A_202 = tpu.memref_slice %arg7[%add3A_88, %dma_wait3A_201] : memref<10112x128xf32, #tpu.memory_space<vmem_shared>> -> memref<72x128xf32, #tpu.memory_space<vmem_shared>>
      %dma_wait3A_203 = arith.constant 0 : i32
      %dma_wait3A_204 = arith.constant 0 : i32
      %dma_wait3A_205 = tpu.memref_slice %arg9[%dma_wait3A_203, %dma_wait3A_204] : memref<80x128xf32, #tpu.memory_space<vmem>> -> memref<72x128xf32, #tpu.memory_space<vmem>>
      tpu.wait_dma2 semaphore(%run_scoped3A : memref<!tpu.dma_semaphore, #tpu.memory_space<semaphore_mem>>) src(%dma_wait3A_205 : memref<72x128xf32, #tpu.memory_space<vmem>>) dst(%dma_wait3A_202 : memref<72x128xf32, #tpu.memory_space<vmem_shared>>)
      tpu.yield
    }) : () -> ()
    %barrier3A = arith.constant 0 : index
    tpu.barrier barrier_id(%barrier3A)
    %rem3A_89 = arith.constant 0 : i32
    %rem3A_90 = arith.constant 16 : i32
    %rem3A_91 = arith.remsi %rem3A_89, %rem3A_90 : i32
    %dma_wait3A = arith.constant 0 : i32
    %dma_wait3A_92 = arith.constant 0 : i32
    %dma_wait3A_93 = tpu.memref_slice %arg8[%rem3A_91, %dma_wait3A_92] : memref<16x80xi32, #tpu.memory_space<vmem>> -> memref<1x80xi32, #tpu.memory_space<vmem>>
    %dma_wait3A_94 = arith.constant 0 : i32
    %dma_wait3A_95 = arith.constant 0 : i32
    %dma_wait3A_96 = tpu.memref_slice %arg2[%add3A, %dma_wait3A, %dma_wait3A_94, %dma_wait3A_95] : memref<32x125x1x80xi32, #tpu.memory_space<hbm>> -> memref<1x1x1x80xi32, #tpu.memory_space<hbm>>
    %dma_wait3A_97 = tpu.memref_squeeze %dma_wait3A_96 : memref<1x1x1x80xi32, #tpu.memory_space<hbm>> -> memref<1x80xi32, #tpu.memory_space<hbm>>
    %dma_wait3A_98 = arith.constant 0 : i32
    %dma_wait3A_99 = tpu.memref_slice %arg8[%rem3A_91, %dma_wait3A_98] : memref<16x80xi32, #tpu.memory_space<vmem>> -> memref<1x80xi32, #tpu.memory_space<vmem>>
    %dma_wait3A_100 = arith.constant 0 : i32
    %dma_wait3A_101 = arith.constant 0 : i32
    %dma_wait3A_102 = tpu.memref_slice %arg2[%add3A, %dma_wait3A, %dma_wait3A_100, %dma_wait3A_101] : memref<32x125x1x80xi32, #tpu.memory_space<hbm>> -> memref<1x1x1x80xi32, #tpu.memory_space<hbm>>
    %dma_wait3A_103 = tpu.memref_squeeze %dma_wait3A_102 : memref<1x1x1x80xi32, #tpu.memory_space<hbm>> -> memref<1x80xi32, #tpu.memory_space<hbm>>
    tpu.wait_dma2 semaphore(%arg15 : memref<!tpu.dma_semaphore, #tpu.memory_space<semaphore_mem>>) src(%dma_wait3A_103 : memref<1x80xi32, #tpu.memory_space<hbm>>) dst(%dma_wait3A_99 : memref<1x80xi32, #tpu.memory_space<vmem>>)
    %add3A_104 = arith.constant 0 : i32
    %add3A_105 = arith.addi %mul3A_2, %add3A_104 : i32
    %dma_start3A_106 = arith.constant 0 : i32
    %dma_start3A_107 = tpu.memref_slice %arg4[%add3A_105, %dma_start3A_106] : memref<320000x128xf32, #tpu.memory_space<hbm>> -> memref<80x128xf32, #tpu.memory_space<hbm>>
    %dma_start3A_108 = arith.constant 0 : i32
    %dma_start3A_109 = tpu.memref_slice %arg4[%add3A_105, %dma_start3A_108] : memref<320000x128xf32, #tpu.memory_space<hbm>> -> memref<80x128xf32, #tpu.memory_space<hbm>>
    tpu.enqueue_dma source(%dma_start3A_109 : memref<80x128xf32, #tpu.memory_space<hbm>>) target(%arg9 : memref<80x128xf32, #tpu.memory_space<vmem>>) target_semaphore(%arg17 : memref<!tpu.dma_semaphore, #tpu.memory_space<semaphore_mem>>)
    %rem3A_110 = arith.constant 0 : i32
    %rem3A_111 = arith.constant 16 : i32
    %rem3A_112 = arith.remsi %rem3A_110, %rem3A_111 : i32
    %dma_start3A_113 = arith.constant 0 : i32
    %dma_start3A_114 = tpu.memref_slice %arg8[%rem3A_112, %dma_start3A_113] : memref<16x80xi32, #tpu.memory_space<vmem>> -> memref<1x80xi32, #tpu.memory_space<vmem>>
    %dma_start3A_115 = tpu.memref_squeeze %dma_start3A_114 : memref<1x80xi32, #tpu.memory_space<vmem>> -> memref<80xi32, #tpu.memory_space<vmem>>
    %dma_start3A_116 = arith.constant 0 : i32
    %dma_start3A_117 = arith.constant 0 : i32
    %dma_start3A_118 = tpu.memref_slice %arg5[%dma_start3A_116, %dma_start3A_117] : memref<10000x128xf32, #tpu.memory_space<hbm>> -> memref<10000x128xf32, #tpu.memory_space<hbm>>
    tpu.enqueue_indirect_dma source(%dma_start3A_118 : memref<10000x128xf32, #tpu.memory_space<hbm>>) target(%arg11 : memref<80x128xf32, #tpu.memory_space<vmem>>) offsets(%dma_start3A_115 : memref<80xi32, #tpu.memory_space<vmem>>) semaphore(%arg18 : memref<!tpu.dma_semaphore, #tpu.memory_space<semaphore_mem>>)
    %dma_start3A_119 = arith.constant 0 : i32
    %dma_start3A_120 = arith.constant 0 : i32
    %dma_start3A_121 = arith.constant 0 : i32
    %dma_start3A_122 = tpu.memref_slice %arg3[%add3A, %dma_start3A_119, %dma_start3A_120, %dma_start3A_121] : memref<32x125x1x80xi32, #tpu.memory_space<hbm>> -> memref<1x1x1x80xi32, #tpu.memory_space<hbm>>
    %dma_start3A_123 = tpu.memref_squeeze %dma_start3A_122 : memref<1x1x1x80xi32, #tpu.memory_space<hbm>> -> memref<1x80xi32, #tpu.memory_space<hbm>>
    %dma_start3A_124 = arith.constant 0 : i32
    %dma_start3A_125 = arith.constant 0 : i32
    %dma_start3A_126 = tpu.memref_slice %arg3[%add3A, %dma_start3A_119, %dma_start3A_124, %dma_start3A_125] : memref<32x125x1x80xi32, #tpu.memory_space<hbm>> -> memref<1x1x1x80xi32, #tpu.memory_space<hbm>>
    %dma_start3A_127 = tpu.memref_squeeze %dma_start3A_126 : memref<1x1x1x80xi32, #tpu.memory_space<hbm>> -> memref<1x80xi32, #tpu.memory_space<hbm>>
    tpu.enqueue_dma source(%dma_start3A_127 : memref<1x80xi32, #tpu.memory_space<hbm>>) target(%arg13 : memref<1x80xi32, #tpu.memory_space<vmem>>) target_semaphore(%arg16 : memref<!tpu.dma_semaphore, #tpu.memory_space<semaphore_mem>>)
    %scan3A_128 = arith.constant 0 : i32
    %scan3A_129 = arith.constant 0 : i32
    %scan3A_130 = arith.constant 62 : i32
    %scan3A_131 = arith.addi %scan3A_129, %scan3A_130 : i32
    %scan3A_132 = arith.constant 1 : i32
    scf.for %scan3A_186 = %scan3A_129 to %scan3A_131 step %scan3A_132  : i32 {
      %mul3A_187 = arith.constant 2 : i32
      %mul3A_188 = arith.muli %mul3A_187, %scan3A_186 : i32
      %add3A_189 = arith.constant 1 : i32
      %add3A_190 = arith.addi %mul3A_188, %add3A_189 : i32
      %gt3A = arith.constant 0 : i32
      %gt3A_191 = arith.cmpi sgt, %scan3A_186, %gt3A : i32
      %convert_element_type3A = arith.extui %gt3A_191 : i1 to i32
      %cond3A = arith.constant 0 : i32
      %cond3A_192 = arith.cmpi ne, %convert_element_type3A, %cond3A : i32
      scf.if %cond3A_192 {
        %dma_wait3A_363 = arith.constant 0 : i32
        %dma_wait3A_364 = arith.constant 0 : i32
        %dma_wait3A_365 = tpu.memref_slice %arg14[%dma_wait3A_363, %dma_wait3A_364] : memref<1x80xi32, #tpu.memory_space<vmem>> -> memref<1x80xi32, #tpu.memory_space<vmem>>
        %dma_wait3A_366 = tpu.memref_squeeze %dma_wait3A_365 : memref<1x80xi32, #tpu.memory_space<vmem>> -> memref<80xi32, #tpu.memory_space<vmem>>
        %dma_wait3A_367 = arith.constant 0 : i32
        %dma_wait3A_368 = arith.constant 0 : i32
        %dma_wait3A_369 = tpu.memref_slice %arg7[%dma_wait3A_367, %dma_wait3A_368] : memref<10112x128xf32, #tpu.memory_space<vmem_shared>> -> memref<10112x128xf32, #tpu.memory_space<vmem_shared>>
        tpu.wait_indirect_dma semaphore(%arg19 : memref<!tpu.dma_semaphore, #tpu.memory_space<semaphore_mem>>) src(%arg10 : memref<80x128xf32, #tpu.memory_space<vmem>>) dst(%dma_wait3A_369 : memref<10112x128xf32, #tpu.memory_space<vmem_shared>>)
      } else {
      }
      %rem3A_193 = arith.constant 16 : i32
      %rem3A_194 = arith.remsi %add3A_190, %rem3A_193 : i32
      %dma_wait3A_195 = arith.constant 0 : i32
      %dma_wait3A_196 = tpu.memref_slice %arg8[%rem3A_194, %dma_wait3A_195] : memref<16x80xi32, #tpu.memory_space<vmem>> -> memref<1x80xi32, #tpu.memory_space<vmem>>
      %dma_wait3A_197 = arith.constant 0 : i32
      %dma_wait3A_198 = arith.constant 0 : i32
      %dma_wait3A_199 = tpu.memref_slice %arg2[%add3A, %add3A_190, %dma_wait3A_197, %dma_wait3A_198] : memref<32x125x1x80xi32, #tpu.memory_space<hbm>> -> memref<1x1x1x80xi32, #tpu.memory_space<hbm>>
      %dma_wait3A_200 = tpu.memref_squeeze %dma_wait3A_199 : memref<1x1x1x80xi32, #tpu.memory_space<hbm>> -> memref<1x80xi32, #tpu.memory_space<hbm>>
      %dma_wait3A_201 = arith.constant 0 : i32
      %dma_wait3A_202 = tpu.memref_slice %arg8[%rem3A_194, %dma_wait3A_201] : memref<16x80xi32, #tpu.memory_space<vmem>> -> memref<1x80xi32, #tpu.memory_space<vmem>>
      %dma_wait3A_203 = arith.constant 0 : i32
      %dma_wait3A_204 = arith.constant 0 : i32
      %dma_wait3A_205 = tpu.memref_slice %arg2[%add3A, %add3A_190, %dma_wait3A_203, %dma_wait3A_204] : memref<32x125x1x80xi32, #tpu.memory_space<hbm>> -> memref<1x1x1x80xi32, #tpu.memory_space<hbm>>
      %dma_wait3A_206 = tpu.memref_squeeze %dma_wait3A_205 : memref<1x1x1x80xi32, #tpu.memory_space<hbm>> -> memref<1x80xi32, #tpu.memory_space<hbm>>
      tpu.wait_dma2 semaphore(%arg15 : memref<!tpu.dma_semaphore, #tpu.memory_space<semaphore_mem>>) src(%dma_wait3A_206 : memref<1x80xi32, #tpu.memory_space<hbm>>) dst(%dma_wait3A_202 : memref<1x80xi32, #tpu.memory_space<vmem>>)
      %mul3A_207 = arith.constant 80 : i32
      %mul3A_208 = arith.muli %add3A_190, %mul3A_207 : i32
      %add3A_209 = arith.addi %mul3A_2, %mul3A_208 : i32
      %dma_start3A_210 = arith.constant 0 : i32
      %dma_start3A_211 = tpu.memref_slice %arg4[%add3A_209, %dma_start3A_210] : memref<320000x128xf32, #tpu.memory_space<hbm>> -> memref<80x128xf32, #tpu.memory_space<hbm>>
      %dma_start3A_212 = arith.constant 0 : i32
      %dma_start3A_213 = tpu.memref_slice %arg4[%add3A_209, %dma_start3A_212] : memref<320000x128xf32, #tpu.memory_space<hbm>> -> memref<80x128xf32, #tpu.memory_space<hbm>>
      tpu.enqueue_dma source(%dma_start3A_213 : memref<80x128xf32, #tpu.memory_space<hbm>>) target(%arg10 : memref<80x128xf32, #tpu.memory_space<vmem>>) target_semaphore(%arg17 : memref<!tpu.dma_semaphore, #tpu.memory_space<semaphore_mem>>)
      %rem3A_214 = arith.constant 16 : i32
      %rem3A_215 = arith.remsi %add3A_190, %rem3A_214 : i32
      %dma_start3A_216 = arith.constant 0 : i32
      %dma_start3A_217 = tpu.memref_slice %arg8[%rem3A_215, %dma_start3A_216] : memref<16x80xi32, #tpu.memory_space<vmem>> -> memref<1x80xi32, #tpu.memory_space<vmem>>
      %dma_start3A_218 = tpu.memref_squeeze %dma_start3A_217 : memref<1x80xi32, #tpu.memory_space<vmem>> -> memref<80xi32, #tpu.memory_space<vmem>>
      %dma_start3A_219 = arith.constant 0 : i32
      %dma_start3A_220 = arith.constant 0 : i32
      %dma_start3A_221 = tpu.memref_slice %arg5[%dma_start3A_219, %dma_start3A_220] : memref<10000x128xf32, #tpu.memory_space<hbm>> -> memref<10000x128xf32, #tpu.memory_space<hbm>>
      tpu.enqueue_indirect_dma source(%dma_start3A_221 : memref<10000x128xf32, #tpu.memory_space<hbm>>) target(%arg12 : memref<80x128xf32, #tpu.memory_space<vmem>>) offsets(%dma_start3A_218 : memref<80xi32, #tpu.memory_space<vmem>>) semaphore(%arg18 : memref<!tpu.dma_semaphore, #tpu.memory_space<semaphore_mem>>)
      %dma_start3A_222 = arith.constant 0 : i32
      %dma_start3A_223 = arith.constant 0 : i32
      %dma_start3A_224 = tpu.memref_slice %arg3[%add3A, %add3A_190, %dma_start3A_222, %dma_start3A_223] : memref<32x125x1x80xi32, #tpu.memory_space<hbm>> -> memref<1x1x1x80xi32, #tpu.memory_space<hbm>>
      %dma_start3A_225 = tpu.memref_squeeze %dma_start3A_224 : memref<1x1x1x80xi32, #tpu.memory_space<hbm>> -> memref<1x80xi32, #tpu.memory_space<hbm>>
      %dma_start3A_226 = arith.constant 0 : i32
      %dma_start3A_227 = arith.constant 0 : i32
      %dma_start3A_228 = tpu.memref_slice %arg3[%add3A, %add3A_190, %dma_start3A_226, %dma_start3A_227] : memref<32x125x1x80xi32, #tpu.memory_space<hbm>> -> memref<1x1x1x80xi32, #tpu.memory_space<hbm>>
      %dma_start3A_229 = tpu.memref_squeeze %dma_start3A_228 : memref<1x1x1x80xi32, #tpu.memory_space<hbm>> -> memref<1x80xi32, #tpu.memory_space<hbm>>
      tpu.enqueue_dma source(%dma_start3A_229 : memref<1x80xi32, #tpu.memory_space<hbm>>) target(%arg14 : memref<1x80xi32, #tpu.memory_space<vmem>>) target_semaphore(%arg16 : memref<!tpu.dma_semaphore, #tpu.memory_space<semaphore_mem>>)
      %add3A_230 = arith.constant 4 : i32
      %add3A_231 = arith.addi %mul3A_188, %add3A_230 : i32
      %lt3A = arith.constant 125 : i32
      %lt3A_232 = arith.cmpi slt, %add3A_231, %lt3A : i32
      %convert_element_type3A_233 = arith.extui %lt3A_232 : i1 to i32
      %cond3A_234 = arith.constant 0 : i32
      %cond3A_235 = arith.cmpi ne, %convert_element_type3A_233, %cond3A_234 : i32
      scf.if %cond3A_235 {
        %add3A_363 = arith.constant 4 : i32
        %add3A_364 = arith.addi %mul3A_188, %add3A_363 : i32
        %rem3A_365 = arith.constant 16 : i32
        %rem3A_366 = arith.remsi %add3A_364, %rem3A_365 : i32
        %dma_start3A_367 = arith.constant 0 : i32
        %dma_start3A_368 = tpu.memref_slice %arg8[%rem3A_366, %dma_start3A_367] : memref<16x80xi32, #tpu.memory_space<vmem>> -> memref<1x80xi32, #tpu.memory_space<vmem>>
        %dma_start3A_369 = arith.constant 0 : i32
        %dma_start3A_370 = arith.constant 0 : i32
        %dma_start3A_371 = tpu.memref_slice %arg2[%add3A, %add3A_364, %dma_start3A_369, %dma_start3A_370] : memref<32x125x1x80xi32, #tpu.memory_space<hbm>> -> memref<1x1x1x80xi32, #tpu.memory_space<hbm>>
        %dma_start3A_372 = tpu.memref_squeeze %dma_start3A_371 : memref<1x1x1x80xi32, #tpu.memory_space<hbm>> -> memref<1x80xi32, #tpu.memory_space<hbm>>
        %dma_start3A_373 = arith.constant 0 : i32
        %dma_start3A_374 = tpu.memref_slice %arg8[%rem3A_366, %dma_start3A_373] : memref<16x80xi32, #tpu.memory_space<vmem>> -> memref<1x80xi32, #tpu.memory_space<vmem>>
        %dma_start3A_375 = arith.constant 0 : i32
        %dma_start3A_376 = arith.constant 0 : i32
        %dma_start3A_377 = tpu.memref_slice %arg2[%add3A, %add3A_364, %dma_start3A_375, %dma_start3A_376] : memref<32x125x1x80xi32, #tpu.memory_space<hbm>> -> memref<1x1x1x80xi32, #tpu.memory_space<hbm>>
        %dma_start3A_378 = tpu.memref_squeeze %dma_start3A_377 : memref<1x1x1x80xi32, #tpu.memory_space<hbm>> -> memref<1x80xi32, #tpu.memory_space<hbm>>
        tpu.enqueue_dma source(%dma_start3A_378 : memref<1x80xi32, #tpu.memory_space<hbm>>) target(%dma_start3A_374 : memref<1x80xi32, #tpu.memory_space<vmem>>) target_semaphore(%arg15 : memref<!tpu.dma_semaphore, #tpu.memory_space<semaphore_mem>>)
      } else {
      }
      %add3A_236 = arith.constant 5 : i32
      %add3A_237 = arith.addi %mul3A_188, %add3A_236 : i32
      %lt3A_238 = arith.constant 125 : i32
      %lt3A_239 = arith.cmpi slt, %add3A_237, %lt3A_238 : i32
      %convert_element_type3A_240 = arith.extui %lt3A_239 : i1 to i32
      %cond3A_241 = arith.constant 0 : i32
      %cond3A_242 = arith.cmpi ne, %convert_element_type3A_240, %cond3A_241 : i32
      scf.if %cond3A_242 {
        %add3A_363 = arith.constant 5 : i32
        %add3A_364 = arith.addi %mul3A_188, %add3A_363 : i32
        %rem3A_365 = arith.constant 16 : i32
        %rem3A_366 = arith.remsi %add3A_364, %rem3A_365 : i32
        %dma_start3A_367 = arith.constant 0 : i32
        %dma_start3A_368 = tpu.memref_slice %arg8[%rem3A_366, %dma_start3A_367] : memref<16x80xi32, #tpu.memory_space<vmem>> -> memref<1x80xi32, #tpu.memory_space<vmem>>
        %dma_start3A_369 = arith.constant 0 : i32
        %dma_start3A_370 = arith.constant 0 : i32
        %dma_start3A_371 = tpu.memref_slice %arg2[%add3A, %add3A_364, %dma_start3A_369, %dma_start3A_370] : memref<32x125x1x80xi32, #tpu.memory_space<hbm>> -> memref<1x1x1x80xi32, #tpu.memory_space<hbm>>
        %dma_start3A_372 = tpu.memref_squeeze %dma_start3A_371 : memref<1x1x1x80xi32, #tpu.memory_space<hbm>> -> memref<1x80xi32, #tpu.memory_space<hbm>>
        %dma_start3A_373 = arith.constant 0 : i32
        %dma_start3A_374 = tpu.memref_slice %arg8[%rem3A_366, %dma_start3A_373] : memref<16x80xi32, #tpu.memory_space<vmem>> -> memref<1x80xi32, #tpu.memory_space<vmem>>
        %dma_start3A_375 = arith.constant 0 : i32
        %dma_start3A_376 = arith.constant 0 : i32
        %dma_start3A_377 = tpu.memref_slice %arg2[%add3A, %add3A_364, %dma_start3A_375, %dma_start3A_376] : memref<32x125x1x80xi32, #tpu.memory_space<hbm>> -> memref<1x1x1x80xi32, #tpu.memory_space<hbm>>
        %dma_start3A_378 = tpu.memref_squeeze %dma_start3A_377 : memref<1x1x1x80xi32, #tpu.memory_space<hbm>> -> memref<1x80xi32, #tpu.memory_space<hbm>>
        tpu.enqueue_dma source(%dma_start3A_378 : memref<1x80xi32, #tpu.memory_space<hbm>>) target(%dma_start3A_374 : memref<1x80xi32, #tpu.memory_space<vmem>>) target_semaphore(%arg15 : memref<!tpu.dma_semaphore, #tpu.memory_space<semaphore_mem>>)
      } else {
      }
      %mul3A_243 = arith.constant 80 : i32
      %mul3A_244 = arith.muli %mul3A_188, %mul3A_243 : i32
      %add3A_245 = arith.addi %mul3A_2, %mul3A_244 : i32
      %dma_wait3A_246 = arith.constant 0 : i32
      %dma_wait3A_247 = tpu.memref_slice %arg4[%add3A_245, %dma_wait3A_246] : memref<320000x128xf32, #tpu.memory_space<hbm>> -> memref<80x128xf32, #tpu.memory_space<hbm>>
      %dma_wait3A_248 = arith.constant 0 : i32
      %dma_wait3A_249 = tpu.memref_slice %arg4[%add3A_245, %dma_wait3A_248] : memref<320000x128xf32, #tpu.memory_space<hbm>> -> memref<80x128xf32, #tpu.memory_space<hbm>>
      tpu.wait_dma2 semaphore(%arg17 : memref<!tpu.dma_semaphore, #tpu.memory_space<semaphore_mem>>) src(%dma_wait3A_249 : memref<80x128xf32, #tpu.memory_space<hbm>>) dst(%arg9 : memref<80x128xf32, #tpu.memory_space<vmem>>)
      %rem3A_250 = arith.constant 16 : i32
      %rem3A_251 = arith.remsi %mul3A_188, %rem3A_250 : i32
      %dma_wait3A_252 = arith.constant 0 : i32
      %dma_wait3A_253 = tpu.memref_slice %arg8[%rem3A_251, %dma_wait3A_252] : memref<16x80xi32, #tpu.memory_space<vmem>> -> memref<1x80xi32, #tpu.memory_space<vmem>>
      %dma_wait3A_254 = tpu.memref_squeeze %dma_wait3A_253 : memref<1x80xi32, #tpu.memory_space<vmem>> -> memref<80xi32, #tpu.memory_space<vmem>>
      %dma_wait3A_255 = arith.constant 0 : i32
      %dma_wait3A_256 = arith.constant 0 : i32
      %dma_wait3A_257 = tpu.memref_slice %arg5[%dma_wait3A_255, %dma_wait3A_256] : memref<10000x128xf32, #tpu.memory_space<hbm>> -> memref<10000x128xf32, #tpu.memory_space<hbm>>
      tpu.wait_indirect_dma semaphore(%arg18 : memref<!tpu.dma_semaphore, #tpu.memory_space<semaphore_mem>>) src(%dma_wait3A_257 : memref<10000x128xf32, #tpu.memory_space<hbm>>) dst(%arg11 : memref<80x128xf32, #tpu.memory_space<vmem>>)
      %scan3A_258 = arith.constant 0 : i32
      %scan3A_259 = arith.constant 0 : i32
      %scan3A_260 = arith.constant 80 : i32
      %scan3A_261 = arith.addi %scan3A_259, %scan3A_260 : i32
      %scan3A_262 = arith.constant 1 : i32
      scf.for %scan3A_363 = %scan3A_259 to %scan3A_261 step %scan3A_262  : i32 {
        %get3A = arith.index_cast %scan3A_363 : i32 to index
        %get3A_364 = arith.constant 0 : index
        %get3A_365 = tpu.vector_load %arg9[%get3A, %get3A_364] {strides = array<i32>} : memref<80x128xf32, #tpu.memory_space<vmem>>, vector<1x16xf32>,
        %get3A_366 = vector.shape_cast %get3A_365 : vector<1x16xf32> to vector<16xf32>
        %get3A_367 = arith.index_cast %scan3A_363 : i32 to index
        %get3A_368 = arith.constant 0 : index
        %get3A_369 = tpu.vector_load %arg11[%get3A_367, %get3A_368] {strides = array<i32>} : memref<80x128xf32, #tpu.memory_space<vmem>>, vector<1x16xf32>,
        %get3A_370 = vector.shape_cast %get3A_369 : vector<1x16xf32> to vector<16xf32>
        %add3A_371 = arith.addf %get3A_366, %get3A_370 : vector<16xf32>
        %max3A = arith.constant 0.000000e+00 : f32
        %max3A_372 = vector.broadcast %max3A : f32 to vector<16xf32>
        %max3A_373 = arith.maximumf %add3A_371, %max3A_372 : vector<16xf32>
        %swap3A = arith.index_cast %scan3A_363 : i32 to index
        %swap3A_374 = arith.constant 0 : index
        %swap3A_375 = tpu.vector_load %arg9[%swap3A, %swap3A_374] {strides = array<i32>} : memref<80x128xf32, #tpu.memory_space<vmem>>, vector<1x16xf32>,
        %swap3A_376 = vector.shape_cast %swap3A_375 : vector<1x16xf32> to vector<16xf32>
        %swap3A_377 = vector.shape_cast %max3A_373 : vector<16xf32> to vector<1x16xf32>
        tpu.vector_store %arg9[%swap3A, %swap3A_374], %swap3A_377 {strides = array<i32>} : memref<80x128xf32, #tpu.memory_space<vmem>>, vector<1x16xf32>,
        %get3A_378 = arith.index_cast %scan3A_363 : i32 to index
        %get3A_379 = arith.constant 16 : index
        %get3A_380 = tpu.vector_load %arg9[%get3A_378, %get3A_379] {strides = array<i32>} : memref<80x128xf32, #tpu.memory_space<vmem>>, vector<1x16xf32>,
        %get3A_381 = vector.shape_cast %get3A_380 : vector<1x16xf32> to vector<16xf32>
        %get3A_382 = arith.index_cast %scan3A_363 : i32 to index
        %get3A_383 = arith.constant 16 : index
        %get3A_384 = tpu.vector_load %arg11[%get3A_382, %get3A_383] {strides = array<i32>} : memref<80x128xf32, #tpu.memory_space<vmem>>, vector<1x16xf32>,
        %get3A_385 = vector.shape_cast %get3A_384 : vector<1x16xf32> to vector<16xf32>
        %add3A_386 = arith.addf %get3A_381, %get3A_385 : vector<16xf32>
        %max3A_387 = arith.constant 0.000000e+00 : f32
        %max3A_388 = vector.broadcast %max3A_387 : f32 to vector<16xf32>
        %max3A_389 = arith.maximumf %add3A_386, %max3A_388 : vector<16xf32>
        %swap3A_390 = arith.index_cast %scan3A_363 : i32 to index
        %swap3A_391 = arith.constant 16 : index
        %swap3A_392 = tpu.vector_load %arg9[%swap3A_390, %swap3A_391] {strides = array<i32>} : memref<80x128xf32, #tpu.memory_space<vmem>>, vector<1x16xf32>,
        %swap3A_393 = vector.shape_cast %swap3A_392 : vector<1x16xf32> to vector<16xf32>
        %swap3A_394 = vector.shape_cast %max3A_389 : vector<16xf32> to vector<1x16xf32>
        tpu.vector_store %arg9[%swap3A_390, %swap3A_391], %swap3A_394 {strides = array<i32>} : memref<80x128xf32, #tpu.memory_space<vmem>>, vector<1x16xf32>,
        %get3A_395 = arith.index_cast %scan3A_363 : i32 to index
        %get3A_396 = arith.constant 32 : index
        %get3A_397 = tpu.vector_load %arg9[%get3A_395, %get3A_396] {strides = array<i32>} : memref<80x128xf32, #tpu.memory_space<vmem>>, vector<1x16xf32>,
        %get3A_398 = vector.shape_cast %get3A_397 : vector<1x16xf32> to vector<16xf32>
        %get3A_399 = arith.index_cast %scan3A_363 : i32 to index
        %get3A_400 = arith.constant 32 : index
        %get3A_401 = tpu.vector_load %arg11[%get3A_399, %get3A_400] {strides = array<i32>} : memref<80x128xf32, #tpu.memory_space<vmem>>, vector<1x16xf32>,
        %get3A_402 = vector.shape_cast %get3A_401 : vector<1x16xf32> to vector<16xf32>
        %add3A_403 = arith.addf %get3A_398, %get3A_402 : vector<16xf32>
        %max3A_404 = arith.constant 0.000000e+00 : f32
        %max3A_405 = vector.broadcast %max3A_404 : f32 to vector<16xf32>
        %max3A_406 = arith.maximumf %add3A_403, %max3A_405 : vector<16xf32>
        %swap3A_407 = arith.index_cast %scan3A_363 : i32 to index
        %swap3A_408 = arith.constant 32 : index
        %swap3A_409 = tpu.vector_load %arg9[%swap3A_407, %swap3A_408] {strides = array<i32>} : memref<80x128xf32, #tpu.memory_space<vmem>>, vector<1x16xf32>,
        %swap3A_410 = vector.shape_cast %swap3A_409 : vector<1x16xf32> to vector<16xf32>
        %swap3A_411 = vector.shape_cast %max3A_406 : vector<16xf32> to vector<1x16xf32>
        tpu.vector_store %arg9[%swap3A_407, %swap3A_408], %swap3A_411 {strides = array<i32>} : memref<80x128xf32, #tpu.memory_space<vmem>>, vector<1x16xf32>,
        %get3A_412 = arith.index_cast %scan3A_363 : i32 to index
        %get3A_413 = arith.constant 48 : index
        %get3A_414 = tpu.vector_load %arg9[%get3A_412, %get3A_413] {strides = array<i32>} : memref<80x128xf32, #tpu.memory_space<vmem>>, vector<1x16xf32>,
        %get3A_415 = vector.shape_cast %get3A_414 : vector<1x16xf32> to vector<16xf32>
        %get3A_416 = arith.index_cast %scan3A_363 : i32 to index
        %get3A_417 = arith.constant 48 : index
        %get3A_418 = tpu.vector_load %arg11[%get3A_416, %get3A_417] {strides = array<i32>} : memref<80x128xf32, #tpu.memory_space<vmem>>, vector<1x16xf32>,
        %get3A_419 = vector.shape_cast %get3A_418 : vector<1x16xf32> to vector<16xf32>
        %add3A_420 = arith.addf %get3A_415, %get3A_419 : vector<16xf32>
        %max3A_421 = arith.constant 0.000000e+00 : f32
        %max3A_422 = vector.broadcast %max3A_421 : f32 to vector<16xf32>
        %max3A_423 = arith.maximumf %add3A_420, %max3A_422 : vector<16xf32>
        %swap3A_424 = arith.index_cast %scan3A_363 : i32 to index
        %swap3A_425 = arith.constant 48 : index
        %swap3A_426 = tpu.vector_load %arg9[%swap3A_424, %swap3A_425] {strides = array<i32>} : memref<80x128xf32, #tpu.memory_space<vmem>>, vector<1x16xf32>,
        %swap3A_427 = vector.shape_cast %swap3A_426 : vector<1x16xf32> to vector<16xf32>
        %swap3A_428 = vector.shape_cast %max3A_423 : vector<16xf32> to vector<1x16xf32>
        tpu.vector_store %arg9[%swap3A_424, %swap3A_425], %swap3A_428 {strides = array<i32>} : memref<80x128xf32, #tpu.memory_space<vmem>>, vector<1x16xf32>,
        %get3A_429 = arith.index_cast %scan3A_363 : i32 to index
        %get3A_430 = arith.constant 64 : index
        %get3A_431 = tpu.vector_load %arg9[%get3A_429, %get3A_430] {strides = array<i32>} : memref<80x128xf32, #tpu.memory_space<vmem>>, vector<1x16xf32>,
        %get3A_432 = vector.shape_cast %get3A_431 : vector<1x16xf32> to vector<16xf32>
        %get3A_433 = arith.index_cast %scan3A_363 : i32 to index
        %get3A_434 = arith.constant 64 : index
        %get3A_435 = tpu.vector_load %arg11[%get3A_433, %get3A_434] {strides = array<i32>} : memref<80x128xf32, #tpu.memory_space<vmem>>, vector<1x16xf32>,
        %get3A_436 = vector.shape_cast %get3A_435 : vector<1x16xf32> to vector<16xf32>
        %add3A_437 = arith.addf %get3A_432, %get3A_436 : vector<16xf32>
        %max3A_438 = arith.constant 0.000000e+00 : f32
        %max3A_439 = vector.broadcast %max3A_438 : f32 to vector<16xf32>
        %max3A_440 = arith.maximumf %add3A_437, %max3A_439 : vector<16xf32>
        %swap3A_441 = arith.index_cast %scan3A_363 : i32 to index
        %swap3A_442 = arith.constant 64 : index
        %swap3A_443 = tpu.vector_load %arg9[%swap3A_441, %swap3A_442] {strides = array<i32>} : memref<80x128xf32, #tpu.memory_space<vmem>>, vector<1x16xf32>,
        %swap3A_444 = vector.shape_cast %swap3A_443 : vector<1x16xf32> to vector<16xf32>
        %swap3A_445 = vector.shape_cast %max3A_440 : vector<16xf32> to vector<1x16xf32>
        tpu.vector_store %arg9[%swap3A_441, %swap3A_442], %swap3A_445 {strides = array<i32>} : memref<80x128xf32, #tpu.memory_space<vmem>>, vector<1x16xf32>,
        %get3A_446 = arith.index_cast %scan3A_363 : i32 to index
        %get3A_447 = arith.constant 80 : index
        %get3A_448 = tpu.vector_load %arg9[%get3A_446, %get3A_447] {strides = array<i32>} : memref<80x128xf32, #tpu.memory_space<vmem>>, vector<1x16xf32>,
        %get3A_449 = vector.shape_cast %get3A_448 : vector<1x16xf32> to vector<16xf32>
        %get3A_450 = arith.index_cast %scan3A_363 : i32 to index
        %get3A_451 = arith.constant 80 : index
        %get3A_452 = tpu.vector_load %arg11[%get3A_450, %get3A_451] {strides = array<i32>} : memref<80x128xf32, #tpu.memory_space<vmem>>, vector<1x16xf32>,
        %get3A_453 = vector.shape_cast %get3A_452 : vector<1x16xf32> to vector<16xf32>
        %add3A_454 = arith.addf %get3A_449, %get3A_453 : vector<16xf32>
        %max3A_455 = arith.constant 0.000000e+00 : f32
        %max3A_456 = vector.broadcast %max3A_455 : f32 to vector<16xf32>
        %max3A_457 = arith.maximumf %add3A_454, %max3A_456 : vector<16xf32>
        %swap3A_458 = arith.index_cast %scan3A_363 : i32 to index
        %swap3A_459 = arith.constant 80 : index
        %swap3A_460 = tpu.vector_load %arg9[%swap3A_458, %swap3A_459] {strides = array<i32>} : memref<80x128xf32, #tpu.memory_space<vmem>>, vector<1x16xf32>,
        %swap3A_461 = vector.shape_cast %swap3A_460 : vector<1x16xf32> to vector<16xf32>
        %swap3A_462 = vector.shape_cast %max3A_457 : vector<16xf32> to vector<1x16xf32>
        tpu.vector_store %arg9[%swap3A_458, %swap3A_459], %swap3A_462 {strides = array<i32>} : memref<80x128xf32, #tpu.memory_space<vmem>>, vector<1x16xf32>,
        %get3A_463 = arith.index_cast %scan3A_363 : i32 to index
        %get3A_464 = arith.constant 96 : index
        %get3A_465 = tpu.vector_load %arg9[%get3A_463, %get3A_464] {strides = array<i32>} : memref<80x128xf32, #tpu.memory_space<vmem>>, vector<1x16xf32>,
        %get3A_466 = vector.shape_cast %get3A_465 : vector<1x16xf32> to vector<16xf32>
        %get3A_467 = arith.index_cast %scan3A_363 : i32 to index
        %get3A_468 = arith.constant 96 : index
        %get3A_469 = tpu.vector_load %arg11[%get3A_467, %get3A_468] {strides = array<i32>} : memref<80x128xf32, #tpu.memory_space<vmem>>, vector<1x16xf32>,
        %get3A_470 = vector.shape_cast %get3A_469 : vector<1x16xf32> to vector<16xf32>
        %add3A_471 = arith.addf %get3A_466, %get3A_470 : vector<16xf32>
        %max3A_472 = arith.constant 0.000000e+00 : f32
        %max3A_473 = vector.broadcast %max3A_472 : f32 to vector<16xf32>
        %max3A_474 = arith.maximumf %add3A_471, %max3A_473 : vector<16xf32>
        %swap3A_475 = arith.index_cast %scan3A_363 : i32 to index
        %swap3A_476 = arith.constant 96 : index
        %swap3A_477 = tpu.vector_load %arg9[%swap3A_475, %swap3A_476] {strides = array<i32>} : memref<80x128xf32, #tpu.memory_space<vmem>>, vector<1x16xf32>,
        %swap3A_478 = vector.shape_cast %swap3A_477 : vector<1x16xf32> to vector<16xf32>
        %swap3A_479 = vector.shape_cast %max3A_474 : vector<16xf32> to vector<1x16xf32>
        tpu.vector_store %arg9[%swap3A_475, %swap3A_476], %swap3A_479 {strides = array<i32>} : memref<80x128xf32, #tpu.memory_space<vmem>>, vector<1x16xf32>,
        %get3A_480 = arith.index_cast %scan3A_363 : i32 to index
        %get3A_481 = arith.constant 112 : index
        %get3A_482 = tpu.vector_load %arg9[%get3A_480, %get3A_481] {strides = array<i32>} : memref<80x128xf32, #tpu.memory_space<vmem>>, vector<1x16xf32>,
        %get3A_483 = vector.shape_cast %get3A_482 : vector<1x16xf32> to vector<16xf32>
        %get3A_484 = arith.index_cast %scan3A_363 : i32 to index
        %get3A_485 = arith.constant 112 : index
        %get3A_486 = tpu.vector_load %arg11[%get3A_484, %get3A_485] {strides = array<i32>} : memref<80x128xf32, #tpu.memory_space<vmem>>, vector<1x16xf32>,
        %get3A_487 = vector.shape_cast %get3A_486 : vector<1x16xf32> to vector<16xf32>
        %add3A_488 = arith.addf %get3A_483, %get3A_487 : vector<16xf32>
        %max3A_489 = arith.constant 0.000000e+00 : f32
        %max3A_490 = vector.broadcast %max3A_489 : f32 to vector<16xf32>
        %max3A_491 = arith.maximumf %add3A_488, %max3A_490 : vector<16xf32>
        %swap3A_492 = arith.index_cast %scan3A_363 : i32 to index
        %swap3A_493 = arith.constant 112 : index
        %swap3A_494 = tpu.vector_load %arg9[%swap3A_492, %swap3A_493] {strides = array<i32>} : memref<80x128xf32, #tpu.memory_space<vmem>>, vector<1x16xf32>,
        %swap3A_495 = vector.shape_cast %swap3A_494 : vector<1x16xf32> to vector<16xf32>
        %swap3A_496 = vector.shape_cast %max3A_491 : vector<16xf32> to vector<1x16xf32>
        tpu.vector_store %arg9[%swap3A_492, %swap3A_493], %swap3A_496 {strides = array<i32>} : memref<80x128xf32, #tpu.memory_space<vmem>>, vector<1x16xf32>,
      }
      %scan3A_263 = arith.constant 80 : i32
      %dma_wait3A_264 = arith.constant 0 : i32
      %dma_wait3A_265 = arith.constant 0 : i32
      %dma_wait3A_266 = tpu.memref_slice %arg3[%add3A, %mul3A_188, %dma_wait3A_264, %dma_wait3A_265] : memref<32x125x1x80xi32, #tpu.memory_space<hbm>> -> memref<1x1x1x80xi32, #tpu.memory_space<hbm>>
      %dma_wait3A_267 = tpu.memref_squeeze %dma_wait3A_266 : memref<1x1x1x80xi32, #tpu.memory_space<hbm>> -> memref<1x80xi32, #tpu.memory_space<hbm>>
      %dma_wait3A_268 = arith.constant 0 : i32
      %dma_wait3A_269 = arith.constant 0 : i32
      %dma_wait3A_270 = tpu.memref_slice %arg3[%add3A, %mul3A_188, %dma_wait3A_268, %dma_wait3A_269] : memref<32x125x1x80xi32, #tpu.memory_space<hbm>> -> memref<1x1x1x80xi32, #tpu.memory_space<hbm>>
      %dma_wait3A_271 = tpu.memref_squeeze %dma_wait3A_270 : memref<1x1x1x80xi32, #tpu.memory_space<hbm>> -> memref<1x80xi32, #tpu.memory_space<hbm>>
      tpu.wait_dma2 semaphore(%arg16 : memref<!tpu.dma_semaphore, #tpu.memory_space<semaphore_mem>>) src(%dma_wait3A_271 : memref<1x80xi32, #tpu.memory_space<hbm>>) dst(%arg13 : memref<1x80xi32, #tpu.memory_space<vmem>>)
      %dma_start3A_272 = arith.constant 0 : i32
      %dma_start3A_273 = arith.constant 0 : i32
      %dma_start3A_274 = tpu.memref_slice %arg13[%dma_start3A_272, %dma_start3A_273] : memref<1x80xi32, #tpu.memory_space<vmem>> -> memref<1x80xi32, #tpu.memory_space<vmem>>
      %dma_start3A_275 = tpu.memref_squeeze %dma_start3A_274 : memref<1x80xi32, #tpu.memory_space<vmem>> -> memref<80xi32, #tpu.memory_space<vmem>>
      %dma_start3A_276 = arith.constant 0 : i32
      %dma_start3A_277 = arith.constant 0 : i32
      %dma_start3A_278 = tpu.memref_slice %arg7[%dma_start3A_276, %dma_start3A_277] : memref<10112x128xf32, #tpu.memory_space<vmem_shared>> -> memref<10112x128xf32, #tpu.memory_space<vmem_shared>>
      tpu.enqueue_indirect_dma source(%arg9 : memref<80x128xf32, #tpu.memory_space<vmem>>) target(%dma_start3A_278 : memref<10112x128xf32, #tpu.memory_space<vmem_shared>>) offsets(%dma_start3A_275 : memref<80xi32, #tpu.memory_space<vmem>>) semaphore(%arg19 : memref<!tpu.dma_semaphore, #tpu.memory_space<semaphore_mem>>) {add = true}
      %dma_wait3A_279 = arith.constant 0 : i32
      %dma_wait3A_280 = arith.constant 0 : i32
      %dma_wait3A_281 = tpu.memref_slice %arg13[%dma_wait3A_279, %dma_wait3A_280] : memref<1x80xi32, #tpu.memory_space<vmem>> -> memref<1x80xi32, #tpu.memory_space<vmem>>
      %dma_wait3A_282 = tpu.memref_squeeze %dma_wait3A_281 : memref<1x80xi32, #tpu.memory_space<vmem>> -> memref<80xi32, #tpu.memory_space<vmem>>
      %dma_wait3A_283 = arith.constant 0 : i32
      %dma_wait3A_284 = arith.constant 0 : i32
      %dma_wait3A_285 = tpu.memref_slice %arg7[%dma_wait3A_283, %dma_wait3A_284] : memref<10112x128xf32, #tpu.memory_space<vmem_shared>> -> memref<10112x128xf32, #tpu.memory_space<vmem_shared>>
      tpu.wait_indirect_dma semaphore(%arg19 : memref<!tpu.dma_semaphore, #tpu.memory_space<semaphore_mem>>) src(%arg9 : memref<80x128xf32, #tpu.memory_space<vmem>>) dst(%dma_wait3A_285 : memref<10112x128xf32, #tpu.memory_space<vmem_shared>>)
      %add3A_286 = arith.constant 2 : i32
      %add3A_287 = arith.addi %mul3A_188, %add3A_286 : i32
      %rem3A_288 = arith.constant 16 : i32
      %rem3A_289 = arith.remsi %add3A_287, %rem3A_288 : i32
      %dma_wait3A_290 = arith.constant 0 : i32
      %dma_wait3A_291 = tpu.memref_slice %arg8[%rem3A_289, %dma_wait3A_290] : memref<16x80xi32, #tpu.memory_space<vmem>> -> memref<1x80xi32, #tpu.memory_space<vmem>>
      %dma_wait3A_292 = arith.constant 0 : i32
      %dma_wait3A_293 = arith.constant 0 : i32
      %dma_wait3A_294 = tpu.memref_slice %arg2[%add3A, %add3A_287, %dma_wait3A_292, %dma_wait3A_293] : memref<32x125x1x80xi32, #tpu.memory_space<hbm>> -> memref<1x1x1x80xi32, #tpu.memory_space<hbm>>
      %dma_wait3A_295 = tpu.memref_squeeze %dma_wait3A_294 : memref<1x1x1x80xi32, #tpu.memory_space<hbm>> -> memref<1x80xi32, #tpu.memory_space<hbm>>
      %dma_wait3A_296 = arith.constant 0 : i32
      %dma_wait3A_297 = tpu.memref_slice %arg8[%rem3A_289, %dma_wait3A_296] : memref<16x80xi32, #tpu.memory_space<vmem>> -> memref<1x80xi32, #tpu.memory_space<vmem>>
      %dma_wait3A_298 = arith.constant 0 : i32
      %dma_wait3A_299 = arith.constant 0 : i32
      %dma_wait3A_300 = tpu.memref_slice %arg2[%add3A, %add3A_287, %dma_wait3A_298, %dma_wait3A_299] : memref<32x125x1x80xi32, #tpu.memory_space<hbm>> -> memref<1x1x1x80xi32, #tpu.memory_space<hbm>>
      %dma_wait3A_301 = tpu.memref_squeeze %dma_wait3A_300 : memref<1x1x1x80xi32, #tpu.memory_space<hbm>> -> memref<1x80xi32, #tpu.memory_space<hbm>>
      tpu.wait_dma2 semaphore(%arg15 : memref<!tpu.dma_semaphore, #tpu.memory_space<semaphore_mem>>) src(%dma_wait3A_301 : memref<1x80xi32, #tpu.memory_space<hbm>>) dst(%dma_wait3A_297 : memref<1x80xi32, #tpu.memory_space<vmem>>)
      %add3A_302 = arith.constant 2 : i32
      %add3A_303 = arith.addi %mul3A_188, %add3A_302 : i32
      %mul3A_304 = arith.constant 80 : i32
      %mul3A_305 = arith.muli %add3A_303, %mul3A_304 : i32
      %add3A_306 = arith.addi %mul3A_2, %mul3A_305 : i32
      %dma_start3A_307 = arith.constant 0 : i32
      %dma_start3A_308 = tpu.memref_slice %arg4[%add3A_306, %dma_start3A_307] : memref<320000x128xf32, #tpu.memory_space<hbm>> -> memref<80x128xf32, #tpu.memory_space<hbm>>
      %dma_start3A_309 = arith.constant 0 : i32
      %dma_start3A_310 = tpu.memref_slice %arg4[%add3A_306, %dma_start3A_309] : memref<320000x128xf32, #tpu.memory_space<hbm>> -> memref<80x128xf32, #tpu.memory_space<hbm>>
      tpu.enqueue_dma source(%dma_start3A_310 : memref<80x128xf32, #tpu.memory_space<hbm>>) target(%arg9 : memref<80x128xf32, #tpu.memory_space<vmem>>) target_semaphore(%arg17 : memref<!tpu.dma_semaphore, #tpu.memory_space<semaphore_mem>>)
      %rem3A_311 = arith.constant 16 : i32
      %rem3A_312 = arith.remsi %add3A_303, %rem3A_311 : i32
      %dma_start3A_313 = arith.constant 0 : i32
      %dma_start3A_314 = tpu.memref_slice %arg8[%rem3A_312, %dma_start3A_313] : memref<16x80xi32, #tpu.memory_space<vmem>> -> memref<1x80xi32, #tpu.memory_space<vmem>>
      %dma_start3A_315 = tpu.memref_squeeze %dma_start3A_314 : memref<1x80xi32, #tpu.memory_space<vmem>> -> memref<80xi32, #tpu.memory_space<vmem>>
      %dma_start3A_316 = arith.constant 0 : i32
      %dma_start3A_317 = arith.constant 0 : i32
      %dma_start3A_318 = tpu.memref_slice %arg5[%dma_start3A_316, %dma_start3A_317] : memref<10000x128xf32, #tpu.memory_space<hbm>> -> memref<10000x128xf32, #tpu.memory_space<hbm>>
      tpu.enqueue_indirect_dma source(%dma_start3A_318 : memref<10000x128xf32, #tpu.memory_space<hbm>>) target(%arg11 : memref<80x128xf32, #tpu.memory_space<vmem>>) offsets(%dma_start3A_315 : memref<80xi32, #tpu.memory_space<vmem>>) semaphore(%arg18 : memref<!tpu.dma_semaphore, #tpu.memory_space<semaphore_mem>>)
      %dma_start3A_319 = arith.constant 0 : i32
      %dma_start3A_320 = arith.constant 0 : i32
      %dma_start3A_321 = tpu.memref_slice %arg3[%add3A, %add3A_303, %dma_start3A_319, %dma_start3A_320] : memref<32x125x1x80xi32, #tpu.memory_space<hbm>> -> memref<1x1x1x80xi32, #tpu.memory_space<hbm>>
      %dma_start3A_322 = tpu.memref_squeeze %dma_start3A_321 : memref<1x1x1x80xi32, #tpu.memory_space<hbm>> -> memref<1x80xi32, #tpu.memory_space<hbm>>
      %dma_start3A_323 = arith.constant 0 : i32
      %dma_start3A_324 = arith.constant 0 : i32
      %dma_start3A_325 = tpu.memref_slice %arg3[%add3A, %add3A_303, %dma_start3A_323, %dma_start3A_324] : memref<32x125x1x80xi32, #tpu.memory_space<hbm>> -> memref<1x1x1x80xi32, #tpu.memory_space<hbm>>
      %dma_start3A_326 = tpu.memref_squeeze %dma_start3A_325 : memref<1x1x1x80xi32, #tpu.memory_space<hbm>> -> memref<1x80xi32, #tpu.memory_space<hbm>>
      tpu.enqueue_dma source(%dma_start3A_326 : memref<1x80xi32, #tpu.memory_space<hbm>>) target(%arg13 : memref<1x80xi32, #tpu.memory_space<vmem>>) target_semaphore(%arg16 : memref<!tpu.dma_semaphore, #tpu.memory_space<semaphore_mem>>)
      %mul3A_327 = arith.constant 80 : i32
      %mul3A_328 = arith.muli %add3A_190, %mul3A_327 : i32
      %add3A_329 = arith.addi %mul3A_2, %mul3A_328 : i32
      %dma_wait3A_330 = arith.constant 0 : i32
      %dma_wait3A_331 = tpu.memref_slice %arg4[%add3A_329, %dma_wait3A_330] : memref<320000x128xf32, #tpu.memory_space<hbm>> -> memref<80x128xf32, #tpu.memory_space<hbm>>
      %dma_wait3A_332 = arith.constant 0 : i32
      %dma_wait3A_333 = tpu.memref_slice %arg4[%add3A_329, %dma_wait3A_332] : memref<320000x128xf32, #tpu.memory_space<hbm>> -> memref<80x128xf32, #tpu.memory_space<hbm>>
      tpu.wait_dma2 semaphore(%arg17 : memref<!tpu.dma_semaphore, #tpu.memory_space<semaphore_mem>>) src(%dma_wait3A_333 : memref<80x128xf32, #tpu.memory_space<hbm>>) dst(%arg10 : memref<80x128xf32, #tpu.memory_space<vmem>>)
      %rem3A_334 = arith.constant 16 : i32
      %rem3A_335 = arith.remsi %add3A_190, %rem3A_334 : i32
      %dma_wait3A_336 = arith.constant 0 : i32
      %dma_wait3A_337 = tpu.memref_slice %arg8[%rem3A_335, %dma_wait3A_336] : memref<16x80xi32, #tpu.memory_space<vmem>> -> memref<1x80xi32, #tpu.memory_space<vmem>>
      %dma_wait3A_338 = tpu.memref_squeeze %dma_wait3A_337 : memref<1x80xi32, #tpu.memory_space<vmem>> -> memref<80xi32, #tpu.memory_space<vmem>>
      %dma_wait3A_339 = arith.constant 0 : i32
      %dma_wait3A_340 = arith.constant 0 : i32
      %dma_wait3A_341 = tpu.memref_slice %arg5[%dma_wait3A_339, %dma_wait3A_340] : memref<10000x128xf32, #tpu.memory_space<hbm>> -> memref<10000x128xf32, #tpu.memory_space<hbm>>
      tpu.wait_indirect_dma semaphore(%arg18 : memref<!tpu.dma_semaphore, #tpu.memory_space<semaphore_mem>>) src(%dma_wait3A_341 : memref<10000x128xf32, #tpu.memory_space<hbm>>) dst(%arg12 : memref<80x128xf32, #tpu.memory_space<vmem>>)
      %scan3A_342 = arith.constant 0 : i32
      %scan3A_343 = arith.constant 0 : i32
      %scan3A_344 = arith.constant 80 : i32
      %scan3A_345 = arith.addi %scan3A_343, %scan3A_344 : i32
      %scan3A_346 = arith.constant 1 : i32
      scf.for %scan3A_363 = %scan3A_343 to %scan3A_345 step %scan3A_346  : i32 {
        %get3A = arith.index_cast %scan3A_363 : i32 to index
        %get3A_364 = arith.constant 0 : index
        %get3A_365 = tpu.vector_load %arg10[%get3A, %get3A_364] {strides = array<i32>} : memref<80x128xf32, #tpu.memory_space<vmem>>, vector<1x16xf32>,
        %get3A_366 = vector.shape_cast %get3A_365 : vector<1x16xf32> to vector<16xf32>
        %get3A_367 = arith.index_cast %scan3A_363 : i32 to index
        %get3A_368 = arith.constant 0 : index
        %get3A_369 = tpu.vector_load %arg12[%get3A_367, %get3A_368] {strides = array<i32>} : memref<80x128xf32, #tpu.memory_space<vmem>>, vector<1x16xf32>,
        %get3A_370 = vector.shape_cast %get3A_369 : vector<1x16xf32> to vector<16xf32>
        %add3A_371 = arith.addf %get3A_366, %get3A_370 : vector<16xf32>
        %max3A = arith.constant 0.000000e+00 : f32
        %max3A_372 = vector.broadcast %max3A : f32 to vector<16xf32>
        %max3A_373 = arith.maximumf %add3A_371, %max3A_372 : vector<16xf32>
        %swap3A = arith.index_cast %scan3A_363 : i32 to index
        %swap3A_374 = arith.constant 0 : index
        %swap3A_375 = tpu.vector_load %arg10[%swap3A, %swap3A_374] {strides = array<i32>} : memref<80x128xf32, #tpu.memory_space<vmem>>, vector<1x16xf32>,
        %swap3A_376 = vector.shape_cast %swap3A_375 : vector<1x16xf32> to vector<16xf32>
        %swap3A_377 = vector.shape_cast %max3A_373 : vector<16xf32> to vector<1x16xf32>
        tpu.vector_store %arg10[%swap3A, %swap3A_374], %swap3A_377 {strides = array<i32>} : memref<80x128xf32, #tpu.memory_space<vmem>>, vector<1x16xf32>,
        %get3A_378 = arith.index_cast %scan3A_363 : i32 to index
        %get3A_379 = arith.constant 16 : index
        %get3A_380 = tpu.vector_load %arg10[%get3A_378, %get3A_379] {strides = array<i32>} : memref<80x128xf32, #tpu.memory_space<vmem>>, vector<1x16xf32>,
        %get3A_381 = vector.shape_cast %get3A_380 : vector<1x16xf32> to vector<16xf32>
        %get3A_382 = arith.index_cast %scan3A_363 : i32 to index
        %get3A_383 = arith.constant 16 : index
        %get3A_384 = tpu.vector_load %arg12[%get3A_382, %get3A_383] {strides = array<i32>} : memref<80x128xf32, #tpu.memory_space<vmem>>, vector<1x16xf32>,
        %get3A_385 = vector.shape_cast %get3A_384 : vector<1x16xf32> to vector<16xf32>
        %add3A_386 = arith.addf %get3A_381, %get3A_385 : vector<16xf32>
        %max3A_387 = arith.constant 0.000000e+00 : f32
        %max3A_388 = vector.broadcast %max3A_387 : f32 to vector<16xf32>
        %max3A_389 = arith.maximumf %add3A_386, %max3A_388 : vector<16xf32>
        %swap3A_390 = arith.index_cast %scan3A_363 : i32 to index
        %swap3A_391 = arith.constant 16 : index
        %swap3A_392 = tpu.vector_load %arg10[%swap3A_390, %swap3A_391] {strides = array<i32>} : memref<80x128xf32, #tpu.memory_space<vmem>>, vector<1x16xf32>,
        %swap3A_393 = vector.shape_cast %swap3A_392 : vector<1x16xf32> to vector<16xf32>
        %swap3A_394 = vector.shape_cast %max3A_389 : vector<16xf32> to vector<1x16xf32>
        tpu.vector_store %arg10[%swap3A_390, %swap3A_391], %swap3A_394 {strides = array<i32>} : memref<80x128xf32, #tpu.memory_space<vmem>>, vector<1x16xf32>,
        %get3A_395 = arith.index_cast %scan3A_363 : i32 to index
        %get3A_396 = arith.constant 32 : index
        %get3A_397 = tpu.vector_load %arg10[%get3A_395, %get3A_396] {strides = array<i32>} : memref<80x128xf32, #tpu.memory_space<vmem>>, vector<1x16xf32>,
        %get3A_398 = vector.shape_cast %get3A_397 : vector<1x16xf32> to vector<16xf32>
        %get3A_399 = arith.index_cast %scan3A_363 : i32 to index
        %get3A_400 = arith.constant 32 : index
        %get3A_401 = tpu.vector_load %arg12[%get3A_399, %get3A_400] {strides = array<i32>} : memref<80x128xf32, #tpu.memory_space<vmem>>, vector<1x16xf32>,
        %get3A_402 = vector.shape_cast %get3A_401 : vector<1x16xf32> to vector<16xf32>
        %add3A_403 = arith.addf %get3A_398, %get3A_402 : vector<16xf32>
        %max3A_404 = arith.constant 0.000000e+00 : f32
        %max3A_405 = vector.broadcast %max3A_404 : f32 to vector<16xf32>
        %max3A_406 = arith.maximumf %add3A_403, %max3A_405 : vector<16xf32>
        %swap3A_407 = arith.index_cast %scan3A_363 : i32 to index
        %swap3A_408 = arith.constant 32 : index
        %swap3A_409 = tpu.vector_load %arg10[%swap3A_407, %swap3A_408] {strides = array<i32>} : memref<80x128xf32, #tpu.memory_space<vmem>>, vector<1x16xf32>,
        %swap3A_410 = vector.shape_cast %swap3A_409 : vector<1x16xf32> to vector<16xf32>
        %swap3A_411 = vector.shape_cast %max3A_406 : vector<16xf32> to vector<1x16xf32>
        tpu.vector_store %arg10[%swap3A_407, %swap3A_408], %swap3A_411 {strides = array<i32>} : memref<80x128xf32, #tpu.memory_space<vmem>>, vector<1x16xf32>,
        %get3A_412 = arith.index_cast %scan3A_363 : i32 to index
        %get3A_413 = arith.constant 48 : index
        %get3A_414 = tpu.vector_load %arg10[%get3A_412, %get3A_413] {strides = array<i32>} : memref<80x128xf32, #tpu.memory_space<vmem>>, vector<1x16xf32>,
        %get3A_415 = vector.shape_cast %get3A_414 : vector<1x16xf32> to vector<16xf32>
        %get3A_416 = arith.index_cast %scan3A_363 : i32 to index
        %get3A_417 = arith.constant 48 : index
        %get3A_418 = tpu.vector_load %arg12[%get3A_416, %get3A_417] {strides = array<i32>} : memref<80x128xf32, #tpu.memory_space<vmem>>, vector<1x16xf32>,
        %get3A_419 = vector.shape_cast %get3A_418 : vector<1x16xf32> to vector<16xf32>
        %add3A_420 = arith.addf %get3A_415, %get3A_419 : vector<16xf32>
        %max3A_421 = arith.constant 0.000000e+00 : f32
        %max3A_422 = vector.broadcast %max3A_421 : f32 to vector<16xf32>
        %max3A_423 = arith.maximumf %add3A_420, %max3A_422 : vector<16xf32>
        %swap3A_424 = arith.index_cast %scan3A_363 : i32 to index
        %swap3A_425 = arith.constant 48 : index
        %swap3A_426 = tpu.vector_load %arg10[%swap3A_424, %swap3A_425] {strides = array<i32>} : memref<80x128xf32, #tpu.memory_space<vmem>>, vector<1x16xf32>,
        %swap3A_427 = vector.shape_cast %swap3A_426 : vector<1x16xf32> to vector<16xf32>
        %swap3A_428 = vector.shape_cast %max3A_423 : vector<16xf32> to vector<1x16xf32>
        tpu.vector_store %arg10[%swap3A_424, %swap3A_425], %swap3A_428 {strides = array<i32>} : memref<80x128xf32, #tpu.memory_space<vmem>>, vector<1x16xf32>,
        %get3A_429 = arith.index_cast %scan3A_363 : i32 to index
        %get3A_430 = arith.constant 64 : index
        %get3A_431 = tpu.vector_load %arg10[%get3A_429, %get3A_430] {strides = array<i32>} : memref<80x128xf32, #tpu.memory_space<vmem>>, vector<1x16xf32>,
        %get3A_432 = vector.shape_cast %get3A_431 : vector<1x16xf32> to vector<16xf32>
        %get3A_433 = arith.index_cast %scan3A_363 : i32 to index
        %get3A_434 = arith.constant 64 : index
        %get3A_435 = tpu.vector_load %arg12[%get3A_433, %get3A_434] {strides = array<i32>} : memref<80x128xf32, #tpu.memory_space<vmem>>, vector<1x16xf32>,
        %get3A_436 = vector.shape_cast %get3A_435 : vector<1x16xf32> to vector<16xf32>
        %add3A_437 = arith.addf %get3A_432, %get3A_436 : vector<16xf32>
        %max3A_438 = arith.constant 0.000000e+00 : f32
        %max3A_439 = vector.broadcast %max3A_438 : f32 to vector<16xf32>
        %max3A_440 = arith.maximumf %add3A_437, %max3A_439 : vector<16xf32>
        %swap3A_441 = arith.index_cast %scan3A_363 : i32 to index
        %swap3A_442 = arith.constant 64 : index
        %swap3A_443 = tpu.vector_load %arg10[%swap3A_441, %swap3A_442] {strides = array<i32>} : memref<80x128xf32, #tpu.memory_space<vmem>>, vector<1x16xf32>,
        %swap3A_444 = vector.shape_cast %swap3A_443 : vector<1x16xf32> to vector<16xf32>
        %swap3A_445 = vector.shape_cast %max3A_440 : vector<16xf32> to vector<1x16xf32>
        tpu.vector_store %arg10[%swap3A_441, %swap3A_442], %swap3A_445 {strides = array<i32>} : memref<80x128xf32, #tpu.memory_space<vmem>>, vector<1x16xf32>,
        %get3A_446 = arith.index_cast %scan3A_363 : i32 to index
        %get3A_447 = arith.constant 80 : index
        %get3A_448 = tpu.vector_load %arg10[%get3A_446, %get3A_447] {strides = array<i32>} : memref<80x128xf32, #tpu.memory_space<vmem>>, vector<1x16xf32>,
        %get3A_449 = vector.shape_cast %get3A_448 : vector<1x16xf32> to vector<16xf32>
        %get3A_450 = arith.index_cast %scan3A_363 : i32 to index
        %get3A_451 = arith.constant 80 : index
        %get3A_452 = tpu.vector_load %arg12[%get3A_450, %get3A_451] {strides = array<i32>} : memref<80x128xf32, #tpu.memory_space<vmem>>, vector<1x16xf32>,
        %get3A_453 = vector.shape_cast %get3A_452 : vector<1x16xf32> to vector<16xf32>
        %add3A_454 = arith.addf %get3A_449, %get3A_453 : vector<16xf32>
        %max3A_455 = arith.constant 0.000000e+00 : f32
        %max3A_456 = vector.broadcast %max3A_455 : f32 to vector<16xf32>
        %max3A_457 = arith.maximumf %add3A_454, %max3A_456 : vector<16xf32>
        %swap3A_458 = arith.index_cast %scan3A_363 : i32 to index
        %swap3A_459 = arith.constant 80 : index
        %swap3A_460 = tpu.vector_load %arg10[%swap3A_458, %swap3A_459] {strides = array<i32>} : memref<80x128xf32, #tpu.memory_space<vmem>>, vector<1x16xf32>,
        %swap3A_461 = vector.shape_cast %swap3A_460 : vector<1x16xf32> to vector<16xf32>
        %swap3A_462 = vector.shape_cast %max3A_457 : vector<16xf32> to vector<1x16xf32>
        tpu.vector_store %arg10[%swap3A_458, %swap3A_459], %swap3A_462 {strides = array<i32>} : memref<80x128xf32, #tpu.memory_space<vmem>>, vector<1x16xf32>,
        %get3A_463 = arith.index_cast %scan3A_363 : i32 to index
        %get3A_464 = arith.constant 96 : index
        %get3A_465 = tpu.vector_load %arg10[%get3A_463, %get3A_464] {strides = array<i32>} : memref<80x128xf32, #tpu.memory_space<vmem>>, vector<1x16xf32>,
        %get3A_466 = vector.shape_cast %get3A_465 : vector<1x16xf32> to vector<16xf32>
        %get3A_467 = arith.index_cast %scan3A_363 : i32 to index
        %get3A_468 = arith.constant 96 : index
        %get3A_469 = tpu.vector_load %arg12[%get3A_467, %get3A_468] {strides = array<i32>} : memref<80x128xf32, #tpu.memory_space<vmem>>, vector<1x16xf32>,
        %get3A_470 = vector.shape_cast %get3A_469 : vector<1x16xf32> to vector<16xf32>
        %add3A_471 = arith.addf %get3A_466, %get3A_470 : vector<16xf32>
        %max3A_472 = arith.constant 0.000000e+00 : f32
        %max3A_473 = vector.broadcast %max3A_472 : f32 to vector<16xf32>
        %max3A_474 = arith.maximumf %add3A_471, %max3A_473 : vector<16xf32>
        %swap3A_475 = arith.index_cast %scan3A_363 : i32 to index
        %swap3A_476 = arith.constant 96 : index
        %swap3A_477 = tpu.vector_load %arg10[%swap3A_475, %swap3A_476] {strides = array<i32>} : memref<80x128xf32, #tpu.memory_space<vmem>>, vector<1x16xf32>,
        %swap3A_478 = vector.shape_cast %swap3A_477 : vector<1x16xf32> to vector<16xf32>
        %swap3A_479 = vector.shape_cast %max3A_474 : vector<16xf32> to vector<1x16xf32>
        tpu.vector_store %arg10[%swap3A_475, %swap3A_476], %swap3A_479 {strides = array<i32>} : memref<80x128xf32, #tpu.memory_space<vmem>>, vector<1x16xf32>,
        %get3A_480 = arith.index_cast %scan3A_363 : i32 to index
        %get3A_481 = arith.constant 112 : index
        %get3A_482 = tpu.vector_load %arg10[%get3A_480, %get3A_481] {strides = array<i32>} : memref<80x128xf32, #tpu.memory_space<vmem>>, vector<1x16xf32>,
        %get3A_483 = vector.shape_cast %get3A_482 : vector<1x16xf32> to vector<16xf32>
        %get3A_484 = arith.index_cast %scan3A_363 : i32 to index
        %get3A_485 = arith.constant 112 : index
        %get3A_486 = tpu.vector_load %arg12[%get3A_484, %get3A_485] {strides = array<i32>} : memref<80x128xf32, #tpu.memory_space<vmem>>, vector<1x16xf32>,
        %get3A_487 = vector.shape_cast %get3A_486 : vector<1x16xf32> to vector<16xf32>
        %add3A_488 = arith.addf %get3A_483, %get3A_487 : vector<16xf32>
        %max3A_489 = arith.constant 0.000000e+00 : f32
        %max3A_490 = vector.broadcast %max3A_489 : f32 to vector<16xf32>
        %max3A_491 = arith.maximumf %add3A_488, %max3A_490 : vector<16xf32>
        %swap3A_492 = arith.index_cast %scan3A_363 : i32 to index
        %swap3A_493 = arith.constant 112 : index
        %swap3A_494 = tpu.vector_load %arg10[%swap3A_492, %swap3A_493] {strides = array<i32>} : memref<80x128xf32, #tpu.memory_space<vmem>>, vector<1x16xf32>,
        %swap3A_495 = vector.shape_cast %swap3A_494 : vector<1x16xf32> to vector<16xf32>
        %swap3A_496 = vector.shape_cast %max3A_491 : vector<16xf32> to vector<1x16xf32>
        tpu.vector_store %arg10[%swap3A_492, %swap3A_493], %swap3A_496 {strides = array<i32>} : memref<80x128xf32, #tpu.memory_space<vmem>>, vector<1x16xf32>,
      }
      %scan3A_347 = arith.constant 80 : i32
      %dma_wait3A_348 = arith.constant 0 : i32
      %dma_wait3A_349 = arith.constant 0 : i32
      %dma_wait3A_350 = tpu.memref_slice %arg3[%add3A, %add3A_190, %dma_wait3A_348, %dma_wait3A_349] : memref<32x125x1x80xi32, #tpu.memory_space<hbm>> -> memref<1x1x1x80xi32, #tpu.memory_space<hbm>>
      %dma_wait3A_351 = tpu.memref_squeeze %dma_wait3A_350 : memref<1x1x1x80xi32, #tpu.memory_space<hbm>> -> memref<1x80xi32, #tpu.memory_space<hbm>>
      %dma_wait3A_352 = arith.constant 0 : i32
      %dma_wait3A_353 = arith.constant 0 : i32
      %dma_wait3A_354 = tpu.memref_slice %arg3[%add3A, %add3A_190, %dma_wait3A_352, %dma_wait3A_353] : memref<32x125x1x80xi32, #tpu.memory_space<hbm>> -> memref<1x1x1x80xi32, #tpu.memory_space<hbm>>
      %dma_wait3A_355 = tpu.memref_squeeze %dma_wait3A_354 : memref<1x1x1x80xi32, #tpu.memory_space<hbm>> -> memref<1x80xi32, #tpu.memory_space<hbm>>
      tpu.wait_dma2 semaphore(%arg16 : memref<!tpu.dma_semaphore, #tpu.memory_space<semaphore_mem>>) src(%dma_wait3A_355 : memref<1x80xi32, #tpu.memory_space<hbm>>) dst(%arg14 : memref<1x80xi32, #tpu.memory_space<vmem>>)
      %dma_start3A_356 = arith.constant 0 : i32
      %dma_start3A_357 = arith.constant 0 : i32
      %dma_start3A_358 = tpu.memref_slice %arg14[%dma_start3A_356, %dma_start3A_357] : memref<1x80xi32, #tpu.memory_space<vmem>> -> memref<1x80xi32, #tpu.memory_space<vmem>>
      %dma_start3A_359 = tpu.memref_squeeze %dma_start3A_358 : memref<1x80xi32, #tpu.memory_space<vmem>> -> memref<80xi32, #tpu.memory_space<vmem>>
      %dma_start3A_360 = arith.constant 0 : i32
      %dma_start3A_361 = arith.constant 0 : i32
      %dma_start3A_362 = tpu.memref_slice %arg7[%dma_start3A_360, %dma_start3A_361] : memref<10112x128xf32, #tpu.memory_space<vmem_shared>> -> memref<10112x128xf32, #tpu.memory_space<vmem_shared>>
      tpu.enqueue_indirect_dma source(%arg10 : memref<80x128xf32, #tpu.memory_space<vmem>>) target(%dma_start3A_362 : memref<10112x128xf32, #tpu.memory_space<vmem_shared>>) offsets(%dma_start3A_359 : memref<80xi32, #tpu.memory_space<vmem>>) semaphore(%arg19 : memref<!tpu.dma_semaphore, #tpu.memory_space<semaphore_mem>>) {add = true}
    }
    %scan3A_133 = arith.constant 62 : i32
    %dma_wait3A_134 = arith.constant 0 : i32
    %dma_wait3A_135 = arith.constant 0 : i32
    %dma_wait3A_136 = tpu.memref_slice %arg14[%dma_wait3A_134, %dma_wait3A_135] : memref<1x80xi32, #tpu.memory_space<vmem>> -> memref<1x80xi32, #tpu.memory_space<vmem>>
    %dma_wait3A_137 = tpu.memref_squeeze %dma_wait3A_136 : memref<1x80xi32, #tpu.memory_space<vmem>> -> memref<80xi32, #tpu.memory_space<vmem>>
    %dma_wait3A_138 = arith.constant 0 : i32
    %dma_wait3A_139 = arith.constant 0 : i32
    %dma_wait3A_140 = tpu.memref_slice %arg7[%dma_wait3A_138, %dma_wait3A_139] : memref<10112x128xf32, #tpu.memory_space<vmem_shared>> -> memref<10112x128xf32, #tpu.memory_space<vmem_shared>>
    tpu.wait_indirect_dma semaphore(%arg19 : memref<!tpu.dma_semaphore, #tpu.memory_space<semaphore_mem>>) src(%arg10 : memref<80x128xf32, #tpu.memory_space<vmem>>) dst(%dma_wait3A_140 : memref<10112x128xf32, #tpu.memory_space<vmem_shared>>)
    %add3A_141 = arith.constant 9920 : i32
    %add3A_142 = arith.addi %mul3A_2, %add3A_141 : i32
    %dma_wait3A_143 = arith.constant 0 : i32
    %dma_wait3A_144 = tpu.memref_slice %arg4[%add3A_142, %dma_wait3A_143] : memref<320000x128xf32, #tpu.memory_space<hbm>> -> memref<80x128xf32, #tpu.memory_space<hbm>>
    %dma_wait3A_145 = arith.constant 0 : i32
    %dma_wait3A_146 = tpu.memref_slice %arg4[%add3A_142, %dma_wait3A_145] : memref<320000x128xf32, #tpu.memory_space<hbm>> -> memref<80x128xf32, #tpu.memory_space<hbm>>
    tpu.wait_dma2 semaphore(%arg17 : memref<!tpu.dma_semaphore, #tpu.memory_space<semaphore_mem>>) src(%dma_wait3A_146 : memref<80x128xf32, #tpu.memory_space<hbm>>) dst(%arg9 : memref<80x128xf32, #tpu.memory_space<vmem>>)
    %rem3A_147 = arith.constant 124 : i32
    %rem3A_148 = arith.constant 16 : i32
    %rem3A_149 = arith.remsi %rem3A_147, %rem3A_148 : i32
    %dma_wait3A_150 = arith.constant 0 : i32
    %dma_wait3A_151 = tpu.memref_slice %arg8[%rem3A_149, %dma_wait3A_150] : memref<16x80xi32, #tpu.memory_space<vmem>> -> memref<1x80xi32, #tpu.memory_space<vmem>>
    %dma_wait3A_152 = tpu.memref_squeeze %dma_wait3A_151 : memref<1x80xi32, #tpu.memory_space<vmem>> -> memref<80xi32, #tpu.memory_space<vmem>>
    %dma_wait3A_153 = arith.constant 0 : i32
    %dma_wait3A_154 = arith.constant 0 : i32
    %dma_wait3A_155 = tpu.memref_slice %arg5[%dma_wait3A_153, %dma_wait3A_154] : memref<10000x128xf32, #tpu.memory_space<hbm>> -> memref<10000x128xf32, #tpu.memory_space<hbm>>
    tpu.wait_indirect_dma semaphore(%arg18 : memref<!tpu.dma_semaphore, #tpu.memory_space<semaphore_mem>>) src(%dma_wait3A_155 : memref<10000x128xf32, #tpu.memory_space<hbm>>) dst(%arg11 : memref<80x128xf32, #tpu.memory_space<vmem>>)
    %scan3A_156 = arith.constant 0 : i32
    %scan3A_157 = arith.constant 0 : i32
    %scan3A_158 = arith.constant 80 : i32
    %scan3A_159 = arith.addi %scan3A_157, %scan3A_158 : i32
    %scan3A_160 = arith.constant 1 : i32
    scf.for %scan3A_186 = %scan3A_157 to %scan3A_159 step %scan3A_160  : i32 {
      %get3A = arith.index_cast %scan3A_186 : i32 to index
      %get3A_187 = arith.constant 0 : index
      %get3A_188 = tpu.vector_load %arg9[%get3A, %get3A_187] {strides = array<i32>} : memref<80x128xf32, #tpu.memory_space<vmem>>, vector<1x16xf32>,
      %get3A_189 = vector.shape_cast %get3A_188 : vector<1x16xf32> to vector<16xf32>
      %get3A_190 = arith.index_cast %scan3A_186 : i32 to index
      %get3A_191 = arith.constant 0 : index
      %get3A_192 = tpu.vector_load %arg11[%get3A_190, %get3A_191] {strides = array<i32>} : memref<80x128xf32, #tpu.memory_space<vmem>>, vector<1x16xf32>,
      %get3A_193 = vector.shape_cast %get3A_192 : vector<1x16xf32> to vector<16xf32>
      %add3A_194 = arith.addf %get3A_189, %get3A_193 : vector<16xf32>
      %max3A = arith.constant 0.000000e+00 : f32
      %max3A_195 = vector.broadcast %max3A : f32 to vector<16xf32>
      %max3A_196 = arith.maximumf %add3A_194, %max3A_195 : vector<16xf32>
      %swap3A = arith.index_cast %scan3A_186 : i32 to index
      %swap3A_197 = arith.constant 0 : index
      %swap3A_198 = tpu.vector_load %arg9[%swap3A, %swap3A_197] {strides = array<i32>} : memref<80x128xf32, #tpu.memory_space<vmem>>, vector<1x16xf32>,
      %swap3A_199 = vector.shape_cast %swap3A_198 : vector<1x16xf32> to vector<16xf32>
      %swap3A_200 = vector.shape_cast %max3A_196 : vector<16xf32> to vector<1x16xf32>
      tpu.vector_store %arg9[%swap3A, %swap3A_197], %swap3A_200 {strides = array<i32>} : memref<80x128xf32, #tpu.memory_space<vmem>>, vector<1x16xf32>,
      %get3A_201 = arith.index_cast %scan3A_186 : i32 to index
      %get3A_202 = arith.constant 16 : index
      %get3A_203 = tpu.vector_load %arg9[%get3A_201, %get3A_202] {strides = array<i32>} : memref<80x128xf32, #tpu.memory_space<vmem>>, vector<1x16xf32>,
      %get3A_204 = vector.shape_cast %get3A_203 : vector<1x16xf32> to vector<16xf32>
      %get3A_205 = arith.index_cast %scan3A_186 : i32 to index
      %get3A_206 = arith.constant 16 : index
      %get3A_207 = tpu.vector_load %arg11[%get3A_205, %get3A_206] {strides = array<i32>} : memref<80x128xf32, #tpu.memory_space<vmem>>, vector<1x16xf32>,
      %get3A_208 = vector.shape_cast %get3A_207 : vector<1x16xf32> to vector<16xf32>
      %add3A_209 = arith.addf %get3A_204, %get3A_208 : vector<16xf32>
      %max3A_210 = arith.constant 0.000000e+00 : f32
      %max3A_211 = vector.broadcast %max3A_210 : f32 to vector<16xf32>
      %max3A_212 = arith.maximumf %add3A_209, %max3A_211 : vector<16xf32>
      %swap3A_213 = arith.index_cast %scan3A_186 : i32 to index
      %swap3A_214 = arith.constant 16 : index
      %swap3A_215 = tpu.vector_load %arg9[%swap3A_213, %swap3A_214] {strides = array<i32>} : memref<80x128xf32, #tpu.memory_space<vmem>>, vector<1x16xf32>,
      %swap3A_216 = vector.shape_cast %swap3A_215 : vector<1x16xf32> to vector<16xf32>
      %swap3A_217 = vector.shape_cast %max3A_212 : vector<16xf32> to vector<1x16xf32>
      tpu.vector_store %arg9[%swap3A_213, %swap3A_214], %swap3A_217 {strides = array<i32>} : memref<80x128xf32, #tpu.memory_space<vmem>>, vector<1x16xf32>,
      %get3A_218 = arith.index_cast %scan3A_186 : i32 to index
      %get3A_219 = arith.constant 32 : index
      %get3A_220 = tpu.vector_load %arg9[%get3A_218, %get3A_219] {strides = array<i32>} : memref<80x128xf32, #tpu.memory_space<vmem>>, vector<1x16xf32>,
      %get3A_221 = vector.shape_cast %get3A_220 : vector<1x16xf32> to vector<16xf32>
      %get3A_222 = arith.index_cast %scan3A_186 : i32 to index
      %get3A_223 = arith.constant 32 : index
      %get3A_224 = tpu.vector_load %arg11[%get3A_222, %get3A_223] {strides = array<i32>} : memref<80x128xf32, #tpu.memory_space<vmem>>, vector<1x16xf32>,
      %get3A_225 = vector.shape_cast %get3A_224 : vector<1x16xf32> to vector<16xf32>
      %add3A_226 = arith.addf %get3A_221, %get3A_225 : vector<16xf32>
      %max3A_227 = arith.constant 0.000000e+00 : f32
      %max3A_228 = vector.broadcast %max3A_227 : f32 to vector<16xf32>
      %max3A_229 = arith.maximumf %add3A_226, %max3A_228 : vector<16xf32>
      %swap3A_230 = arith.index_cast %scan3A_186 : i32 to index
      %swap3A_231 = arith.constant 32 : index
      %swap3A_232 = tpu.vector_load %arg9[%swap3A_230, %swap3A_231] {strides = array<i32>} : memref<80x128xf32, #tpu.memory_space<vmem>>, vector<1x16xf32>,
      %swap3A_233 = vector.shape_cast %swap3A_232 : vector<1x16xf32> to vector<16xf32>
      %swap3A_234 = vector.shape_cast %max3A_229 : vector<16xf32> to vector<1x16xf32>
      tpu.vector_store %arg9[%swap3A_230, %swap3A_231], %swap3A_234 {strides = array<i32>} : memref<80x128xf32, #tpu.memory_space<vmem>>, vector<1x16xf32>,
      %get3A_235 = arith.index_cast %scan3A_186 : i32 to index
      %get3A_236 = arith.constant 48 : index
      %get3A_237 = tpu.vector_load %arg9[%get3A_235, %get3A_236] {strides = array<i32>} : memref<80x128xf32, #tpu.memory_space<vmem>>, vector<1x16xf32>,
      %get3A_238 = vector.shape_cast %get3A_237 : vector<1x16xf32> to vector<16xf32>
      %get3A_239 = arith.index_cast %scan3A_186 : i32 to index
      %get3A_240 = arith.constant 48 : index
      %get3A_241 = tpu.vector_load %arg11[%get3A_239, %get3A_240] {strides = array<i32>} : memref<80x128xf32, #tpu.memory_space<vmem>>, vector<1x16xf32>,
      %get3A_242 = vector.shape_cast %get3A_241 : vector<1x16xf32> to vector<16xf32>
      %add3A_243 = arith.addf %get3A_238, %get3A_242 : vector<16xf32>
      %max3A_244 = arith.constant 0.000000e+00 : f32
      %max3A_245 = vector.broadcast %max3A_244 : f32 to vector<16xf32>
      %max3A_246 = arith.maximumf %add3A_243, %max3A_245 : vector<16xf32>
      %swap3A_247 = arith.index_cast %scan3A_186 : i32 to index
      %swap3A_248 = arith.constant 48 : index
      %swap3A_249 = tpu.vector_load %arg9[%swap3A_247, %swap3A_248] {strides = array<i32>} : memref<80x128xf32, #tpu.memory_space<vmem>>, vector<1x16xf32>,
      %swap3A_250 = vector.shape_cast %swap3A_249 : vector<1x16xf32> to vector<16xf32>
      %swap3A_251 = vector.shape_cast %max3A_246 : vector<16xf32> to vector<1x16xf32>
      tpu.vector_store %arg9[%swap3A_247, %swap3A_248], %swap3A_251 {strides = array<i32>} : memref<80x128xf32, #tpu.memory_space<vmem>>, vector<1x16xf32>,
      %get3A_252 = arith.index_cast %scan3A_186 : i32 to index
      %get3A_253 = arith.constant 64 : index
      %get3A_254 = tpu.vector_load %arg9[%get3A_252, %get3A_253] {strides = array<i32>} : memref<80x128xf32, #tpu.memory_space<vmem>>, vector<1x16xf32>,
      %get3A_255 = vector.shape_cast %get3A_254 : vector<1x16xf32> to vector<16xf32>
      %get3A_256 = arith.index_cast %scan3A_186 : i32 to index
      %get3A_257 = arith.constant 64 : index
      %get3A_258 = tpu.vector_load %arg11[%get3A_256, %get3A_257] {strides = array<i32>} : memref<80x128xf32, #tpu.memory_space<vmem>>, vector<1x16xf32>,
      %get3A_259 = vector.shape_cast %get3A_258 : vector<1x16xf32> to vector<16xf32>
      %add3A_260 = arith.addf %get3A_255, %get3A_259 : vector<16xf32>
      %max3A_261 = arith.constant 0.000000e+00 : f32
      %max3A_262 = vector.broadcast %max3A_261 : f32 to vector<16xf32>
      %max3A_263 = arith.maximumf %add3A_260, %max3A_262 : vector<16xf32>
      %swap3A_264 = arith.index_cast %scan3A_186 : i32 to index
      %swap3A_265 = arith.constant 64 : index
      %swap3A_266 = tpu.vector_load %arg9[%swap3A_264, %swap3A_265] {strides = array<i32>} : memref<80x128xf32, #tpu.memory_space<vmem>>, vector<1x16xf32>,
      %swap3A_267 = vector.shape_cast %swap3A_266 : vector<1x16xf32> to vector<16xf32>
      %swap3A_268 = vector.shape_cast %max3A_263 : vector<16xf32> to vector<1x16xf32>
      tpu.vector_store %arg9[%swap3A_264, %swap3A_265], %swap3A_268 {strides = array<i32>} : memref<80x128xf32, #tpu.memory_space<vmem>>, vector<1x16xf32>,
      %get3A_269 = arith.index_cast %scan3A_186 : i32 to index
      %get3A_270 = arith.constant 80 : index
      %get3A_271 = tpu.vector_load %arg9[%get3A_269, %get3A_270] {strides = array<i32>} : memref<80x128xf32, #tpu.memory_space<vmem>>, vector<1x16xf32>,
      %get3A_272 = vector.shape_cast %get3A_271 : vector<1x16xf32> to vector<16xf32>
      %get3A_273 = arith.index_cast %scan3A_186 : i32 to index
      %get3A_274 = arith.constant 80 : index
      %get3A_275 = tpu.vector_load %arg11[%get3A_273, %get3A_274] {strides = array<i32>} : memref<80x128xf32, #tpu.memory_space<vmem>>, vector<1x16xf32>,
      %get3A_276 = vector.shape_cast %get3A_275 : vector<1x16xf32> to vector<16xf32>
      %add3A_277 = arith.addf %get3A_272, %get3A_276 : vector<16xf32>
      %max3A_278 = arith.constant 0.000000e+00 : f32
      %max3A_279 = vector.broadcast %max3A_278 : f32 to vector<16xf32>
      %max3A_280 = arith.maximumf %add3A_277, %max3A_279 : vector<16xf32>
      %swap3A_281 = arith.index_cast %scan3A_186 : i32 to index
      %swap3A_282 = arith.constant 80 : index
      %swap3A_283 = tpu.vector_load %arg9[%swap3A_281, %swap3A_282] {strides = array<i32>} : memref<80x128xf32, #tpu.memory_space<vmem>>, vector<1x16xf32>,
      %swap3A_284 = vector.shape_cast %swap3A_283 : vector<1x16xf32> to vector<16xf32>
      %swap3A_285 = vector.shape_cast %max3A_280 : vector<16xf32> to vector<1x16xf32>
      tpu.vector_store %arg9[%swap3A_281, %swap3A_282], %swap3A_285 {strides = array<i32>} : memref<80x128xf32, #tpu.memory_space<vmem>>, vector<1x16xf32>,
      %get3A_286 = arith.index_cast %scan3A_186 : i32 to index
      %get3A_287 = arith.constant 96 : index
      %get3A_288 = tpu.vector_load %arg9[%get3A_286, %get3A_287] {strides = array<i32>} : memref<80x128xf32, #tpu.memory_space<vmem>>, vector<1x16xf32>,
      %get3A_289 = vector.shape_cast %get3A_288 : vector<1x16xf32> to vector<16xf32>
      %get3A_290 = arith.index_cast %scan3A_186 : i32 to index
      %get3A_291 = arith.constant 96 : index
      %get3A_292 = tpu.vector_load %arg11[%get3A_290, %get3A_291] {strides = array<i32>} : memref<80x128xf32, #tpu.memory_space<vmem>>, vector<1x16xf32>,
      %get3A_293 = vector.shape_cast %get3A_292 : vector<1x16xf32> to vector<16xf32>
      %add3A_294 = arith.addf %get3A_289, %get3A_293 : vector<16xf32>
      %max3A_295 = arith.constant 0.000000e+00 : f32
      %max3A_296 = vector.broadcast %max3A_295 : f32 to vector<16xf32>
      %max3A_297 = arith.maximumf %add3A_294, %max3A_296 : vector<16xf32>
      %swap3A_298 = arith.index_cast %scan3A_186 : i32 to index
      %swap3A_299 = arith.constant 96 : index
      %swap3A_300 = tpu.vector_load %arg9[%swap3A_298, %swap3A_299] {strides = array<i32>} : memref<80x128xf32, #tpu.memory_space<vmem>>, vector<1x16xf32>,
      %swap3A_301 = vector.shape_cast %swap3A_300 : vector<1x16xf32> to vector<16xf32>
      %swap3A_302 = vector.shape_cast %max3A_297 : vector<16xf32> to vector<1x16xf32>
      tpu.vector_store %arg9[%swap3A_298, %swap3A_299], %swap3A_302 {strides = array<i32>} : memref<80x128xf32, #tpu.memory_space<vmem>>, vector<1x16xf32>,
      %get3A_303 = arith.index_cast %scan3A_186 : i32 to index
      %get3A_304 = arith.constant 112 : index
      %get3A_305 = tpu.vector_load %arg9[%get3A_303, %get3A_304] {strides = array<i32>} : memref<80x128xf32, #tpu.memory_space<vmem>>, vector<1x16xf32>,
      %get3A_306 = vector.shape_cast %get3A_305 : vector<1x16xf32> to vector<16xf32>
      %get3A_307 = arith.index_cast %scan3A_186 : i32 to index
      %get3A_308 = arith.constant 112 : index
      %get3A_309 = tpu.vector_load %arg11[%get3A_307, %get3A_308] {strides = array<i32>} : memref<80x128xf32, #tpu.memory_space<vmem>>, vector<1x16xf32>,
      %get3A_310 = vector.shape_cast %get3A_309 : vector<1x16xf32> to vector<16xf32>
      %add3A_311 = arith.addf %get3A_306, %get3A_310 : vector<16xf32>
      %max3A_312 = arith.constant 0.000000e+00 : f32
      %max3A_313 = vector.broadcast %max3A_312 : f32 to vector<16xf32>
      %max3A_314 = arith.maximumf %add3A_311, %max3A_313 : vector<16xf32>
      %swap3A_315 = arith.index_cast %scan3A_186 : i32 to index
      %swap3A_316 = arith.constant 112 : index
      %swap3A_317 = tpu.vector_load %arg9[%swap3A_315, %swap3A_316] {strides = array<i32>} : memref<80x128xf32, #tpu.memory_space<vmem>>, vector<1x16xf32>,
      %swap3A_318 = vector.shape_cast %swap3A_317 : vector<1x16xf32> to vector<16xf32>
      %swap3A_319 = vector.shape_cast %max3A_314 : vector<16xf32> to vector<1x16xf32>
      tpu.vector_store %arg9[%swap3A_315, %swap3A_316], %swap3A_319 {strides = array<i32>} : memref<80x128xf32, #tpu.memory_space<vmem>>, vector<1x16xf32>,
    }
    %scan3A_161 = arith.constant 80 : i32
    %dma_wait3A_162 = arith.constant 124 : i32
    %dma_wait3A_163 = arith.constant 0 : i32
    %dma_wait3A_164 = arith.constant 0 : i32
    %dma_wait3A_165 = tpu.memref_slice %arg3[%add3A, %dma_wait3A_162, %dma_wait3A_163, %dma_wait3A_164] : memref<32x125x1x80xi32, #tpu.memory_space<hbm>> -> memref<1x1x1x80xi32, #tpu.memory_space<hbm>>
    %dma_wait3A_166 = tpu.memref_squeeze %dma_wait3A_165 : memref<1x1x1x80xi32, #tpu.memory_space<hbm>> -> memref<1x80xi32, #tpu.memory_space<hbm>>
    %dma_wait3A_167 = arith.constant 0 : i32
    %dma_wait3A_168 = arith.constant 0 : i32
    %dma_wait3A_169 = tpu.memref_slice %arg3[%add3A, %dma_wait3A_162, %dma_wait3A_167, %dma_wait3A_168] : memref<32x125x1x80xi32, #tpu.memory_space<hbm>> -> memref<1x1x1x80xi32, #tpu.memory_space<hbm>>
    %dma_wait3A_170 = tpu.memref_squeeze %dma_wait3A_169 : memref<1x1x1x80xi32, #tpu.memory_space<hbm>> -> memref<1x80xi32, #tpu.memory_space<hbm>>
    tpu.wait_dma2 semaphore(%arg16 : memref<!tpu.dma_semaphore, #tpu.memory_space<semaphore_mem>>) src(%dma_wait3A_170 : memref<1x80xi32, #tpu.memory_space<hbm>>) dst(%arg13 : memref<1x80xi32, #tpu.memory_space<vmem>>)
    %dma_start3A_171 = arith.constant 0 : i32
    %dma_start3A_172 = arith.constant 0 : i32
    %dma_start3A_173 = tpu.memref_slice %arg13[%dma_start3A_171, %dma_start3A_172] : memref<1x80xi32, #tpu.memory_space<vmem>> -> memref<1x80xi32, #tpu.memory_space<vmem>>
    %dma_start3A_174 = tpu.memref_squeeze %dma_start3A_173 : memref<1x80xi32, #tpu.memory_space<vmem>> -> memref<80xi32, #tpu.memory_space<vmem>>
    %dma_start3A_175 = arith.constant 0 : i32
    %dma_start3A_176 = arith.constant 0 : i32
    %dma_start3A_177 = tpu.memref_slice %arg7[%dma_start3A_175, %dma_start3A_176] : memref<10112x128xf32, #tpu.memory_space<vmem_shared>> -> memref<10112x128xf32, #tpu.memory_space<vmem_shared>>
    tpu.enqueue_indirect_dma source(%arg9 : memref<80x128xf32, #tpu.memory_space<vmem>>) target(%dma_start3A_177 : memref<10112x128xf32, #tpu.memory_space<vmem_shared>>) offsets(%dma_start3A_174 : memref<80xi32, #tpu.memory_space<vmem>>) semaphore(%arg19 : memref<!tpu.dma_semaphore, #tpu.memory_space<semaphore_mem>>) {add = true}
    %dma_wait3A_178 = arith.constant 0 : i32
    %dma_wait3A_179 = arith.constant 0 : i32
    %dma_wait3A_180 = tpu.memref_slice %arg13[%dma_wait3A_178, %dma_wait3A_179] : memref<1x80xi32, #tpu.memory_space<vmem>> -> memref<1x80xi32, #tpu.memory_space<vmem>>
    %dma_wait3A_181 = tpu.memref_squeeze %dma_wait3A_180 : memref<1x80xi32, #tpu.memory_space<vmem>> -> memref<80xi32, #tpu.memory_space<vmem>>
    %dma_wait3A_182 = arith.constant 0 : i32
    %dma_wait3A_183 = arith.constant 0 : i32
    %dma_wait3A_184 = tpu.memref_slice %arg7[%dma_wait3A_182, %dma_wait3A_183] : memref<10112x128xf32, #tpu.memory_space<vmem_shared>> -> memref<10112x128xf32, #tpu.memory_space<vmem_shared>>
    tpu.wait_indirect_dma semaphore(%arg19 : memref<!tpu.dma_semaphore, #tpu.memory_space<semaphore_mem>>) src(%arg9 : memref<80x128xf32, #tpu.memory_space<vmem>>) dst(%dma_wait3A_184 : memref<10112x128xf32, #tpu.memory_space<vmem_shared>>)
    %barrier3A_185 = arith.constant 0 : index
    tpu.barrier barrier_id(%barrier3A_185)
    "tpu.region"() ({
      %run_scoped3A = tpu.sem_alloc : memref<!tpu.dma_semaphore, #tpu.memory_space<semaphore_mem>>
      %dma_start3A_186 = arith.constant 0 : i32
      %dma_start3A_187 = tpu.memref_slice %arg6[%arg0, %mul3A_72, %dma_start3A_186] : memref<2x10112x128xf32, #tpu.memory_space<hbm>> -> memref<1x632x128xf32, #tpu.memory_space<hbm>>
      %dma_start3A_188 = tpu.memref_squeeze %dma_start3A_187 : memref<1x632x128xf32, #tpu.memory_space<hbm>> -> memref<632x128xf32, #tpu.memory_space<hbm>>
      %dma_start3A_189 = arith.constant 0 : i32
      %dma_start3A_190 = tpu.memref_slice %arg7[%mul3A_72, %dma_start3A_189] : memref<10112x128xf32, #tpu.memory_space<vmem_shared>> -> memref<632x128xf32, #tpu.memory_space<vmem_shared>>
      tpu.enqueue_dma source(%dma_start3A_190 : memref<632x128xf32, #tpu.memory_space<vmem_shared>>) target(%dma_start3A_188 : memref<632x128xf32, #tpu.memory_space<hbm>>) target_semaphore(%run_scoped3A : memref<!tpu.dma_semaphore, #tpu.memory_space<semaphore_mem>>)
      %dma_wait3A_191 = arith.constant 0 : i32
      %dma_wait3A_192 = tpu.memref_slice %arg6[%arg0, %mul3A_72, %dma_wait3A_191] : memref<2x10112x128xf32, #tpu.memory_space<hbm>> -> memref<1x632x128xf32, #tpu.memory_space<hbm>>
      %dma_wait3A_193 = tpu.memref_squeeze %dma_wait3A_192 : memref<1x632x128xf32, #tpu.memory_space<hbm>> -> memref<632x128xf32, #tpu.memory_space<hbm>>
      %dma_wait3A_194 = arith.constant 0 : i32
      %dma_wait3A_195 = tpu.memref_slice %arg7[%mul3A_72, %dma_wait3A_194] : memref<10112x128xf32, #tpu.memory_space<vmem_shared>> -> memref<632x128xf32, #tpu.memory_space<vmem_shared>>
      tpu.wait_dma2 semaphore(%run_scoped3A : memref<!tpu.dma_semaphore, #tpu.memory_space<semaphore_mem>>) src(%dma_wait3A_195 : memref<632x128xf32, #tpu.memory_space<vmem_shared>>) dst(%dma_wait3A_193 : memref<632x128xf32, #tpu.memory_space<hbm>>)
      tpu.yield
    }) : () -> ()
    return
  }
}

module attributes {stable_mosaic.version = 14 : i64} {
  func.func @_edge_embed_body(%arg0: i32, %arg1: memref<3200x16xf32, #tpu.memory_space<vmem>>, %arg2: memref<16x128xf32, #tpu.memory_space<vmem>>, %arg3: memref<3200x128xf32, #tpu.memory_space<vmem>>) attributes {dimension_semantics = [#tpu.dimension_semantics<arbitrary>], iteration_bounds = array<i64: 100>, scalar_prefetch = 0 : i64, scratch_operands = 0 : i64, tpu.core_type = #tpu.core_type<tc>, window_params = [{transform_indices = @transform_0, window_bounds = array<i64: 3200, 16>}, {pipeline_mode = #tpu.pipeline_mode<synchronous>, transform_indices = @transform_1, window_bounds = array<i64: 16, 128>}, {transform_indices = @transform_2, window_bounds = array<i64: 3200, 128>}]} {
    %get3A = arith.constant 0 : index
    %get3A_0 = arith.constant 0 : index
    %get3A_1 = vector.load %arg1[%get3A, %get3A_0] : memref<3200x16xf32, #tpu.memory_space<vmem>>, vector<3200x16xf32>
    %get3A_2 = arith.constant 0 : index
    %get3A_3 = arith.constant 0 : index
    %get3A_4 = vector.load %arg2[%get3A_2, %get3A_3] : memref<16x128xf32, #tpu.memory_space<vmem>>, vector<16x128xf32>
    %dot_general3A = arith.constant dense<0.000000e+00> : vector<3200x128xf32>
    %dot_general3A_5 = tpu.matmul %get3A_1, %get3A_4, %dot_general3A {dimension_numbers = #tpu.dot_dimension_numbers<[1], [0], [0], [1], [0, 0, 1, 1], [], []>, transpose_lhs_hint = false} : vector<3200x16xf32>, vector<16x128xf32>, vector<3200x128xf32> -> vector<3200x128xf32>
    %swap3A = arith.constant 0 : index
    %swap3A_6 = arith.constant 0 : index
    %swap3A_7 = vector.load %arg3[%swap3A, %swap3A_6] : memref<3200x128xf32, #tpu.memory_space<vmem>>, vector<3200x128xf32>
    tpu.vector_store %arg3[%swap3A, %swap3A_6], %dot_general3A_5 {strides = array<i32>} : memref<3200x128xf32, #tpu.memory_space<vmem>>, vector<3200x128xf32>,
    return
  }
  func.func @transform_0(%arg0: i32) -> (i32, i32) {
    %c0_i32 = arith.constant 0 : i32
    %c0_i32_0 = arith.constant 0 : i32
    return %arg0, %c0_i32 : i32, i32
  }
  func.func @transform_1(%arg0: i32) -> (i32, i32) {
    %c0_i32 = arith.constant 0 : i32
    %c0_i32_0 = arith.constant 0 : i32
    %c0_i32_1 = arith.constant 0 : i32
    return %c0_i32, %c0_i32_0 : i32, i32
  }
  func.func @transform_2(%arg0: i32) -> (i32, i32) {
    %c0_i32 = arith.constant 0 : i32
    %c0_i32_0 = arith.constant 0 : i32
    return %arg0, %c0_i32 : i32, i32
  }
}

module attributes {stable_mosaic.version = 14 : i64} {
  func.func @_enc_mlp_body(%arg0: i32, %arg1: memref<2000x128xf32, #tpu.memory_space<vmem>>, %arg2: memref<1x2000x128xf32, #tpu.memory_space<vmem>>, %arg3: memref<1x2000x128xf32, #tpu.memory_space<vmem>>, %arg4: memref<2000x1xf32, #tpu.memory_space<vmem>>, %arg5: memref<128x128xf32, #tpu.memory_space<vmem>>, %arg6: memref<1x128xf32, #tpu.memory_space<vmem>>, %arg7: memref<128x128xf32, #tpu.memory_space<vmem>>, %arg8: memref<1x128xf32, #tpu.memory_space<vmem>>, %arg9: memref<128x128xf32, #tpu.memory_space<vmem>>, %arg10: memref<2000x128xf32, #tpu.memory_space<vmem>>, %arg11: memref<2000x128xf32, #tpu.memory_space<vmem>>) attributes {dimension_semantics = [#tpu.dimension_semantics<arbitrary>], iteration_bounds = array<i64: 5>, scalar_prefetch = 0 : i64, scratch_operands = 0 : i64, tpu.core_type = #tpu.core_type<tc>, window_params = [{transform_indices = @transform_0, window_bounds = array<i64: 2000, 128>}, {transform_indices = @transform_1, window_bounds = array<i64: 1, 2000, 128>}, {transform_indices = @transform_2, window_bounds = array<i64: 1, 2000, 128>}, {transform_indices = @transform_3, window_bounds = array<i64: 2000, 1>}, {pipeline_mode = #tpu.pipeline_mode<synchronous>, transform_indices = @transform_4, window_bounds = array<i64: 128, 128>}, {pipeline_mode = #tpu.pipeline_mode<synchronous>, transform_indices = @transform_5, window_bounds = array<i64: 1, 128>}, {pipeline_mode = #tpu.pipeline_mode<synchronous>, transform_indices = @transform_6, window_bounds = array<i64: 128, 128>}, {pipeline_mode = #tpu.pipeline_mode<synchronous>, transform_indices = @transform_7, window_bounds = array<i64: 1, 128>}, {pipeline_mode = #tpu.pipeline_mode<synchronous>, transform_indices = @transform_8, window_bounds = array<i64: 128, 128>}, {transform_indices = @transform_9, window_bounds = array<i64: 2000, 128>}, {transform_indices = @transform_10, window_bounds = array<i64: 2000, 128>}]} {
    %get3A = arith.constant 0 : index
    %get3A_0 = arith.constant 0 : index
    %get3A_1 = vector.load %arg1[%get3A, %get3A_0] : memref<2000x128xf32, #tpu.memory_space<vmem>>, vector<2000x128xf32>
    %get3A_2 = arith.constant 0 : index
    %get3A_3 = arith.constant 0 : index
    %get3A_4 = arith.constant 0 : index
    %get3A_5 = vector.load %arg2[%get3A_2, %get3A_3, %get3A_4] : memref<1x2000x128xf32, #tpu.memory_space<vmem>>, vector<1x2000x128xf32>
    %get3A_6 = vector.shape_cast %get3A_5 : vector<1x2000x128xf32> to vector<2000x128xf32>
    %add3A = arith.addf %get3A_1, %get3A_6 : vector<2000x128xf32>
    %get3A_7 = arith.constant 0 : index
    %get3A_8 = arith.constant 0 : index
    %get3A_9 = arith.constant 0 : index
    %get3A_10 = vector.load %arg3[%get3A_7, %get3A_8, %get3A_9] : memref<1x2000x128xf32, #tpu.memory_space<vmem>>, vector<1x2000x128xf32>
    %get3A_11 = vector.shape_cast %get3A_10 : vector<1x2000x128xf32> to vector<2000x128xf32>
    %add3A_12 = arith.addf %add3A, %get3A_11 : vector<2000x128xf32>
    %get3A_13 = arith.constant 0 : index
    %get3A_14 = arith.constant 0 : index
    %get3A_15 = vector.load %arg5[%get3A_13, %get3A_14] : memref<128x128xf32, #tpu.memory_space<vmem>>, vector<128x128xf32>
    %dot_general3A = arith.constant dense<0.000000e+00> : vector<2000x128xf32>
    %dot_general3A_16 = tpu.matmul %add3A_12, %get3A_15, %dot_general3A {dimension_numbers = #tpu.dot_dimension_numbers<[1], [0], [0], [1], [0, 0, 1, 1], [], []>, transpose_lhs_hint = false} : vector<2000x128xf32>, vector<128x128xf32>, vector<2000x128xf32> -> vector<2000x128xf32>
    %get3A_17 = arith.constant 0 : index
    %get3A_18 = arith.constant 0 : index
    %get3A_19 = vector.load %arg6[%get3A_17, %get3A_18] : memref<1x128xf32, #tpu.memory_space<vmem>>, vector<1x128xf32>
    %add3A_20 = vector.broadcast %get3A_19 : vector<1x128xf32> to vector<2000x128xf32>
    %add3A_21 = arith.addf %dot_general3A_16, %add3A_20 : vector<2000x128xf32>
    %max3A = arith.constant 0.000000e+00 : f32
    %max3A_22 = vector.broadcast %max3A : f32 to vector<2000x128xf32>
    %max3A_23 = arith.maximumf %add3A_21, %max3A_22 : vector<2000x128xf32>
    %get3A_24 = arith.constant 0 : index
    %get3A_25 = arith.constant 0 : index
    %get3A_26 = vector.load %arg7[%get3A_24, %get3A_25] : memref<128x128xf32, #tpu.memory_space<vmem>>, vector<128x128xf32>
    %dot_general3A_27 = arith.constant dense<0.000000e+00> : vector<2000x128xf32>
    %dot_general3A_28 = tpu.matmul %max3A_23, %get3A_26, %dot_general3A_27 {dimension_numbers = #tpu.dot_dimension_numbers<[1], [0], [0], [1], [0, 0, 1, 1], [], []>, transpose_lhs_hint = false} : vector<2000x128xf32>, vector<128x128xf32>, vector<2000x128xf32> -> vector<2000x128xf32>
    %get3A_29 = arith.constant 0 : index
    %get3A_30 = arith.constant 0 : index
    %get3A_31 = vector.load %arg8[%get3A_29, %get3A_30] : memref<1x128xf32, #tpu.memory_space<vmem>>, vector<1x128xf32>
    %add3A_32 = vector.broadcast %get3A_31 : vector<1x128xf32> to vector<2000x128xf32>
    %add3A_33 = arith.addf %dot_general3A_28, %add3A_32 : vector<2000x128xf32>
    %swap3A = arith.constant 0 : index
    %swap3A_34 = arith.constant 0 : index
    %swap3A_35 = vector.load %arg10[%swap3A, %swap3A_34] : memref<2000x128xf32, #tpu.memory_space<vmem>>, vector<2000x128xf32>
    tpu.vector_store %arg10[%swap3A, %swap3A_34], %add3A_33 {strides = array<i32>} : memref<2000x128xf32, #tpu.memory_space<vmem>>, vector<2000x128xf32>,
    %get3A_36 = arith.constant 0 : index
    %get3A_37 = arith.constant 0 : index
    %get3A_38 = vector.load %arg9[%get3A_36, %get3A_37] : memref<128x128xf32, #tpu.memory_space<vmem>>, vector<128x128xf32>
    %dot_general3A_39 = arith.constant dense<0.000000e+00> : vector<2000x128xf32>
    %dot_general3A_40 = tpu.matmul %add3A_33, %get3A_38, %dot_general3A_39 {dimension_numbers = #tpu.dot_dimension_numbers<[1], [0], [0], [1], [0, 0, 1, 1], [], []>, transpose_lhs_hint = false} : vector<2000x128xf32>, vector<128x128xf32>, vector<2000x128xf32> -> vector<2000x128xf32>
    %get3A_41 = arith.constant 0 : index
    %get3A_42 = arith.constant 0 : index
    %get3A_43 = vector.load %arg4[%get3A_41, %get3A_42] : memref<2000x1xf32, #tpu.memory_space<vmem>>, vector<2000x1xf32>
    %gt3A = arith.constant 0.000000e+00 : f32
    %gt3A_44 = vector.broadcast %gt3A : f32 to vector<2000x1xf32>
    %gt3A_45 = arith.cmpf ogt, %get3A_43, %gt3A_44 : vector<2000x1xf32>
    %jit3A = arith.constant 0.000000e+00 : f32
    %broadcast_in_dim3A = vector.shape_cast %gt3A_45 : vector<2000x1xi1> to vector<2000x1xi1>
    %broadcast_in_dim3A_46 = vector.broadcast %broadcast_in_dim3A : vector<2000x1xi1> to vector<2000x128xi1>
    %broadcast_in_dim3A_47 = vector.broadcast %jit3A : f32 to vector<2000x128xf32>
    %select_n3A = arith.select %broadcast_in_dim3A_46, %broadcast_in_dim3A_47, %dot_general3A_40 : vector<2000x128xi1>, vector<2000x128xf32>
    %swap3A_48 = arith.constant 0 : index
    %swap3A_49 = arith.constant 0 : index
    %swap3A_50 = vector.load %arg11[%swap3A_48, %swap3A_49] : memref<2000x128xf32, #tpu.memory_space<vmem>>, vector<2000x128xf32>
    tpu.vector_store %arg11[%swap3A_48, %swap3A_49], %select_n3A {strides = array<i32>} : memref<2000x128xf32, #tpu.memory_space<vmem>>, vector<2000x128xf32>,
    return
  }
  func.func @transform_0(%arg0: i32) -> (i32, i32) {
    %c0_i32 = arith.constant 0 : i32
    %c0_i32_0 = arith.constant 0 : i32
    return %arg0, %c0_i32 : i32, i32
  }
  func.func @transform_1(%arg0: i32) -> (i32, i32, i32) {
    %c0_i32 = arith.constant 0 : i32
    %c0_i32_0 = arith.constant 0 : i32
    %c0_i32_1 = arith.constant 0 : i32
    return %c0_i32, %arg0, %c0_i32_0 : i32, i32, i32
  }
  func.func @transform_2(%arg0: i32) -> (i32, i32, i32) {
    %c1_i32 = arith.constant 1 : i32
    %c0_i32 = arith.constant 0 : i32
    %c0_i32_0 = arith.constant 0 : i32
    return %c1_i32, %arg0, %c0_i32 : i32, i32, i32
  }
  func.func @transform_3(%arg0: i32) -> (i32, i32) {
    %c0_i32 = arith.constant 0 : i32
    %c0_i32_0 = arith.constant 0 : i32
    return %arg0, %c0_i32 : i32, i32
  }
  func.func @transform_4(%arg0: i32) -> (i32, i32) {
    %c0_i32 = arith.constant 0 : i32
    %c0_i32_0 = arith.constant 0 : i32
    %c0_i32_1 = arith.constant 0 : i32
    return %c0_i32, %c0_i32_0 : i32, i32
  }
  func.func @transform_5(%arg0: i32) -> (i32, i32) {
    %c0_i32 = arith.constant 0 : i32
    %c0_i32_0 = arith.constant 0 : i32
    %c0_i32_1 = arith.constant 0 : i32
    return %c0_i32, %c0_i32_0 : i32, i32
  }
  func.func @transform_6(%arg0: i32) -> (i32, i32) {
    %c0_i32 = arith.constant 0 : i32
    %c0_i32_0 = arith.constant 0 : i32
    %c0_i32_1 = arith.constant 0 : i32
    return %c0_i32, %c0_i32_0 : i32, i32
  }
  func.func @transform_7(%arg0: i32) -> (i32, i32) {
    %c0_i32 = arith.constant 0 : i32
    %c0_i32_0 = arith.constant 0 : i32
    %c0_i32_1 = arith.constant 0 : i32
    return %c0_i32, %c0_i32_0 : i32, i32
  }
  func.func @transform_8(%arg0: i32) -> (i32, i32) {
    %c0_i32 = arith.constant 0 : i32
    %c0_i32_0 = arith.constant 0 : i32
    %c0_i32_1 = arith.constant 0 : i32
    return %c0_i32, %c0_i32_0 : i32, i32
  }
  func.func @transform_9(%arg0: i32) -> (i32, i32) {
    %c0_i32 = arith.constant 0 : i32
    %c0_i32_0 = arith.constant 0 : i32
    return %arg0, %c0_i32 : i32, i32
  }
  func.func @transform_10(%arg0: i32) -> (i32, i32) {
    %c0_i32 = arith.constant 0 : i32
    %c0_i32_0 = arith.constant 0 : i32
    return %arg0, %c0_i32 : i32, i32
  }
}

module attributes {stable_mosaic.version = 14 : i64} {
  func.func @_dec_mlp_body(%arg0: i32, %arg1: memref<2000x128xf32, #tpu.memory_space<vmem>>, %arg2: memref<1x2000x128xf32, #tpu.memory_space<vmem>>, %arg3: memref<1x2000x128xf32, #tpu.memory_space<vmem>>, %arg4: memref<128x128xf32, #tpu.memory_space<vmem>>, %arg5: memref<1x128xf32, #tpu.memory_space<vmem>>, %arg6: memref<128x128xf32, #tpu.memory_space<vmem>>, %arg7: memref<1x128xf32, #tpu.memory_space<vmem>>, %arg8: memref<2000x128xf32, #tpu.memory_space<vmem>>) attributes {dimension_semantics = [#tpu.dimension_semantics<arbitrary>], iteration_bounds = array<i64: 5>, scalar_prefetch = 0 : i64, scratch_operands = 0 : i64, tpu.core_type = #tpu.core_type<tc>, window_params = [{transform_indices = @transform_0, window_bounds = array<i64: 2000, 128>}, {transform_indices = @transform_1, window_bounds = array<i64: 1, 2000, 128>}, {transform_indices = @transform_2, window_bounds = array<i64: 1, 2000, 128>}, {pipeline_mode = #tpu.pipeline_mode<synchronous>, transform_indices = @transform_3, window_bounds = array<i64: 128, 128>}, {pipeline_mode = #tpu.pipeline_mode<synchronous>, transform_indices = @transform_4, window_bounds = array<i64: 1, 128>}, {pipeline_mode = #tpu.pipeline_mode<synchronous>, transform_indices = @transform_5, window_bounds = array<i64: 128, 128>}, {pipeline_mode = #tpu.pipeline_mode<synchronous>, transform_indices = @transform_6, window_bounds = array<i64: 1, 128>}, {transform_indices = @transform_7, window_bounds = array<i64: 2000, 128>}]} {
    %get3A = arith.constant 0 : index
    %get3A_0 = arith.constant 0 : index
    %get3A_1 = vector.load %arg1[%get3A, %get3A_0] : memref<2000x128xf32, #tpu.memory_space<vmem>>, vector<2000x128xf32>
    %get3A_2 = arith.constant 0 : index
    %get3A_3 = arith.constant 0 : index
    %get3A_4 = arith.constant 0 : index
    %get3A_5 = vector.load %arg2[%get3A_2, %get3A_3, %get3A_4] : memref<1x2000x128xf32, #tpu.memory_space<vmem>>, vector<1x2000x128xf32>
    %get3A_6 = vector.shape_cast %get3A_5 : vector<1x2000x128xf32> to vector<2000x128xf32>
    %add3A = arith.addf %get3A_1, %get3A_6 : vector<2000x128xf32>
    %get3A_7 = arith.constant 0 : index
    %get3A_8 = arith.constant 0 : index
    %get3A_9 = arith.constant 0 : index
    %get3A_10 = vector.load %arg3[%get3A_7, %get3A_8, %get3A_9] : memref<1x2000x128xf32, #tpu.memory_space<vmem>>, vector<1x2000x128xf32>
    %get3A_11 = vector.shape_cast %get3A_10 : vector<1x2000x128xf32> to vector<2000x128xf32>
    %add3A_12 = arith.addf %add3A, %get3A_11 : vector<2000x128xf32>
    %get3A_13 = arith.constant 0 : index
    %get3A_14 = arith.constant 0 : index
    %get3A_15 = vector.load %arg4[%get3A_13, %get3A_14] : memref<128x128xf32, #tpu.memory_space<vmem>>, vector<128x128xf32>
    %dot_general3A = arith.constant dense<0.000000e+00> : vector<2000x128xf32>
    %dot_general3A_16 = tpu.matmul %add3A_12, %get3A_15, %dot_general3A {dimension_numbers = #tpu.dot_dimension_numbers<[1], [0], [0], [1], [0, 0, 1, 1], [], []>, transpose_lhs_hint = false} : vector<2000x128xf32>, vector<128x128xf32>, vector<2000x128xf32> -> vector<2000x128xf32>
    %get3A_17 = arith.constant 0 : index
    %get3A_18 = arith.constant 0 : index
    %get3A_19 = vector.load %arg5[%get3A_17, %get3A_18] : memref<1x128xf32, #tpu.memory_space<vmem>>, vector<1x128xf32>
    %add3A_20 = vector.broadcast %get3A_19 : vector<1x128xf32> to vector<2000x128xf32>
    %add3A_21 = arith.addf %dot_general3A_16, %add3A_20 : vector<2000x128xf32>
    %max3A = arith.constant 0.000000e+00 : f32
    %max3A_22 = vector.broadcast %max3A : f32 to vector<2000x128xf32>
    %max3A_23 = arith.maximumf %add3A_21, %max3A_22 : vector<2000x128xf32>
    %get3A_24 = arith.constant 0 : index
    %get3A_25 = arith.constant 0 : index
    %get3A_26 = vector.load %arg6[%get3A_24, %get3A_25] : memref<128x128xf32, #tpu.memory_space<vmem>>, vector<128x128xf32>
    %dot_general3A_27 = arith.constant dense<0.000000e+00> : vector<2000x128xf32>
    %dot_general3A_28 = tpu.matmul %max3A_23, %get3A_26, %dot_general3A_27 {dimension_numbers = #tpu.dot_dimension_numbers<[1], [0], [0], [1], [0, 0, 1, 1], [], []>, transpose_lhs_hint = false} : vector<2000x128xf32>, vector<128x128xf32>, vector<2000x128xf32> -> vector<2000x128xf32>
    %get3A_29 = arith.constant 0 : index
    %get3A_30 = arith.constant 0 : index
    %get3A_31 = vector.load %arg7[%get3A_29, %get3A_30] : memref<1x128xf32, #tpu.memory_space<vmem>>, vector<1x128xf32>
    %add3A_32 = vector.broadcast %get3A_31 : vector<1x128xf32> to vector<2000x128xf32>
    %add3A_33 = arith.addf %dot_general3A_28, %add3A_32 : vector<2000x128xf32>
    %swap3A = arith.constant 0 : index
    %swap3A_34 = arith.constant 0 : index
    %swap3A_35 = vector.load %arg8[%swap3A, %swap3A_34] : memref<2000x128xf32, #tpu.memory_space<vmem>>, vector<2000x128xf32>
    tpu.vector_store %arg8[%swap3A, %swap3A_34], %add3A_33 {strides = array<i32>} : memref<2000x128xf32, #tpu.memory_space<vmem>>, vector<2000x128xf32>,
    return
  }
  func.func @transform_0(%arg0: i32) -> (i32, i32) {
    %c0_i32 = arith.constant 0 : i32
    %c0_i32_0 = arith.constant 0 : i32
    return %arg0, %c0_i32 : i32, i32
  }
  func.func @transform_1(%arg0: i32) -> (i32, i32, i32) {
    %c0_i32 = arith.constant 0 : i32
    %c0_i32_0 = arith.constant 0 : i32
    %c0_i32_1 = arith.constant 0 : i32
    return %c0_i32, %arg0, %c0_i32_0 : i32, i32, i32
  }
  func.func @transform_2(%arg0: i32) -> (i32, i32, i32) {
    %c1_i32 = arith.constant 1 : i32
    %c0_i32 = arith.constant 0 : i32
    %c0_i32_0 = arith.constant 0 : i32
    return %c1_i32, %arg0, %c0_i32 : i32, i32, i32
  }
  func.func @transform_3(%arg0: i32) -> (i32, i32) {
    %c0_i32 = arith.constant 0 : i32
    %c0_i32_0 = arith.constant 0 : i32
    %c0_i32_1 = arith.constant 0 : i32
    return %c0_i32, %c0_i32_0 : i32, i32
  }
  func.func @transform_4(%arg0: i32) -> (i32, i32) {
    %c0_i32 = arith.constant 0 : i32
    %c0_i32_0 = arith.constant 0 : i32
    %c0_i32_1 = arith.constant 0 : i32
    return %c0_i32, %c0_i32_0 : i32, i32
  }
  func.func @transform_5(%arg0: i32) -> (i32, i32) {
    %c0_i32 = arith.constant 0 : i32
    %c0_i32_0 = arith.constant 0 : i32
    %c0_i32_1 = arith.constant 0 : i32
    return %c0_i32, %c0_i32_0 : i32, i32
  }
  func.func @transform_6(%arg0: i32) -> (i32, i32) {
    %c0_i32 = arith.constant 0 : i32
    %c0_i32_0 = arith.constant 0 : i32
    %c0_i32_1 = arith.constant 0 : i32
    return %c0_i32, %c0_i32_0 : i32, i32
  }
  func.func @transform_7(%arg0: i32) -> (i32, i32) {
    %c0_i32 = arith.constant 0 : i32
    %c0_i32_0 = arith.constant 0 : i32
    return %arg0, %c0_i32 : i32, i32
  }
}

</mosaic_0001>

<sc_bundles>
// kernel: kernel.11.cloned.1.call-start
scs
__scs_entry_jumppad:
0x0: {  	(pc) =	sbr.rel $0x88, $3  }
0x1: {  	(tag) =	ssettag $0x0;
	lr =	simm.s32 $0x1  }
0x2: {  	[smem:$0x3F92] =	sst lr;
	_ =	strace $0xD0000000  }
0x3: {  	_ = 	snop  }
0x4: {  	_ = 	snop  }
0x5: {  	_ = 	snop  }
0x6: {  	_ = 	snop  }
0x7: {  	_ = 	snop  }
__scs_overlays_trampoline_lowered:
0x8: {  	[smem:$0x3FA1] =	sst s0  }
0x9: {  	[smem:$0x3FA2] =	sst s1  }
0xa: {  	[smem:$0x3FA3] =	sst s2  }
0xb: {  	[smem:$0x3FA4] =	sst s3  }
0xc: {  	[smem:$0x3FA5] =	sst s4  }
0xd: {  	[smem:$0x3FA6] =	sst s5  }
0xe: {  	[smem:$0x3FA7] =	sst s6  }
0xf: {  	[smem:$0x3FA8] =	sst s7  }
0x10: {  	[smem:$0x3FA9] =	sst s8  }
0x11: {  	[smem:$0x3FAA] =	sst s9;
	s0 =	simm.s32 @!p0 $0x0  }
0x12: {  	s1 =	sld [smem:$0x3F90];
	s0 =	simm.s32 @p0 $0x1  }
0x13: {  	[smem:$0x3FAB] =	sst s0;
	s0 =	simm.s32 @!p1 $0x0  }
0x14: {  	s2 =	sld [smem:$0x3F8F];
	s0 =	simm.s32 @p1 $0x1  }
0x15: {  	[smem:$0x3FAC] =	sst s0;
	s0 =	simm.s32 @!p2 $0x0  }
0x16: {  	s3 =	sld [smem:$0x3FDB];
	s0 =	simm.s32 @p2 $0x1  }
0x17: {  	s4 =	simm.s32 $0x1BF5;
	[smem:$0x3FAE] =	sst s0  }
0x18: {  	s0 =	sld [smem:$0x3F91];
	_ =	swait.ge [sflag:s4], $0x0  }
0x19: {  	s7 =	sld [smem:$0x3F92]  }
0x1a: {  	s8 =	sadd.s32 $0xFFFFE003, lr  }
0x1b: {  	s9 =	sadd.s32 $0xFFFFFEF7, lr;
	s5 =	simm.s32 $0xFFFFFFFF;
	p2 =	slt.u32 s8, $0xFFFFF086  }
0x1c: {  	p1 =	slt.u32 s9, $0xF7A;
	s5 =	simm.s32 @!p2 $0x0  }
0x1d: {  	s5 =	simm.s32 @p1 $0x1;
	p0 =	seq.s32 s7, s2  }
0x1e: {  	s7 =	smul.u32 @!p0 $0xF7A, s2;
	p2 =	seq.s32 @!p0 s5, $0x0  }
0x1f: {  	s9 =	smul.u32 $0xF7A, s1;
	s8 =	simm.s32 @!p0 $0x1BF5;
	p2 =	por !p2, p0  }
0x20: {  	[sflag:s8] =	ssyncset.s32 @!p0 $0xFFFFF086;
	s6 =	sadd.s32 @!p0 s3, s7;
	s7 =	simm.s32 @!p0 $0x108  }
0x21: {  	s3 =	sadd.s32 s3, s9;
	s6 =	sadd.s32 @!p0 $0x88, s6;
	s7 =	simm.s32 @p2 $0x1082  }
0x22: {  	[simem:s7], [sflag:s8] =	dma.local @!p0 [hbm:s6], $0xF7A  }
0x23: {  	s9 =	sor.u32 $0xD0000000, s2;
	s6 =	simm.s32 $0x108;
	_ =	swait.ge @!p0 [sflag:s8], $0x0  }
0x24: {  	s3 =	sadd.s32 $0x88, s3;
	s6 =	simm.s32 @!p1 $0x1082;
	[sflag:s4] =	ssyncset.s32 $0xFFFFF086  }
0x25: {  	[simem:s6], [sflag:s4] =	dma.local [hbm:s3], $0xF7A  }
0x26: {  	[smem:$0x3F92] =	sst s1;
	(tag) =	ssettag s2;
	_ =	strace s9  }
0x27: {  	s1 =	sld [smem:$0x3FA2]  }
0x28: {  	s2 =	sld [smem:$0x3FA3]  }
0x29: {  	s4 =	sld [smem:$0x3FA5]  }
0x2a: {  	p0 =	seq.s32 s5, $0x0;
	s5 =	sld [smem:$0x3FA6]  }
0x2b: {  	s6 =	sld [smem:$0x3FA7]  }
0x2c: {  	s7 =	sld [smem:$0x3FA8]  }
0x2d: {  	s3 =	simm.s32 $0x108;
	s8 =	sld [smem:$0x3FA9]  }
0x2e: {  	s3 =	simm.s32 @!p0 $0x1082;
	s9 =	sld [smem:$0x3FAA]  }
0x2f: {  	lr =	sadd.s32 s0, s3;
	s0 =	sld [smem:$0x3FA1]  }
0x30: {  	s3 =	sld [smem:$0x3FA4]  }
0x31: {  	[smem:$0x3FAD] =	sst s10  }
0x32: {  	s10 =	sld [smem:$0x3FAB];
	_ =	sdelay $0x3  }
0x33: {  	p0 =	seq.s32 s10, $0x1;
	s10 =	sld [smem:$0x3FAD];
	_ =	sdelay $0x3  }
0x34: {  	[smem:$0x3FAD] =	sst s10  }
0x35: {  	s10 =	sld [smem:$0x3FAC];
	_ =	sdelay $0x3  }
0x36: {  	p1 =	seq.s32 s10, $0x1;
	s10 =	sld [smem:$0x3FAD];
	_ =	sdelay $0x3  }
0x37: {  	[smem:$0x3FAD] =	sst s10  }
0x38: {  	s10 =	sld [smem:$0x3FAE]  }
0x39: {  	_ = 	snop;
	(pc) =	sbr.ind lr, $3  }
0x3a: {  	_ = 	snop  }
0x3b: {  	_ = 	snop  }
0x3c: {  	p2 =	seq.s32 s10, $0x1;
	s10 =	sld [smem:$0x3FAD]  }
0x3d: {  	_ =	shalt  }
0x3e: {  	_ =	shalt  }
0x3f: {  	_ =	shalt  }
0x40: {  	_ =	shalt  }
0x41: {  	_ =	shalt  }
0x42: {  	_ =	shalt  }
0x43: {  	_ =	shalt  }
0x44: {  	_ =	shalt  }
0x45: {  	_ =	shalt  }
0x46: {  	_ =	shalt  }
0x47: {  	_ =	shalt  }
0x48: {  	_ =	shalt  }
0x49: {  	_ =	shalt  }
0x4a: {  	_ =	shalt  }
0x4b: {  	_ =	shalt  }
0x4c: {  	_ =	shalt  }
0x4d: {  	_ =	shalt  }
0x4e: {  	_ =	shalt  }
0x4f: {  	_ =	shalt  }
0x50: {  	_ =	shalt  }
0x51: {  	_ =	shalt  }
0x52: {  	_ =	shalt  }
0x53: {  	_ =	shalt  }
0x54: {  	_ =	shalt  }
0x55: {  	_ =	shalt  }
0x56: {  	_ =	shalt  }
0x57: {  	_ =	shalt  }
0x58: {  	_ =	shalt  }
0x59: {  	_ =	shalt  }
0x5a: {  	_ =	shalt  }
0x5b: {  	_ =	shalt  }
0x5c: {  	_ =	shalt  }
0x5d: {  	_ =	shalt  }
0x5e: {  	_ =	shalt  }
0x5f: {  	_ =	shalt  }
0x60: {  	_ =	shalt  }
0x61: {  	_ =	shalt  }
0x62: {  	_ =	shalt  }
0x63: {  	_ =	shalt  }
0x64: {  	_ =	shalt  }
0x65: {  	_ =	shalt  }
0x66: {  	_ =	shalt  }
0x67: {  	_ =	shalt  }
0x68: {  	_ =	shalt  }
0x69: {  	_ =	shalt  }
0x6a: {  	_ =	shalt  }
0x6b: {  	_ =	shalt  }
0x6c: {  	_ =	shalt  }
0x6d: {  	_ =	shalt  }
0x6e: {  	_ =	shalt  }
0x6f: {  	_ =	shalt  }
0x70: {  	_ =	shalt  }
0x71: {  	_ =	shalt  }
0x72: {  	_ =	shalt  }
0x73: {  	_ =	shalt  }
0x74: {  	_ =	shalt  }
0x75: {  	_ =	shalt  }
0x76: {  	_ =	shalt  }
0x77: {  	_ =	shalt  }
0x78: {  	_ =	shalt  }
0x79: {  	_ =	shalt  }
0x7a: {  	_ =	shalt  }
0x7b: {  	_ =	shalt  }
0x7c: {  	_ =	shalt  }
0x7d: {  	_ =	shalt  }
0x7e: {  	_ =	shalt  }
0x7f: {  	_ =	shalt  }
0x80: {  	_ =	shalt  }
0x81: {  	_ =	shalt  }
0x82: {  	_ =	shalt  }
0x83: {  	_ =	shalt  }
0x84: {  	_ =	shalt  }
0x85: {  	_ =	shalt  }
0x86: {  	_ =	shalt  }
0x87: {  	_ =	shalt  }
.Lfunc_end0:
.L_simem_size_0:
called_computation.1_lowered:
.L_overlay_start_0:
0x88: {  	s2 =	sld [smem:$0x3FD9]  }
0x89: {  	s3 =	sld [smem:$0x3FFE];
	_ =	sdelay $0x1  }
0x8a: {  	s1 =	srdreg.scid  }
0x8b: {  	s0 =	sand.u32 $0x1, s1  }
0x8c: {  	s14 =	sshll.u32 s0, $0xA;
	s2 =	sadd.s32 s3, s2  }
0x8d: {  	s2 =	sadd.s32 s2, s14  }
0x8e: {  	[smem:$0x3FB9] =	sst s2  }
0x8f: {  	_ = 	snop  }
0x90: {  	s2 =	sld [smem:$0x3FD0];
	_ =	sdelay $0x2  }
0x91: {  	s15 =	simm.s32 $0xA;
	s4 =	simm.s32 $0x10  }
0x92: {  	[smem:s4], [sflag:s15] =	dma.local [hbm:s2], $0x1  }
0x93: {  	_ =	swait.eq [sflag:s15], $0x1  }
0x94: {  	[sflag:s15] =	ssyncset.done $0x0  }
0x95: {  	[sflag:s15] =	ssyncadd.s32 $0xFFFFFFFF  }
0x96: {  	s16 =	sld [smem:$0x11];
	(tm) =	ssettm $0x1  }
0x97: {  	s17 =	sld [smem:$0x3FFB];
	_ =	sdelay $0x3  }
0x98: {  	_ =	strace s17  }
0x99: {  	s3 =	sld [smem:$0x3FFC];
	_ =	sdelay $0x3  }
0x9a: {  	_ =	strace s3  }
0x9b: {  	s3 =	sld [smem:$0x3FFD];
	_ =	sdelay $0x3  }
0x9c: {  	_ =	strace s3  }
0x9d: {  	_ =	strace $0x8FFFFFFF  }
0x9e: {  	s18 =	sld [smem:$0x3FDB];
	_ =	sdelay $0x1  }
0x9f: {  	s19 =	simm.s32 $_scs_section_size  }
0xa0: {  	s5 =	simm.s32 $_size__tile_overlayer_lowered;
	s6 =	simm.s32 $_tile_overlayer_lowered  }
0xa1: {  	s22 =	simm.s32 $0x1BFF;
	s21 =	sshll.u32 s6, $0x1;
	s3 =	sadd.s32 s19, s18  }
0xa2: {  	s7 =	simm.s32 $0x0;
	s20 =	sshll.u32 s5, $0x1;
	s5 =	sadd.s32 s21, s3  }
0xa3: {  	[timem:s7], [sflag:s22] =	dma.local [hbm:s5], s20  }
0xa4: {  	_ =	swait.ge [sflag:s22], s20  }
0xa5: {  	s4 =	ssub.s32 $0x0, s20;
	[sflag:s22] =	ssyncset.done $0x0  }
0xa6: {  	[sflag:s22] =	ssyncadd.s32 s4;
	_ =	sdelay $0x1  }
0xa7: {  	s23 =	simm.s32 $0x1B8B  }
0xa8: {  	_ =	swait.ge [sflag:s23], $0x1  }
0xa9: {  	[sflag:s23] =	ssyncset.done $0x0  }
0xaa: {  	s25 =	simm.s32 $0x1B8E;
	s24 =	sld [smem:$0x3FFE];
	[sflag:s23] =	ssyncadd.s32 $0xFFFFFFFF  }
0xab: {  	s26 =	simm.s32 $execute0_lowered;
	[smem:$0x3FD2] =	sst s25  }
0xac: {  	s5 =	sshll.u32 s26, $0x1;
	_ =	strace $0x80000049;
	[dreg:$0x1] =	wrdreg $0xFFFFFFFF  }
0xad: {  	s28 =	simm.s32 $_size_execute0_lowered;
	s3 =	sadd.s32 s3, s5;
	[dreg:$0x0] =	wrdreg $0x0  }
0xae: {  	s5 =	sshll.u32 s28, $0x1;
	[dreg:$0x2] =	wrdreg s3  }
0xaf: {  	[dreg:$0x3] =	wrdreg s5  }
0xb0: {  	[dreg:$0x4] =	wrdreg $0xC0  }
0xb1: {  	_ =	task [dreg:s7], $0x5FFFF  }
0xb2: {  	[dreg:$0x1] =	wrdreg $0xFFFFFFFF  }
0xb3: {  	[dreg:$0x0] =	wrdreg $0x60  }
0xb4: {  	[dreg:$0x2] =	wrdreg s24  }
0xb5: {  	[dreg:$0x3] =	wrdreg s16  }
0xb6: {  	[dreg:$0x4] =	wrdreg $0x0  }
0xb7: {  	[dreg:$0x5] =	wrdreg $0x9  }
0xb8: {  	_ =	task.clear_ibuf [dreg:s7], $0x6FFFF;
	_ =	strace $0x90000049  }
0xb9: {  	s29 =	simm.s32 $0x9;
	_ =	strace $0x8000004B  }
0xba: {  	_ =	swait.ge [sflag:s29], $0x1  }
0xbb: {  	[sflag:s29] =	ssyncadd.s32 $0xFFFFFFFF  }
0xbc: {  	_ =	strace $0x9000004B  }
0xbd: {  	_ =	sfence  }
0xbe: {  	s30 =	sld [smem:$0x0];
	_ =	sdelay $0x2  }
0xbf: {  	s31 =	sshll.u32 s1, $0xD;
	s1 =	sshrl.u32 s1, $0x2  }
0xc0: {  	s3 =	sand.u32 $0x4000, s31;
	s1 =	sadd.s32 s1, s30  }
0xc1: {  	s0 =	sor.u32 s3, s0;
	s1 =	sshll.u32 s1, $0x11  }
0xc2: {  	s0 =	sor.u32 s1, s0  }
0xc3: {  	s0 =	sadd.s32 $0x8F2B, s0  }
0xc4: {  	[sflag:s0] =	ssyncadd.remote.s32 $0x1  }
0xc5: {  	_ =	sfence.sel $0xFFFF  }
0xc6: {  	[dreg:$0x0] =	wrdreg $0xFFFFFFFF;
	(pc) =	sbr.abs _section_cstart, $3  }
0xc7: {  	[dreg:$0x1] =	wrdreg $0xFFFFFFFF  }
0xc8: {  	_ =	task.clear_ibuf [dreg:s7], $0x2FFFF;
	_ =	strace $0x9FFFFFFF  }
0xc9: {  	(tm) =	ssettm $0x7FFFFFFF  }
tec
execute0_lowered:
.L_overlay_start_1:
0x0: {  	(tag) =	ssettag $0x1  }
0x1: {  	s0 =	rddreg [dreg:$0x0]  }
0x2: {  	s1 =	rddreg [dreg:$0x1]  }
0x3: {  	s2 =	rddreg [dreg:$0x2]  }
0x4: {  	s3 =	srdreg.scid;
	s13 =	stileid.u32  }
0x5: {  	s4 =	simm.s32 $0x0;
	s3 =	sand.u32 $0x1, s3;
	s8 =	smul.u32 $0x13C00, s13  }
0x6: {  	s31 =	simm.s32 $0x14400;
	s6 =	sshll.u32 s13, $0x1;
	s7 =	smul.u32 $0x13C000, s3  }
0x7: {  	s13 =	smul.u32 $0x4F000, s13;
	s11 =	sor.u32 s3, s6;
	s3 =	ssub.s32 $0x2, s3  }
0x8: {  	s10 =	sshrl.u32 s3, $0x1;
	s9 =	sadd.s32 s8, s7;
	s7 =	smul.u32 $0x3E80, s11  }
0x9: {  	[smem:$0x7FF] =	sst s4;
	s3 =	ssub.s32 s3, s10;
	s10 =	smul.u32 $0x2710, s11  }
0xa: {  	s5 =	sadd.s32 $0x2800, s0;
	_ =	strace $0x8000004A;
	s11 =	smul.u32 $0x27100, s11  }
0xb: {  	s6 =	sadd.s32 $0x12200, s0;
	s8 =	sadd.s32 $0xA34C00, s0;
	s9 =	sshrl.u32 s9, $0x3  }
0xc: {  	s12 =	sshrl.u32 s7, $0x3;
	s0 =	sadd.s32 s9, s0;
	s11 =	sadd.s32 s8, s11  }
0xd: {  	s9 =	sadd.s32 s5, s12;
	[dreg:$0xe] =	wrdreg s11;
	s26 =	sadd.s32 s6, s12  }
0xe: {  	s28 =	simm.s32 $0x1;
	s14 =	sadd.s32 $0x10, s9;
	[dreg:$0xf] =	wrdreg s26  }
0xf: {  	s13 =	sshrl.u32 s13, $0x2;
	s18 =	sadd.s32 $0x20, s9;
	[dreg:$0x4] =	wrdreg s14  }
0x10: {  	s19 =	sadd.s32 $0x30, s9;
	[dreg:$0x5] =	wrdreg s18;
	s14 =	sadd.s32 s13, s2  }
0x11: {  	s29 =	simm.s32 $0x50;
	[dreg:$0x6] =	wrdreg s19;
	s13 =	sadd.s32 $0x2800, s14  }
0x12: {  	s30 =	simm.s32 $0x19400;
	s20 =	sadd.s32 $0x5000, s14;
	[dreg:$0x7] =	wrdreg s13  }
0x13: {  	s15 =	simm.s32 $0x3;
	s21 =	sadd.s32 $0x7800, s14;
	[dreg:$0x8] =	wrdreg s20  }
0x14: {  	s16 =	simm.s32 $0x4;
	s22 =	sadd.s32 $0xA000, s14;
	[dreg:$0x9] =	wrdreg s21  }
0x15: {  	s17 =	simm.s32 $0x2;
	s23 =	sadd.s32 $0xC800, s14;
	[dreg:$0xa] =	wrdreg s22  }
0x16: {  	s11 =	simm.s32 $0x16C00;
	s24 =	sadd.s32 $0xF000, s14;
	[dreg:$0xb] =	wrdreg s23  }
0x17: {  	s12 =	simm.s32 $0x1BC00;
	s25 =	sadd.s32 $0x11800, s14;
	[dreg:$0xc] =	wrdreg s24  }
0x18: {  	s26 =	simm.s32 $0x5;
	s18 =	simm.s32 $0x0;
	[dreg:$0xd] =	wrdreg s25  }
0x19: {  	s24 =	sadd.s32 $0x21C00, s0;
	s25 =	smax.u32 s3, $0x1;
	s21 =	simm.s32 $0x13C00  }
0x1a: {  	v0 =	vimm.f32 $0.0e+00;
	s0 =	simm.s32 $0x6;
	s3 =	simm.s32 $0x1E400;
	s13 =	simm.s32 $0x1E480  }
.LBB2_1:
0x1b: {  	[tilespmem:s21], [sflag:$0x1] =	stream.linear.gather [hbm4b:s9+s4], $0x80, $0x38;
	[tilespmem:$0x1E500] =	vst v63  }
0x1c: {  	s19 =	rddreg [dreg:$0x4];
	s20 =	simm.s32 $0x13C80  }
0x1d: {  	[tilespmem:s20], [sflag:$0x1] =	stream.linear.gather [hbm4b:s19+s4], $0x80, $0x38;
	[tilespmem:$0x1E500] =	vst v63  }
0x1e: {  	s22 =	rddreg [dreg:$0x5];
	s23 =	simm.s32 $0x13D00;
	s19 =	simm.s32 $0x0  }
0x1f: {  	[tilespmem:s23], [sflag:$0x1] =	stream.linear.gather [hbm4b:s22+s4], $0x80, $0x38;
	[tilespmem:$0x1E500] =	vst v63  }
0x20: {  	s20 =	simm.s32 $0x200;
	s22 =	rddreg [dreg:$0x6];
	s23 =	simm.s32 $0x13D80  }
0x21: {  	[tilespmem:s23], [sflag:$0x1] =	stream.linear.gather [hbm4b:s22+s4], $0x80, $0x38;
	[tilespmem:$0x1E500] =	vst v63  }
.LBB2_2:
0x22: {  	p0 =	sne.s32 s20, $0x9E00;
	[tilespmem:s19+$0x14470] =	vst v0  }
0x23: {  	[tilespmem:s19+$0x14400] =	vst v0  }
0x24: {  	[tilespmem:s19+$0x14410] =	vst v0  }
.Ltmp0:
0x25: {  	[tilespmem:s19+$0x14420] =	vst v0;
	(pc) =	sbr.rel @p0 .LBB2_2-.Ltmp0, $4  }
0x26: {  	[tilespmem:s19+$0x14430] =	vst v0  }
0x27: {  	[tilespmem:s19+$0x14440] =	vst v0  }
0x28: {  	[tilespmem:s19+$0x14450] =	vst v0  }
0x29: {  	[tilespmem:s19+$0x14460] =	vst v0;
	s19 =	sshra.s32 s20, $0x2;
	s20 =	sadd.s32 $0x200, s20  }
0x2a: {  	[tilespmem:s19+$0x14470] =	vst v0  }
0x2b: {  	[tilespmem:s19+$0x14400] =	vst v0  }
0x2c: {  	[tilespmem:s19+$0x14410] =	vst v0  }
0x2d: {  	[tilespmem:s19+$0x14420] =	vst v0  }
0x2e: {  	[tilespmem:s19+$0x14430] =	vst v0  }
0x2f: {  	[tilespmem:s19+$0x14440] =	vst v0  }
0x30: {  	[tilespmem:s19+$0x14450] =	vst v0  }
0x31: {  	[tilespmem:s19+$0x14460] =	vst v0  }
0x32: {  	[spmem:s14] =	stream.linear.scatter [tilespmem:s31], [sflag:$0x6], $0x2800, $0x38;
	[tilespmem:$0x1E500] =	vst v63  }
0x33: {  	_ =	swait.ge [sflag:s0], $0x2800  }
0x34: {  	[sflag:s0] =	ssyncset.done $0x0  }
0x35: {  	s22 =	rddreg [dreg:$0x7];
	[sflag:s0] =	ssyncadd.s32 $0xFFFFD800  }
0x36: {  	[spmem:s22] =	stream.linear.scatter [tilespmem:s31], [sflag:$0x6], $0x2800, $0x38;
	[tilespmem:$0x1E500] =	vst v63  }
0x37: {  	_ =	swait.ge [sflag:s0], $0x2800  }
0x38: {  	[sflag:s0] =	ssyncset.done $0x0  }
0x39: {  	s23 =	rddreg [dreg:$0x8];
	[sflag:s0] =	ssyncadd.s32 $0xFFFFD800  }
0x3a: {  	[spmem:s23] =	stream.linear.scatter [tilespmem:s31], [sflag:$0x6], $0x2800, $0x38;
	[tilespmem:$0x1E500] =	vst v63  }
0x3b: {  	_ =	swait.ge [sflag:s0], $0x2800  }
0x3c: {  	[sflag:s0] =	ssyncset.done $0x0  }
0x3d: {  	s20 =	rddreg [dreg:$0x9];
	[sflag:s0] =	ssyncadd.s32 $0xFFFFD800  }
0x3e: {  	[spmem:s20] =	stream.linear.scatter [tilespmem:s31], [sflag:$0x6], $0x2800, $0x38;
	[tilespmem:$0x1E500] =	vst v63  }
0x3f: {  	_ =	swait.ge [sflag:s0], $0x2800  }
0x40: {  	[sflag:s0] =	ssyncset.done $0x0  }
0x41: {  	s22 =	rddreg [dreg:$0xa];
	[sflag:s0] =	ssyncadd.s32 $0xFFFFD800  }
0x42: {  	[spmem:s22] =	stream.linear.scatter [tilespmem:s31], [sflag:$0x6], $0x2800, $0x38;
	[tilespmem:$0x1E500] =	vst v63  }
0x43: {  	_ =	swait.ge [sflag:s0], $0x2800  }
0x44: {  	[sflag:s0] =	ssyncset.done $0x0  }
0x45: {  	s23 =	rddreg [dreg:$0xb];
	[sflag:s0] =	ssyncadd.s32 $0xFFFFD800  }
0x46: {  	[spmem:s23] =	stream.linear.scatter [tilespmem:s31], [sflag:$0x6], $0x2800, $0x38;
	[tilespmem:$0x1E500] =	vst v63  }
0x47: {  	_ =	swait.ge [sflag:s0], $0x2800  }
0x48: {  	[sflag:s0] =	ssyncset.done $0x0  }
0x49: {  	s20 =	rddreg [dreg:$0xc];
	[sflag:s0] =	ssyncadd.s32 $0xFFFFD800  }
0x4a: {  	[spmem:s20] =	stream.linear.scatter [tilespmem:s31], [sflag:$0x6], $0x2800, $0x38;
	[tilespmem:$0x1E500] =	vst v63  }
0x4b: {  	_ =	swait.ge [sflag:s0], $0x2800  }
0x4c: {  	[sflag:s0] =	ssyncset.done $0x0  }
0x4d: {  	s22 =	rddreg [dreg:$0xd];
	[sflag:s0] =	ssyncadd.s32 $0xFFFFD800  }
0x4e: {  	[spmem:s22] =	stream.linear.scatter [tilespmem:s31], [sflag:$0x6], $0x2400, $0x38;
	[tilespmem:$0x1E500] =	vst v63  }
0x4f: {  	_ =	swait.ge [sflag:s0], $0x2400  }
0x50: {  	[sflag:s0] =	ssyncset.done $0x0  }
0x51: {  	[sflag:s0] =	ssyncadd.s32 $0xFFFFDC00  }
0x52: {  	[bflag:$0x0] =	sbarrier.arrive $0xFFFF  }
0x53: {  	_ =	swait.ge [sflag:s28], $0x80  }
0x54: {  	[sflag:s28] =	ssyncset.done $0x0  }
0x55: {  	s19 =	simm.s32 $0x0;
	s20 =	rddreg [dreg:$0xe];
	[sflag:s28] =	ssyncadd.s32 $0xFFFFFF80  }
0x56: {  	[tilespmem:s31], [sflag:$0x3] =	stream.linear.gather [hbm4b:s20+s19], $0x2800, $0x38;
	[tilespmem:$0x1E500] =	vst v63  }
0x57: {  	_ = 	snop  }
0x58: {  	[tilespmem:s30], [sflag:$0x4] =	stream.indirect.gather [hbm4b:s1+s29], $0x80, s21, s29, $0xb8;
	[tilespmem:$0x1E500] =	vst v63  }
0x59: {  	s23 =	rddreg [dreg:$0xf]  }
0x5a: {  	[tilespmem:s3], [sflag:$0x2] =	stream.linear.gather [hbm4b:s23+s19], $0x80, $0x38;
	[tilespmem:$0x1E500] =	vst v63  }
.LBB2_4:
0x5b: {  	p0 =	seq.s32 s19, $0x0  }
0x5c: {  	s20 =	simm.s32 @!p0 $0x5  }
0x5d: {  	s21 =	sshllo.u32 s19, $0x1;
	_ =	swait.ge @!p0 [sflag:s20], $0x2800  }
0x5e: {  	s22 =	smul.u32 $0x50, s21;
	[sflag:s20] =	ssyncset.done @!p0 $0x0  }
0x5f: {  	s21 =	sshll.u32 s21, $0x7;
	[sflag:s20] =	ssyncadd.s32 @!p0 $0xFFFFD800  }
0x60: {  	s23 =	sand.u32 $0x780, s21;
	s22 =	sadd.s32 s10, s22;
	_ =	swait.ge [sflag:s28], $0x80  }
0x61: {  	s20 =	sshll.u32 s22, $0x4;
	s22 =	sadd.s32 $0x13C00, s23;
	[sflag:s28] =	ssyncset.done $0x0  }
0x62: {  	s23 =	sadd.s32 s7, s21;
	s20 =	sadd.s32 s8, s20;
	[sflag:s28] =	ssyncadd.s32 $0xFFFFFF80  }
0x63: {  	[tilespmem:s11], [sflag:$0x3] =	stream.linear.gather [hbm4b:s20+s4], $0x2800, $0x38;
	[tilespmem:$0x1E500] =	vst v63  }
0x64: {  	s20 =	sshrl.u32 s23, $0x3  }
0x65: {  	[tilespmem:s12], [sflag:$0x4] =	stream.indirect.gather [hbm4b:s1+s29], $0x80, s22, s29, $0xb8;
	[tilespmem:$0x1E500] =	vst v63  }
0x66: {  	s20 =	sadd.s32 s6, s20  }
0x67: {  	[tilespmem:s13], [sflag:$0x2] =	stream.linear.gather [hbm4b:s20+s4], $0x80, $0x38;
	[tilespmem:$0x1E500] =	vst v63  }
0x68: {  	p0 =	seq.s32 s19, $0x3D;
	s20 =	sshll.u32 s19, $0x1  }
0x69: {  	s21 =	sshll.u32 @!p0 s20, $0x7  }
0x6a: {  	s21 =	sadd.s32 @!p0 $0x200, s21  }
0x6b: {  	s22 =	sadd.s32 @!p0 s7, s21  }
0x6c: {  	p1 =	sgt.u32 @!p0 s19, $0x3B;
	s21 =	sand.u32 @!p0 $0x700, s21;
	s22 =	sshrl.u32 @!p0 s22, $0x3  }
0x6d: {  	s23 =	simm.s32 @!p0 $0x0;
	s21 =	sadd.s32 @!p0 $0x13C00, s21;
	s22 =	sadd.s32 @!p0 s5, s22  }
0x6e: {  	[tilespmem:s21], [sflag:$0x1] =	stream.linear.gather @!p0 [hbm4b:s22+s23], $0x80, $0x38;
	[tilespmem:$0x1E500] =	vst v63  }
0x6f: {  	p0 =	por p1, p0  }
0x70: {  	s21 =	sshll.u32 @!p0 s20, $0x7  }
0x71: {  	s21 =	sadd.s32 @!p0 $0x280, s21  }
0x72: {  	s22 =	sadd.s32 @!p0 s7, s21  }
0x73: {  	s21 =	sand.u32 @!p0 $0x780, s21;
	s22 =	sshrl.u32 @!p0 s22, $0x3  }
0x74: {  	s23 =	simm.s32 @!p0 $0x0;
	s21 =	sadd.s32 @!p0 $0x13C00, s21;
	s22 =	sadd.s32 @!p0 s5, s22  }
0x75: {  	[tilespmem:s21], [sflag:$0x1] =	stream.linear.gather @!p0 [hbm4b:s22+s23], $0x80, $0x38;
	[tilespmem:$0x1E500] =	vst v63  }
0x76: {  	_ =	swait.ge [sflag:s15], $0x2800  }
0x77: {  	[sflag:s15] =	ssyncset.done $0x0  }
0x78: {  	[sflag:s15] =	ssyncadd.s32 $0xFFFFD800  }
0x79: {  	_ =	swait.ge [sflag:s16], $0x2800  }
0x7a: {  	[sflag:s16] =	ssyncset.done $0x0  }
0x7b: {  	s21 =	simm.s32 $0x0;
	[sflag:s16] =	ssyncadd.s32 $0xFFFFD800  }
0x7c: {  	v7 =	vld [tilespmem:s21+$0x19400]  }
0x7d: {  	v12 =	vld [tilespmem:s21+$0x19410]  }
0x7e: {  	v6 =	vld [tilespmem:s21+$0x19420]  }
0x7f: {  	v5 =	vld [tilespmem:s21+$0x19430]  }
0x80: {  	v4 =	vld [tilespmem:s21+$0x19440]  }
0x81: {  	v3 =	vld [tilespmem:s21+$0x19450]  }
0x82: {  	v2 =	vld [tilespmem:s21+$0x19460]  }
0x83: {  	v1 =	vld [tilespmem:s21+$0x19470]  }
0x84: {  	v13 =	vld [tilespmem:s21+$0x14400]  }
0x85: {  	v14 =	vld [tilespmem:s21+$0x14410]  }
0x86: {  	v11 =	vld [tilespmem:s21+$0x14420]  }
0x87: {  	v10 =	vld [tilespmem:s21+$0x14430]  }
0x88: {  	v9 =	vld [tilespmem:s21+$0x14440]  }
0x89: {  	v8 =	vld [tilespmem:s21+$0x14450];
	v13 =	vadd.f32 v7, v13  }
0x8a: {  	s22 =	simm.s32 $0x200;
	v12 =	vadd.f32 v12, v14;
	v7 =	vld [tilespmem:s21+$0x14460]  }
.LBB2_5:
0x8b: {  	s23 =	sshra.s32 s22, $0x2;
	p0 =	sne.s32 s22, $0x9E00;
	v13 =	vmax.f32 v13, $0.0e+00;
	v6 =	vadd.f32 v6, v11;
	v11 =	vld [tilespmem:s21+$0x14470]  }
0x8c: {  	v14 =	vld [tilespmem:s23+$0x19400];
	[tilespmem:s21+$0x14400] =	vst v13;
	v12 =	vmax.f32 v12, $0.0e+00;
	v5 =	vadd.f32 v5, v10  }
0x8d: {  	v15 =	vld [tilespmem:s23+$0x19410];
	[tilespmem:s21+$0x14410] =	vst v12;
	v10 =	vmax.f32 v6, $0.0e+00;
	v4 =	vadd.f32 v4, v9  }
0x8e: {  	v6 =	vld [tilespmem:s23+$0x19420];
	[tilespmem:s21+$0x14420] =	vst v10;
	v9 =	vmax.f32 v5, $0.0e+00;
	v3 =	vadd.f32 v3, v8  }
0x8f: {  	v5 =	vld [tilespmem:s23+$0x19430];
	[tilespmem:s21+$0x14430] =	vst v9;
	v8 =	vmax.f32 v4, $0.0e+00;
	v2 =	vadd.f32 v2, v7  }
0x90: {  	v4 =	vld [tilespmem:s23+$0x19440];
	[tilespmem:s21+$0x14440] =	vst v8;
	v7 =	vmax.f32 v3, $0.0e+00;
	v1 =	vadd.f32 v1, v11  }
0x91: {  	v3 =	vld [tilespmem:s23+$0x19450];
	[tilespmem:s21+$0x14450] =	vst v7;
	v7 =	vmax.f32 v2, $0.0e+00  }
0x92: {  	v2 =	vld [tilespmem:s23+$0x19460];
	[tilespmem:s21+$0x14460] =	vst v7;
	v7 =	vmax.f32 v1, $0.0e+00  }
0x93: {  	v1 =	vld [tilespmem:s23+$0x19470];
	[tilespmem:s21+$0x14470] =	vst v7;
	s21 =	smov.u32 s23  }
0x94: {  	v7 =	vld [tilespmem:s21+$0x14400]  }
0x95: {  	v12 =	vld [tilespmem:s21+$0x14410]  }
.Ltmp1:
0x96: {  	v11 =	vld [tilespmem:s21+$0x14420];
	(pc) =	sbr.rel @p0 .LBB2_5-.Ltmp1, $4  }
0x97: {  	v10 =	vld [tilespmem:s21+$0x14430]  }
0x98: {  	v9 =	vld [tilespmem:s21+$0x14440]  }
0x99: {  	v13 =	vadd.f32 v14, v7;
	v8 =	vld [tilespmem:s21+$0x14450]  }
0x9a: {  	s22 =	sadd.s32 $0x200, s22;
	v12 =	vadd.f32 v15, v12;
	v7 =	vld [tilespmem:s21+$0x14460]  }
0x9b: {  	v13 =	vmax.f32 v13, $0.0e+00;
	v6 =	vadd.f32 v6, v11;
	v11 =	vld [tilespmem:s21+$0x14470]  }
0x9c: {  	[tilespmem:s21+$0x14400] =	vst v13;
	v12 =	vmax.f32 v12, $0.0e+00;
	v5 =	vadd.f32 v5, v10  }
0x9d: {  	[tilespmem:s21+$0x14410] =	vst v12;
	v6 =	vmax.f32 v6, $0.0e+00;
	v4 =	vadd.f32 v4, v9  }
0x9e: {  	[tilespmem:s21+$0x14420] =	vst v6;
	v5 =	vmax.f32 v5, $0.0e+00;
	v3 =	vadd.f32 v3, v8  }
0x9f: {  	[tilespmem:s21+$0x14430] =	vst v5;
	v4 =	vmax.f32 v4, $0.0e+00;
	v2 =	vadd.f32 v2, v7  }
0xa0: {  	[tilespmem:s21+$0x14440] =	vst v4;
	v3 =	vmax.f32 v3, $0.0e+00;
	v1 =	vadd.f32 v1, v11  }
0xa1: {  	[tilespmem:s21+$0x14450] =	vst v3;
	v2 =	vmax.f32 v2, $0.0e+00  }
0xa2: {  	[tilespmem:s21+$0x14460] =	vst v2;
	v1 =	vmax.f32 v1, $0.0e+00  }
0xa3: {  	[tilespmem:s21+$0x14470] =	vst v1  }
0xa4: {  	_ =	swait.ge [sflag:s17], $0x80  }
0xa5: {  	[sflag:s17] =	ssyncset.done $0x0  }
0xa6: {  	[sflag:s17] =	ssyncadd.s32 $0xFFFFFF80  }
0xa7: {  	[spmem:s2] =	stream.indirect.scatter.add.f32 [tilespmem:s31], [sflag:$0x5], $0x80, s3, s29, $0xb8;
	[tilespmem:$0x1E500] =	vst v63  }
0xa8: {  	s20 =	sadd.s32 $0x2, s20;
	_ =	swait.ge [sflag:s26], $0x2800  }
0xa9: {  	s23 =	smul.u32 $0x50, s20;
	[sflag:s26] =	ssyncset.done $0x0  }
0xaa: {  	s20 =	sshll.u32 s20, $0x7;
	[sflag:s26] =	ssyncadd.s32 $0xFFFFD800  }
0xab: {  	s22 =	sand.u32 $0x700, s20;
	s21 =	sadd.s32 s10, s23;
	_ =	swait.ge [sflag:s28], $0x80  }
0xac: {  	s20 =	sadd.s32 s7, s20;
	s21 =	sshll.u32 s21, $0x4;
	[sflag:s28] =	ssyncset.done $0x0  }
0xad: {  	s23 =	simm.s32 $0x0;
	s21 =	sadd.s32 s8, s21;
	[sflag:s28] =	ssyncadd.s32 $0xFFFFFF80  }
0xae: {  	[tilespmem:s31], [sflag:$0x3] =	stream.linear.gather [hbm4b:s21+s23], $0x2800, $0x38;
	[tilespmem:$0x1E500] =	vst v63  }
0xaf: {  	s22 =	sadd.s32 $0x13C00, s22;
	s20 =	sshrl.u32 s20, $0x3  }
0xb0: {  	[tilespmem:s30], [sflag:$0x4] =	stream.indirect.gather [hbm4b:s1+s29], $0x80, s22, s29, $0xb8;
	[tilespmem:$0x1E500] =	vst v63  }
0xb1: {  	s20 =	sadd.s32 s6, s20  }
0xb2: {  	[tilespmem:s3], [sflag:$0x2] =	stream.linear.gather [hbm4b:s20+s23], $0x80, $0x38;
	[tilespmem:$0x1E500] =	vst v63  }
0xb3: {  	_ =	swait.ge [sflag:s15], $0x2800  }
0xb4: {  	[sflag:s15] =	ssyncset.done $0x0  }
0xb5: {  	[sflag:s15] =	ssyncadd.s32 $0xFFFFD800  }
0xb6: {  	_ =	swait.ge [sflag:s16], $0x2800  }
0xb7: {  	[sflag:s16] =	ssyncset.done $0x0  }
0xb8: {  	s20 =	simm.s32 $0x0;
	[sflag:s16] =	ssyncadd.s32 $0xFFFFD800  }
0xb9: {  	v7 =	vld [tilespmem:s20+$0x1BC00]  }
0xba: {  	v12 =	vld [tilespmem:s20+$0x1BC10]  }
0xbb: {  	v6 =	vld [tilespmem:s20+$0x1BC20]  }
0xbc: {  	v5 =	vld [tilespmem:s20+$0x1BC30]  }
0xbd: {  	v4 =	vld [tilespmem:s20+$0x1BC40]  }
0xbe: {  	v3 =	vld [tilespmem:s20+$0x1BC50]  }
0xbf: {  	v2 =	vld [tilespmem:s20+$0x1BC60]  }
0xc0: {  	v1 =	vld [tilespmem:s20+$0x1BC70]  }
0xc1: {  	v13 =	vld [tilespmem:s20+$0x16C00]  }
0xc2: {  	v14 =	vld [tilespmem:s20+$0x16C10]  }
0xc3: {  	v11 =	vld [tilespmem:s20+$0x16C20]  }
0xc4: {  	v10 =	vld [tilespmem:s20+$0x16C30]  }
0xc5: {  	v9 =	vld [tilespmem:s20+$0x16C40]  }
0xc6: {  	v8 =	vld [tilespmem:s20+$0x16C50];
	v13 =	vadd.f32 v7, v13  }
0xc7: {  	s21 =	simm.s32 $0x200;
	v12 =	vadd.f32 v12, v14;
	v7 =	vld [tilespmem:s20+$0x16C60]  }
.LBB2_7:
0xc8: {  	s22 =	sshra.s32 s21, $0x2;
	p0 =	sne.s32 s21, $0x9E00;
	v13 =	vmax.f32 v13, $0.0e+00;
	v6 =	vadd.f32 v6, v11;
	v11 =	vld [tilespmem:s20+$0x16C70]  }
0xc9: {  	v14 =	vld [tilespmem:s22+$0x1BC00];
	[tilespmem:s20+$0x16C00] =	vst v13;
	v12 =	vmax.f32 v12, $0.0e+00;
	v5 =	vadd.f32 v5, v10  }
0xca: {  	v15 =	vld [tilespmem:s22+$0x1BC10];
	[tilespmem:s20+$0x16C10] =	vst v12;
	v10 =	vmax.f32 v6, $0.0e+00;
	v4 =	vadd.f32 v4, v9  }
0xcb: {  	v6 =	vld [tilespmem:s22+$0x1BC20];
	[tilespmem:s20+$0x16C20] =	vst v10;
	v9 =	vmax.f32 v5, $0.0e+00;
	v3 =	vadd.f32 v3, v8  }
0xcc: {  	v5 =	vld [tilespmem:s22+$0x1BC30];
	[tilespmem:s20+$0x16C30] =	vst v9;
	v8 =	vmax.f32 v4, $0.0e+00;
	v2 =	vadd.f32 v2, v7  }
0xcd: {  	v4 =	vld [tilespmem:s22+$0x1BC40];
	[tilespmem:s20+$0x16C40] =	vst v8;
	v7 =	vmax.f32 v3, $0.0e+00;
	v1 =	vadd.f32 v1, v11  }
0xce: {  	v3 =	vld [tilespmem:s22+$0x1BC50];
	[tilespmem:s20+$0x16C50] =	vst v7;
	v7 =	vmax.f32 v2, $0.0e+00  }
0xcf: {  	v2 =	vld [tilespmem:s22+$0x1BC60];
	[tilespmem:s20+$0x16C60] =	vst v7;
	v7 =	vmax.f32 v1, $0.0e+00  }
0xd0: {  	v1 =	vld [tilespmem:s22+$0x1BC70];
	[tilespmem:s20+$0x16C70] =	vst v7;
	s20 =	smov.u32 s22  }
0xd1: {  	v7 =	vld [tilespmem:s20+$0x16C00]  }
0xd2: {  	v12 =	vld [tilespmem:s20+$0x16C10]  }
.Ltmp2:
0xd3: {  	v11 =	vld [tilespmem:s20+$0x16C20];
	(pc) =	sbr.rel @p0 .LBB2_7-.Ltmp2, $4  }
0xd4: {  	v10 =	vld [tilespmem:s20+$0x16C30]  }
0xd5: {  	v9 =	vld [tilespmem:s20+$0x16C40]  }
0xd6: {  	v13 =	vadd.f32 v14, v7;
	v8 =	vld [tilespmem:s20+$0x16C50]  }
0xd7: {  	s21 =	sadd.s32 $0x200, s21;
	v12 =	vadd.f32 v15, v12;
	v7 =	vld [tilespmem:s20+$0x16C60]  }
0xd8: {  	v13 =	vmax.f32 v13, $0.0e+00;
	v6 =	vadd.f32 v6, v11;
	v63 =	vld [tilespmem:s20+$0x16C70]  }
0xd9: {  	[tilespmem:s20+$0x16C00] =	vst v13;
	v12 =	vmax.f32 v12, $0.0e+00;
	v5 =	vadd.f32 v5, v10  }
0xda: {  	[tilespmem:s20+$0x16C10] =	vst v12;
	v6 =	vmax.f32 v6, $0.0e+00;
	v4 =	vadd.f32 v4, v9  }
0xdb: {  	[tilespmem:s20+$0x16C20] =	vst v6;
	v5 =	vmax.f32 v5, $0.0e+00;
	v3 =	vadd.f32 v3, v8  }
0xdc: {  	[tilespmem:s20+$0x16C30] =	vst v5;
	v4 =	vmax.f32 v4, $0.0e+00;
	v2 =	vadd.f32 v2, v7  }
0xdd: {  	[tilespmem:s20+$0x16C40] =	vst v4;
	v3 =	vmax.f32 v3, $0.0e+00;
	v1 =	vadd.f32 v1, v63  }
0xde: {  	s19 =	sadd.s32 $0x1, s19;
	[tilespmem:s20+$0x16C50] =	vst v3;
	v2 =	vmax.f32 v2, $0.0e+00  }
0xdf: {  	p0 =	sne.s32 s19, $0x3E;
	[tilespmem:s20+$0x16C60] =	vst v2;
	v1 =	vmax.f32 v1, $0.0e+00  }
.Ltmp3:
0xe0: {  	[tilespmem:s20+$0x16C70] =	vst v1;
	(pc) =	sbr.rel @p0 .LBB2_4-.Ltmp3, $4  }
0xe1: {  	_ =	swait.ge [sflag:s17], $0x80  }
0xe2: {  	[sflag:s17] =	ssyncset.done $0x0  }
0xe3: {  	[sflag:s17] =	ssyncadd.s32 $0xFFFFFF80  }
0xe4: {  	[spmem:s2] =	stream.indirect.scatter.add.f32 [tilespmem:s11], [sflag:$0x5], $0x80, s13, s29, $0xb8;
	[tilespmem:$0x1E500] =	vst v63  }
0xe5: {  	_ =	swait.ge [sflag:s26], $0x2800  }
0xe6: {  	[sflag:s26] =	ssyncset.done $0x0  }
0xe7: {  	[sflag:s26] =	ssyncadd.s32 $0xFFFFD800  }
0xe8: {  	_ =	swait.ge [sflag:s15], $0x2800  }
0xe9: {  	[sflag:s15] =	ssyncset.done $0x0  }
0xea: {  	[sflag:s15] =	ssyncadd.s32 $0xFFFFD800  }
0xeb: {  	_ =	swait.ge [sflag:s16], $0x2800  }
0xec: {  	[sflag:s16] =	ssyncset.done $0x0  }
0xed: {  	s19 =	simm.s32 $0x0;
	[sflag:s16] =	ssyncadd.s32 $0xFFFFD800  }
0xee: {  	v7 =	vld [tilespmem:s19+$0x19400]  }
0xef: {  	v12 =	vld [tilespmem:s19+$0x19410]  }
0xf0: {  	v6 =	vld [tilespmem:s19+$0x19420]  }
0xf1: {  	v5 =	vld [tilespmem:s19+$0x19430]  }
0xf2: {  	v4 =	vld [tilespmem:s19+$0x19440]  }
0xf3: {  	v3 =	vld [tilespmem:s19+$0x19450]  }
0xf4: {  	v2 =	vld [tilespmem:s19+$0x19460]  }
0xf5: {  	v1 =	vld [tilespmem:s19+$0x19470]  }
0xf6: {  	v13 =	vld [tilespmem:s19+$0x14400]  }
0xf7: {  	v14 =	vld [tilespmem:s19+$0x14410]  }
0xf8: {  	v11 =	vld [tilespmem:s19+$0x14420]  }
0xf9: {  	v10 =	vld [tilespmem:s19+$0x14430]  }
0xfa: {  	v9 =	vld [tilespmem:s19+$0x14440]  }
0xfb: {  	v8 =	vld [tilespmem:s19+$0x14450];
	v13 =	vadd.f32 v7, v13  }
0xfc: {  	s20 =	simm.s32 $0x200;
	v12 =	vadd.f32 v12, v14;
	v7 =	vld [tilespmem:s19+$0x14460]  }
.LBB2_10:
0xfd: {  	s21 =	sshra.s32 s20, $0x2;
	p0 =	sne.s32 s20, $0x9E00;
	v13 =	vmax.f32 v13, $0.0e+00;
	v6 =	vadd.f32 v6, v11;
	v11 =	vld [tilespmem:s19+$0x14470]  }
0xfe: {  	v14 =	vld [tilespmem:s21+$0x19400];
	[tilespmem:s19+$0x14400] =	vst v13;
	v12 =	vmax.f32 v12, $0.0e+00;
	v5 =	vadd.f32 v5, v10  }
0xff: {  	v15 =	vld [tilespmem:s21+$0x19410];
	[tilespmem:s19+$0x14410] =	vst v12;
	v10 =	vmax.f32 v6, $0.0e+00;
	v4 =	vadd.f32 v4, v9  }
0x100: {  	v6 =	vld [tilespmem:s21+$0x19420];
	[tilespmem:s19+$0x14420] =	vst v10;
	v9 =	vmax.f32 v5, $0.0e+00;
	v3 =	vadd.f32 v3, v8  }
0x101: {  	v5 =	vld [tilespmem:s21+$0x19430];
	[tilespmem:s19+$0x14430] =	vst v9;
	v8 =	vmax.f32 v4, $0.0e+00;
	v2 =	vadd.f32 v2, v7  }
0x102: {  	v4 =	vld [tilespmem:s21+$0x19440];
	[tilespmem:s19+$0x14440] =	vst v8;
	v7 =	vmax.f32 v3, $0.0e+00;
	v1 =	vadd.f32 v1, v11  }
0x103: {  	v3 =	vld [tilespmem:s21+$0x19450];
	[tilespmem:s19+$0x14450] =	vst v7;
	v7 =	vmax.f32 v2, $0.0e+00  }
0x104: {  	v2 =	vld [tilespmem:s21+$0x19460];
	[tilespmem:s19+$0x14460] =	vst v7;
	v7 =	vmax.f32 v1, $0.0e+00  }
0x105: {  	v1 =	vld [tilespmem:s21+$0x19470];
	[tilespmem:s19+$0x14470] =	vst v7;
	s19 =	smov.u32 s21  }
0x106: {  	v7 =	vld [tilespmem:s19+$0x14400]  }
0x107: {  	v12 =	vld [tilespmem:s19+$0x14410]  }
.Ltmp4:
0x108: {  	v11 =	vld [tilespmem:s19+$0x14420];
	(pc) =	sbr.rel @p0 .LBB2_10-.Ltmp4, $4  }
0x109: {  	v10 =	vld [tilespmem:s19+$0x14430]  }
0x10a: {  	v9 =	vld [tilespmem:s19+$0x14440]  }
0x10b: {  	v13 =	vadd.f32 v14, v7;
	v8 =	vld [tilespmem:s19+$0x14450]  }
0x10c: {  	s20 =	sadd.s32 $0x200, s20;
	v12 =	vadd.f32 v15, v12;
	v7 =	vld [tilespmem:s19+$0x14460]  }
0x10d: {  	v13 =	vmax.f32 v13, $0.0e+00;
	v6 =	vadd.f32 v6, v11;
	v63 =	vld [tilespmem:s19+$0x14470]  }
0x10e: {  	[tilespmem:s19+$0x14400] =	vst v13;
	v12 =	vmax.f32 v12, $0.0e+00;
	v5 =	vadd.f32 v5, v10  }
0x10f: {  	[tilespmem:s19+$0x14410] =	vst v12;
	v6 =	vmax.f32 v6, $0.0e+00;
	v4 =	vadd.f32 v4, v9  }
0x110: {  	[tilespmem:s19+$0x14420] =	vst v6;
	v5 =	vmax.f32 v5, $0.0e+00;
	v3 =	vadd.f32 v3, v8  }
0x111: {  	[tilespmem:s19+$0x14430] =	vst v5;
	v4 =	vmax.f32 v4, $0.0e+00;
	v2 =	vadd.f32 v2, v7  }
0x112: {  	[tilespmem:s19+$0x14440] =	vst v4;
	v3 =	vmax.f32 v3, $0.0e+00;
	v1 =	vadd.f32 v1, v63  }
0x113: {  	[tilespmem:s19+$0x14450] =	vst v3;
	v2 =	vmax.f32 v2, $0.0e+00  }
0x114: {  	[tilespmem:s19+$0x14460] =	vst v2;
	v1 =	vmax.f32 v1, $0.0e+00  }
0x115: {  	[tilespmem:s19+$0x14470] =	vst v1  }
0x116: {  	_ =	swait.ge [sflag:s17], $0x80  }
0x117: {  	[sflag:s17] =	ssyncset.done $0x0  }
0x118: {  	[sflag:s17] =	ssyncadd.s32 $0xFFFFFF80  }
0x119: {  	[spmem:s2] =	stream.indirect.scatter.add.f32 [tilespmem:s31], [sflag:$0x5], $0x80, s3, s29, $0xb8;
	[tilespmem:$0x1E500] =	vst v63  }
0x11a: {  	s23 =	stileid.u32;
	_ =	swait.ge [sflag:s26], $0x2800  }
0x11b: {  	s20 =	sshrl.u32 s14, $0x3;
	s18 =	sadd.s32 $0x1, s18;
	[sflag:s26] =	ssyncset.done $0x0  }
0x11c: {  	p0 =	sne.s32 s18, s25;
	s19 =	sshll.u32 s23, $0x6;
	[sflag:s26] =	ssyncadd.s32 $0xFFFFD800  }
.Ltmp5:
0x11d: {  	s19 =	sor.u32 $0x1C06, s19;
	[bflag:$0x0] =	sbarrier.arrive $0xFFFF;
	(pc) =	sbr.rel @p0 .LBB2_1-.Ltmp5, $4  }
0x11e: {  	[hbm:s24], [sflag:s19] =	dma.local [spmem:s20], $0x2780  }
0x11f: {  	_ =	swait.ge [sflag:s0], $0x2780  }
0x120: {  	[sflag:s0] =	ssyncset.done $0x0  }
0x121: {  	s21 =	simm.s32 $0x13C00;
	[sflag:s0] =	ssyncadd.s32 $0xFFFFD880  }
0x122: {  	_ =	sfence.sel $0x180000  }
0x123: {  	[bflag:$0x0] =	sbarrier.arrive $0xFFFF  }
0x124: {  	_ =	strace $0x9000004A  }
0x125: {  	s0 =	stileid.u32;
	[bflag:$0x2] =	sbarrier.arrive $0xFFFF  }
0x126: {  	p0 =	sne.s32 s0, $0x0;
	s0 =	rddreg [dreg:$0x3]  }
0x127: {  	s0 =	sadd.s32 @!p0 $0x100000, s0  }
0x128: {  	[sflag:s0] =	ssyncadd.tile.s32 @!p0 $0x1;
	_ =	shalt  }
.Lfunc_end2:
_tile_overlayer_lowered:
.L_overlay_start_2:
0x129: {  	(tag) =	ssettag $0x2  }
0x12a: {  	s0 =	rddreg [dreg:$0x0];
	s2 =	stileid.u32  }
0x12b: {  	s1 =	rddreg [dreg:$0x1];
	p0 =	sne.s32 s2, $0x0  }
0x12c: {  	s3 =	rddreg [dreg:$0x2];
	[bflag:$0x3] =	sbarrier.arrive $0xFFFF;
	s2 =	simm.s32 @!p0 $0x1C06  }
0x12d: {  	[timem:s3], [sflag:s2] =	dma.local @!p0 [hbm:s0], s1  }
0x12e: {  	s0 =	simm.s32 @!p0 $0x6  }
0x12f: {  	_ =	swait.ge @!p0 [sflag:s0], s1  }
0x130: {  	s1 =	ssub.s32 @!p0 $0x0, s1;
	[sflag:s0] =	ssyncset.done @!p0 $0x0  }
0x131: {  	[sflag:s0] =	ssyncadd.s32 @!p0 s1  }
0x132: {  	[bflag:$0x3] =	sbarrier.arrive $0xFFFF  }
0x133: {  	_ =	shalt  }

// kernel: kernel.8.cloned.1.call-start
scs
__scs_entry_jumppad:
0x0: {  	(pc) =	sbr.rel $0x88, $3  }
0x1: {  	(tag) =	ssettag $0x0;
	lr =	simm.s32 $0x1  }
0x2: {  	[smem:$0x3F92] =	sst lr;
	_ =	strace $0xD0000000  }
0x3: {  	_ = 	snop  }
0x4: {  	_ = 	snop  }
0x5: {  	_ = 	snop  }
0x6: {  	_ = 	snop  }
0x7: {  	_ = 	snop  }
__scs_overlays_trampoline_lowered:
0x8: {  	[smem:$0x3FA1] =	sst s0  }
0x9: {  	[smem:$0x3FA2] =	sst s1  }
0xa: {  	[smem:$0x3FA3] =	sst s2  }
0xb: {  	[smem:$0x3FA4] =	sst s3  }
0xc: {  	[smem:$0x3FA5] =	sst s4  }
0xd: {  	[smem:$0x3FA6] =	sst s5  }
0xe: {  	[smem:$0x3FA7] =	sst s6  }
0xf: {  	[smem:$0x3FA8] =	sst s7  }
0x10: {  	[smem:$0x3FA9] =	sst s8  }
0x11: {  	[smem:$0x3FAA] =	sst s9;
	s0 =	simm.s32 @!p0 $0x0  }
0x12: {  	s1 =	sld [smem:$0x3F90];
	s0 =	simm.s32 @p0 $0x1  }
0x13: {  	[smem:$0x3FAB] =	sst s0;
	s0 =	simm.s32 @!p1 $0x0  }
0x14: {  	s2 =	sld [smem:$0x3F8F];
	s0 =	simm.s32 @p1 $0x1  }
0x15: {  	[smem:$0x3FAC] =	sst s0;
	s0 =	simm.s32 @!p2 $0x0  }
0x16: {  	s3 =	sld [smem:$0x3FDB];
	s0 =	simm.s32 @p2 $0x1  }
0x17: {  	s4 =	simm.s32 $0x1BF5;
	[smem:$0x3FAE] =	sst s0  }
0x18: {  	s0 =	sld [smem:$0x3F91];
	_ =	swait.ge [sflag:s4], $0x0  }
0x19: {  	s7 =	sld [smem:$0x3F92]  }
0x1a: {  	s8 =	sadd.s32 $0xFFFFE003, lr  }
0x1b: {  	s9 =	sadd.s32 $0xFFFFFEF7, lr;
	s5 =	simm.s32 $0xFFFFFFFF;
	p2 =	slt.u32 s8, $0xFFFFF086  }
0x1c: {  	p1 =	slt.u32 s9, $0xF7A;
	s5 =	simm.s32 @!p2 $0x0  }
0x1d: {  	s5 =	simm.s32 @p1 $0x1;
	p0 =	seq.s32 s7, s2  }
0x1e: {  	s7 =	smul.u32 @!p0 $0xF7A, s2;
	p2 =	seq.s32 @!p0 s5, $0x0  }
0x1f: {  	s9 =	smul.u32 $0xF7A, s1;
	s8 =	simm.s32 @!p0 $0x1BF5;
	p2 =	por !p2, p0  }
0x20: {  	[sflag:s8] =	ssyncset.s32 @!p0 $0xFFFFF086;
	s6 =	sadd.s32 @!p0 s3, s7;
	s7 =	simm.s32 @!p0 $0x108  }
0x21: {  	s3 =	sadd.s32 s3, s9;
	s6 =	sadd.s32 @!p0 $0x88, s6;
	s7 =	simm.s32 @p2 $0x1082  }
0x22: {  	[simem:s7], [sflag:s8] =	dma.local @!p0 [hbm:s6], $0xF7A  }
0x23: {  	s9 =	sor.u32 $0xD0000000, s2;
	s6 =	simm.s32 $0x108;
	_ =	swait.ge @!p0 [sflag:s8], $0x0  }
0x24: {  	s3 =	sadd.s32 $0x88, s3;
	s6 =	simm.s32 @!p1 $0x1082;
	[sflag:s4] =	ssyncset.s32 $0xFFFFF086  }
0x25: {  	[simem:s6], [sflag:s4] =	dma.local [hbm:s3], $0xF7A  }
0x26: {  	[smem:$0x3F92] =	sst s1;
	(tag) =	ssettag s2;
	_ =	strace s9  }
0x27: {  	s1 =	sld [smem:$0x3FA2]  }
0x28: {  	s2 =	sld [smem:$0x3FA3]  }
0x29: {  	s4 =	sld [smem:$0x3FA5]  }
0x2a: {  	p0 =	seq.s32 s5, $0x0;
	s5 =	sld [smem:$0x3FA6]  }
0x2b: {  	s6 =	sld [smem:$0x3FA7]  }
0x2c: {  	s7 =	sld [smem:$0x3FA8]  }
0x2d: {  	s3 =	simm.s32 $0x108;
	s8 =	sld [smem:$0x3FA9]  }
0x2e: {  	s3 =	simm.s32 @!p0 $0x1082;
	s9 =	sld [smem:$0x3FAA]  }
0x2f: {  	lr =	sadd.s32 s0, s3;
	s0 =	sld [smem:$0x3FA1]  }
0x30: {  	s3 =	sld [smem:$0x3FA4]  }
0x31: {  	[smem:$0x3FAD] =	sst s10  }
0x32: {  	s10 =	sld [smem:$0x3FAB];
	_ =	sdelay $0x3  }
0x33: {  	p0 =	seq.s32 s10, $0x1;
	s10 =	sld [smem:$0x3FAD];
	_ =	sdelay $0x3  }
0x34: {  	[smem:$0x3FAD] =	sst s10  }
0x35: {  	s10 =	sld [smem:$0x3FAC];
	_ =	sdelay $0x3  }
0x36: {  	p1 =	seq.s32 s10, $0x1;
	s10 =	sld [smem:$0x3FAD];
	_ =	sdelay $0x3  }
0x37: {  	[smem:$0x3FAD] =	sst s10  }
0x38: {  	s10 =	sld [smem:$0x3FAE]  }
0x39: {  	_ = 	snop;
	(pc) =	sbr.ind lr, $3  }
0x3a: {  	_ = 	snop  }
0x3b: {  	_ = 	snop  }
0x3c: {  	p2 =	seq.s32 s10, $0x1;
	s10 =	sld [smem:$0x3FAD]  }
0x3d: {  	_ =	shalt  }
0x3e: {  	_ =	shalt  }
0x3f: {  	_ =	shalt  }
0x40: {  	_ =	shalt  }
0x41: {  	_ =	shalt  }
0x42: {  	_ =	shalt  }
0x43: {  	_ =	shalt  }
0x44: {  	_ =	shalt  }
0x45: {  	_ =	shalt  }
0x46: {  	_ =	shalt  }
0x47: {  	_ =	shalt  }
0x48: {  	_ =	shalt  }
0x49: {  	_ =	shalt  }
0x4a: {  	_ =	shalt  }
0x4b: {  	_ =	shalt  }
0x4c: {  	_ =	shalt  }
0x4d: {  	_ =	shalt  }
0x4e: {  	_ =	shalt  }
0x4f: {  	_ =	shalt  }
0x50: {  	_ =	shalt  }
0x51: {  	_ =	shalt  }
0x52: {  	_ =	shalt  }
0x53: {  	_ =	shalt  }
0x54: {  	_ =	shalt  }
0x55: {  	_ =	shalt  }
0x56: {  	_ =	shalt  }
0x57: {  	_ =	shalt  }
0x58: {  	_ =	shalt  }
0x59: {  	_ =	shalt  }
0x5a: {  	_ =	shalt  }
0x5b: {  	_ =	shalt  }
0x5c: {  	_ =	shalt  }
0x5d: {  	_ =	shalt  }
0x5e: {  	_ =	shalt  }
0x5f: {  	_ =	shalt  }
0x60: {  	_ =	shalt  }
0x61: {  	_ =	shalt  }
0x62: {  	_ =	shalt  }
0x63: {  	_ =	shalt  }
0x64: {  	_ =	shalt  }
0x65: {  	_ =	shalt  }
0x66: {  	_ =	shalt  }
0x67: {  	_ =	shalt  }
0x68: {  	_ =	shalt  }
0x69: {  	_ =	shalt  }
0x6a: {  	_ =	shalt  }
0x6b: {  	_ =	shalt  }
0x6c: {  	_ =	shalt  }
0x6d: {  	_ =	shalt  }
0x6e: {  	_ =	shalt  }
0x6f: {  	_ =	shalt  }
0x70: {  	_ =	shalt  }
0x71: {  	_ =	shalt  }
0x72: {  	_ =	shalt  }
0x73: {  	_ =	shalt  }
0x74: {  	_ =	shalt  }
0x75: {  	_ =	shalt  }
0x76: {  	_ =	shalt  }
0x77: {  	_ =	shalt  }
0x78: {  	_ =	shalt  }
0x79: {  	_ =	shalt  }
0x7a: {  	_ =	shalt  }
0x7b: {  	_ =	shalt  }
0x7c: {  	_ =	shalt  }
0x7d: {  	_ =	shalt  }
0x7e: {  	_ =	shalt  }
0x7f: {  	_ =	shalt  }
0x80: {  	_ =	shalt  }
0x81: {  	_ =	shalt  }
0x82: {  	_ =	shalt  }
0x83: {  	_ =	shalt  }
0x84: {  	_ =	shalt  }
0x85: {  	_ =	shalt  }
0x86: {  	_ =	shalt  }
0x87: {  	_ =	shalt  }
.Lfunc_end0:
.L_simem_size_0:
called_computation_lowered:
.L_overlay_start_0:
0x88: {  	s2 =	sld [smem:$0x3FD9]  }
0x89: {  	s3 =	sld [smem:$0x3FFE];
	_ =	sdelay $0x1  }
0x8a: {  	s1 =	srdreg.scid  }
0x8b: {  	s0 =	sand.u32 $0x1, s1  }
0x8c: {  	s17 =	sshll.u32 s0, $0xA;
	s2 =	sadd.s32 s3, s2  }
0x8d: {  	s2 =	sadd.s32 s2, s17  }
0x8e: {  	[smem:$0x3FB9] =	sst s2  }
0x8f: {  	_ = 	snop  }
0x90: {  	s2 =	sld [smem:$0x3FC9];
	(tm) =	ssettm $0x1  }
0x91: {  	s18 =	sld [smem:$0x3FFB];
	_ =	sdelay $0x3  }
0x92: {  	_ =	strace s18  }
0x93: {  	s3 =	sld [smem:$0x3FFC];
	_ =	sdelay $0x3  }
0x94: {  	_ =	strace s3  }
0x95: {  	s3 =	sld [smem:$0x3FFD];
	_ =	sdelay $0x3  }
0x96: {  	_ =	strace s3  }
0x97: {  	_ =	strace $0x8FFFFFFF  }
0x98: {  	s19 =	sld [smem:$0x3FDB];
	_ =	sdelay $0x1  }
0x99: {  	s4 =	simm.s32 $_scs_section_size  }
0x9a: {  	s5 =	simm.s32 $_size__tile_overlayer_lowered;
	s6 =	simm.s32 $_tile_overlayer_lowered  }
0x9b: {  	s22 =	simm.s32 $0x1BFF;
	s21 =	sshll.u32 s6, $0x1;
	s3 =	sadd.s32 s4, s19  }
0x9c: {  	s7 =	simm.s32 $0x0;
	s20 =	sshll.u32 s5, $0x1;
	s5 =	sadd.s32 s21, s3  }
0x9d: {  	[timem:s7], [sflag:s22] =	dma.local [hbm:s5], s20  }
0x9e: {  	_ =	swait.ge [sflag:s22], s20  }
0x9f: {  	s4 =	ssub.s32 $0x0, s20;
	[sflag:s22] =	ssyncset.done $0x0  }
0xa0: {  	[sflag:s22] =	ssyncadd.s32 s4;
	_ =	sdelay $0x1  }
0xa1: {  	s23 =	simm.s32 $0x1B8B  }
0xa2: {  	_ =	swait.ge [sflag:s23], $0x1  }
0xa3: {  	[sflag:s23] =	ssyncset.done $0x0  }
0xa4: {  	s25 =	simm.s32 $0x1B8E;
	s24 =	sld [smem:$0x3FFE];
	[sflag:s23] =	ssyncadd.s32 $0xFFFFFFFF  }
0xa5: {  	s26 =	simm.s32 $execute0_lowered;
	[smem:$0x3FD2] =	sst s25  }
0xa6: {  	s5 =	sshll.u32 s26, $0x1;
	_ =	strace $0x80000046;
	[dreg:$0x1] =	wrdreg $0xFFFFFFFF  }
0xa7: {  	s28 =	simm.s32 $_size_execute0_lowered;
	s3 =	sadd.s32 s3, s5;
	[dreg:$0x0] =	wrdreg $0x0  }
0xa8: {  	s5 =	sshll.u32 s28, $0x1;
	[dreg:$0x2] =	wrdreg s3  }
0xa9: {  	[dreg:$0x3] =	wrdreg s5  }
0xaa: {  	[dreg:$0x4] =	wrdreg $0xC0  }
0xab: {  	_ =	task [dreg:s7], $0x5FFFF  }
0xac: {  	[dreg:$0x1] =	wrdreg $0xFFFFFFFF  }
0xad: {  	[dreg:$0x0] =	wrdreg $0x60  }
0xae: {  	[dreg:$0x2] =	wrdreg s24  }
0xaf: {  	[dreg:$0x3] =	wrdreg s2  }
0xb0: {  	[dreg:$0x4] =	wrdreg $0x0  }
0xb1: {  	[dreg:$0x5] =	wrdreg $0x9  }
0xb2: {  	_ =	task.clear_ibuf [dreg:s7], $0x6FFFF;
	_ =	strace $0x90000046  }
0xb3: {  	s29 =	simm.s32 $0x9;
	_ =	strace $0x80000048  }
0xb4: {  	_ =	swait.ge [sflag:s29], $0x1  }
0xb5: {  	[sflag:s29] =	ssyncadd.s32 $0xFFFFFFFF  }
0xb6: {  	_ =	strace $0x90000048  }
0xb7: {  	_ =	sfence  }
0xb8: {  	s30 =	sld [smem:$0x0];
	_ =	sdelay $0x2  }
0xb9: {  	s31 =	sshll.u32 s1, $0xD;
	s1 =	sshrl.u32 s1, $0x2  }
0xba: {  	s3 =	sand.u32 $0x4000, s31;
	s1 =	sadd.s32 s1, s30  }
0xbb: {  	s0 =	sor.u32 s3, s0;
	s1 =	sshll.u32 s1, $0x11  }
0xbc: {  	s0 =	sor.u32 s1, s0  }
0xbd: {  	s0 =	sadd.s32 $0x8F2B, s0  }
0xbe: {  	[sflag:s0] =	ssyncadd.remote.s32 $0x1  }
0xbf: {  	_ =	sfence.sel $0xFFFF  }
0xc0: {  	[dreg:$0x0] =	wrdreg $0xFFFFFFFF;
	(pc) =	sbr.abs _section_cstart, $3  }
0xc1: {  	[dreg:$0x1] =	wrdreg $0xFFFFFFFF  }
0xc2: {  	_ =	task.clear_ibuf [dreg:s7], $0x2FFFF;
	_ =	strace $0x9FFFFFFF  }
0xc3: {  	(tm) =	ssettm $0x7FFFFFFF  }
tec
execute0_lowered:
.L_overlay_start_1:
0x0: {  	(tag) =	ssettag $0x1  }
0x1: {  	s0 =	rddreg [dreg:$0x0]  }
0x2: {  	s1 =	rddreg [dreg:$0x1]  }
0x3: {  	s2 =	rddreg [dreg:$0x2]  }
0x4: {  	s3 =	srdreg.scid;
	s13 =	stileid.u32  }
0x5: {  	s4 =	simm.s32 $0x0;
	s3 =	sand.u32 $0x1, s3;
	s8 =	smul.u32 $0x13C00, s13  }
0x6: {  	s31 =	simm.s32 $0x14400;
	s6 =	sshll.u32 s13, $0x1;
	s7 =	smul.u32 $0x13C000, s3  }
0x7: {  	s13 =	smul.u32 $0x4F000, s13;
	s11 =	sor.u32 s3, s6;
	s3 =	ssub.s32 $0x2, s3  }
0x8: {  	s10 =	sshrl.u32 s3, $0x1;
	s9 =	sadd.s32 s8, s7;
	s7 =	smul.u32 $0x3E80, s11  }
0x9: {  	[smem:$0x7FF] =	sst s4;
	s3 =	ssub.s32 s3, s10;
	s10 =	smul.u32 $0x2710, s11  }
0xa: {  	s5 =	sadd.s32 $0x2800, s0;
	_ =	strace $0x80000047;
	s11 =	smul.u32 $0x27100, s11  }
0xb: {  	s6 =	sadd.s32 $0x12200, s0;
	s8 =	sadd.s32 $0x503C00, s0;
	s9 =	sshrl.u32 s9, $0x3  }
0xc: {  	s12 =	sshrl.u32 s7, $0x3;
	s0 =	sadd.s32 s9, s0;
	s11 =	sadd.s32 s8, s11  }
0xd: {  	s9 =	sadd.s32 s5, s12;
	[dreg:$0xe] =	wrdreg s11;
	s26 =	sadd.s32 s6, s12  }
0xe: {  	s28 =	simm.s32 $0x1;
	s14 =	sadd.s32 $0x10, s9;
	[dreg:$0xf] =	wrdreg s26  }
0xf: {  	s13 =	sshrl.u32 s13, $0x2;
	s18 =	sadd.s32 $0x20, s9;
	[dreg:$0x4] =	wrdreg s14  }
0x10: {  	s19 =	sadd.s32 $0x30, s9;
	[dreg:$0x5] =	wrdreg s18;
	s14 =	sadd.s32 s13, s2  }
0x11: {  	s29 =	simm.s32 $0x50;
	[dreg:$0x6] =	wrdreg s19;
	s13 =	sadd.s32 $0x2800, s14  }
0x12: {  	s30 =	simm.s32 $0x19400;
	s20 =	sadd.s32 $0x5000, s14;
	[dreg:$0x7] =	wrdreg s13  }
0x13: {  	s15 =	simm.s32 $0x3;
	s21 =	sadd.s32 $0x7800, s14;
	[dreg:$0x8] =	wrdreg s20  }
0x14: {  	s16 =	simm.s32 $0x4;
	s22 =	sadd.s32 $0xA000, s14;
	[dreg:$0x9] =	wrdreg s21  }
0x15: {  	s17 =	simm.s32 $0x2;
	s23 =	sadd.s32 $0xC800, s14;
	[dreg:$0xa] =	wrdreg s22  }
0x16: {  	s11 =	simm.s32 $0x16C00;
	s24 =	sadd.s32 $0xF000, s14;
	[dreg:$0xb] =	wrdreg s23  }
0x17: {  	s12 =	simm.s32 $0x1BC00;
	s25 =	sadd.s32 $0x11800, s14;
	[dreg:$0xc] =	wrdreg s24  }
0x18: {  	s26 =	simm.s32 $0x5;
	s18 =	simm.s32 $0x0;
	[dreg:$0xd] =	wrdreg s25  }
0x19: {  	s24 =	sadd.s32 $0x9E5C00, s0;
	s25 =	smax.u32 s3, $0x1;
	s21 =	simm.s32 $0x13C00  }
0x1a: {  	v0 =	vimm.f32 $0.0e+00;
	s0 =	simm.s32 $0x6;
	s3 =	simm.s32 $0x1E400;
	s13 =	simm.s32 $0x1E480  }
.LBB2_1:
0x1b: {  	[tilespmem:s21], [sflag:$0x1] =	stream.linear.gather [hbm4b:s9+s4], $0x80, $0x38;
	[tilespmem:$0x1E500] =	vst v63  }
0x1c: {  	s19 =	rddreg [dreg:$0x4];
	s20 =	simm.s32 $0x13C80  }
0x1d: {  	[tilespmem:s20], [sflag:$0x1] =	stream.linear.gather [hbm4b:s19+s4], $0x80, $0x38;
	[tilespmem:$0x1E500] =	vst v63  }
0x1e: {  	s22 =	rddreg [dreg:$0x5];
	s23 =	simm.s32 $0x13D00;
	s19 =	simm.s32 $0x0  }
0x1f: {  	[tilespmem:s23], [sflag:$0x1] =	stream.linear.gather [hbm4b:s22+s4], $0x80, $0x38;
	[tilespmem:$0x1E500] =	vst v63  }
0x20: {  	s20 =	simm.s32 $0x200;
	s22 =	rddreg [dreg:$0x6];
	s23 =	simm.s32 $0x13D80  }
0x21: {  	[tilespmem:s23], [sflag:$0x1] =	stream.linear.gather [hbm4b:s22+s4], $0x80, $0x38;
	[tilespmem:$0x1E500] =	vst v63  }
.LBB2_2:
0x22: {  	p0 =	sne.s32 s20, $0x9E00;
	[tilespmem:s19+$0x14470] =	vst v0  }
0x23: {  	[tilespmem:s19+$0x14400] =	vst v0  }
0x24: {  	[tilespmem:s19+$0x14410] =	vst v0  }
.Ltmp0:
0x25: {  	[tilespmem:s19+$0x14420] =	vst v0;
	(pc) =	sbr.rel @p0 .LBB2_2-.Ltmp0, $4  }
0x26: {  	[tilespmem:s19+$0x14430] =	vst v0  }
0x27: {  	[tilespmem:s19+$0x14440] =	vst v0  }
0x28: {  	[tilespmem:s19+$0x14450] =	vst v0  }
0x29: {  	[tilespmem:s19+$0x14460] =	vst v0;
	s19 =	sshra.s32 s20, $0x2;
	s20 =	sadd.s32 $0x200, s20  }
0x2a: {  	[tilespmem:s19+$0x14470] =	vst v0  }
0x2b: {  	[tilespmem:s19+$0x14400] =	vst v0  }
0x2c: {  	[tilespmem:s19+$0x14410] =	vst v0  }
0x2d: {  	[tilespmem:s19+$0x14420] =	vst v0  }
0x2e: {  	[tilespmem:s19+$0x14430] =	vst v0  }
0x2f: {  	[tilespmem:s19+$0x14440] =	vst v0  }
0x30: {  	[tilespmem:s19+$0x14450] =	vst v0  }
0x31: {  	[tilespmem:s19+$0x14460] =	vst v0  }
0x32: {  	[spmem:s14] =	stream.linear.scatter [tilespmem:s31], [sflag:$0x6], $0x2800, $0x38;
	[tilespmem:$0x1E500] =	vst v63  }
0x33: {  	_ =	swait.ge [sflag:s0], $0x2800  }
0x34: {  	[sflag:s0] =	ssyncset.done $0x0  }
0x35: {  	s22 =	rddreg [dreg:$0x7];
	[sflag:s0] =	ssyncadd.s32 $0xFFFFD800  }
0x36: {  	[spmem:s22] =	stream.linear.scatter [tilespmem:s31], [sflag:$0x6], $0x2800, $0x38;
	[tilespmem:$0x1E500] =	vst v63  }
0x37: {  	_ =	swait.ge [sflag:s0], $0x2800  }
0x38: {  	[sflag:s0] =	ssyncset.done $0x0  }
0x39: {  	s23 =	rddreg [dreg:$0x8];
	[sflag:s0] =	ssyncadd.s32 $0xFFFFD800  }
0x3a: {  	[spmem:s23] =	stream.linear.scatter [tilespmem:s31], [sflag:$0x6], $0x2800, $0x38;
	[tilespmem:$0x1E500] =	vst v63  }
0x3b: {  	_ =	swait.ge [sflag:s0], $0x2800  }
0x3c: {  	[sflag:s0] =	ssyncset.done $0x0  }
0x3d: {  	s20 =	rddreg [dreg:$0x9];
	[sflag:s0] =	ssyncadd.s32 $0xFFFFD800  }
0x3e: {  	[spmem:s20] =	stream.linear.scatter [tilespmem:s31], [sflag:$0x6], $0x2800, $0x38;
	[tilespmem:$0x1E500] =	vst v63  }
0x3f: {  	_ =	swait.ge [sflag:s0], $0x2800  }
0x40: {  	[sflag:s0] =	ssyncset.done $0x0  }
0x41: {  	s22 =	rddreg [dreg:$0xa];
	[sflag:s0] =	ssyncadd.s32 $0xFFFFD800  }
0x42: {  	[spmem:s22] =	stream.linear.scatter [tilespmem:s31], [sflag:$0x6], $0x2800, $0x38;
	[tilespmem:$0x1E500] =	vst v63  }
0x43: {  	_ =	swait.ge [sflag:s0], $0x2800  }
0x44: {  	[sflag:s0] =	ssyncset.done $0x0  }
0x45: {  	s23 =	rddreg [dreg:$0xb];
	[sflag:s0] =	ssyncadd.s32 $0xFFFFD800  }
0x46: {  	[spmem:s23] =	stream.linear.scatter [tilespmem:s31], [sflag:$0x6], $0x2800, $0x38;
	[tilespmem:$0x1E500] =	vst v63  }
0x47: {  	_ =	swait.ge [sflag:s0], $0x2800  }
0x48: {  	[sflag:s0] =	ssyncset.done $0x0  }
0x49: {  	s20 =	rddreg [dreg:$0xc];
	[sflag:s0] =	ssyncadd.s32 $0xFFFFD800  }
0x4a: {  	[spmem:s20] =	stream.linear.scatter [tilespmem:s31], [sflag:$0x6], $0x2800, $0x38;
	[tilespmem:$0x1E500] =	vst v63  }
0x4b: {  	_ =	swait.ge [sflag:s0], $0x2800  }
0x4c: {  	[sflag:s0] =	ssyncset.done $0x0  }
0x4d: {  	s22 =	rddreg [dreg:$0xd];
	[sflag:s0] =	ssyncadd.s32 $0xFFFFD800  }
0x4e: {  	[spmem:s22] =	stream.linear.scatter [tilespmem:s31], [sflag:$0x6], $0x2400, $0x38;
	[tilespmem:$0x1E500] =	vst v63  }
0x4f: {  	_ =	swait.ge [sflag:s0], $0x2400  }
0x50: {  	[sflag:s0] =	ssyncset.done $0x0  }
0x51: {  	[sflag:s0] =	ssyncadd.s32 $0xFFFFDC00  }
0x52: {  	[bflag:$0x0] =	sbarrier.arrive $0xFFFF  }
0x53: {  	_ =	swait.ge [sflag:s28], $0x80  }
0x54: {  	[sflag:s28] =	ssyncset.done $0x0  }
0x55: {  	s19 =	simm.s32 $0x0;
	s20 =	rddreg [dreg:$0xe];
	[sflag:s28] =	ssyncadd.s32 $0xFFFFFF80  }
0x56: {  	[tilespmem:s31], [sflag:$0x3] =	stream.linear.gather [hbm4b:s20+s19], $0x2800, $0x38;
	[tilespmem:$0x1E500] =	vst v63  }
0x57: {  	_ = 	snop  }
0x58: {  	[tilespmem:s30], [sflag:$0x4] =	stream.indirect.gather [hbm4b:s1+s29], $0x80, s21, s29, $0xb8;
	[tilespmem:$0x1E500] =	vst v63  }
0x59: {  	s23 =	rddreg [dreg:$0xf]  }
0x5a: {  	[tilespmem:s3], [sflag:$0x2] =	stream.linear.gather [hbm4b:s23+s19], $0x80, $0x38;
	[tilespmem:$0x1E500] =	vst v63  }
.LBB2_4:
0x5b: {  	p0 =	seq.s32 s19, $0x0  }
0x5c: {  	s20 =	simm.s32 @!p0 $0x5  }
0x5d: {  	s21 =	sshllo.u32 s19, $0x1;
	_ =	swait.ge @!p0 [sflag:s20], $0x2800  }
0x5e: {  	s22 =	smul.u32 $0x50, s21;
	[sflag:s20] =	ssyncset.done @!p0 $0x0  }
0x5f: {  	s21 =	sshll.u32 s21, $0x7;
	[sflag:s20] =	ssyncadd.s32 @!p0 $0xFFFFD800  }
0x60: {  	s23 =	sand.u32 $0x780, s21;
	s22 =	sadd.s32 s10, s22;
	_ =	swait.ge [sflag:s28], $0x80  }
0x61: {  	s20 =	sshll.u32 s22, $0x4;
	s22 =	sadd.s32 $0x13C00, s23;
	[sflag:s28] =	ssyncset.done $0x0  }
0x62: {  	s23 =	sadd.s32 s7, s21;
	s20 =	sadd.s32 s8, s20;
	[sflag:s28] =	ssyncadd.s32 $0xFFFFFF80  }
0x63: {  	[tilespmem:s11], [sflag:$0x3] =	stream.linear.gather [hbm4b:s20+s4], $0x2800, $0x38;
	[tilespmem:$0x1E500] =	vst v63  }
0x64: {  	s20 =	sshrl.u32 s23, $0x3  }
0x65: {  	[tilespmem:s12], [sflag:$0x4] =	stream.indirect.gather [hbm4b:s1+s29], $0x80, s22, s29, $0xb8;
	[tilespmem:$0x1E500] =	vst v63  }
0x66: {  	s20 =	sadd.s32 s6, s20  }
0x67: {  	[tilespmem:s13], [sflag:$0x2] =	stream.linear.gather [hbm4b:s20+s4], $0x80, $0x38;
	[tilespmem:$0x1E500] =	vst v63  }
0x68: {  	p0 =	seq.s32 s19, $0x3D;
	s20 =	sshll.u32 s19, $0x1  }
0x69: {  	s21 =	sshll.u32 @!p0 s20, $0x7  }
0x6a: {  	s21 =	sadd.s32 @!p0 $0x200, s21  }
0x6b: {  	s22 =	sadd.s32 @!p0 s7, s21  }
0x6c: {  	p1 =	sgt.u32 @!p0 s19, $0x3B;
	s21 =	sand.u32 @!p0 $0x700, s21;
	s22 =	sshrl.u32 @!p0 s22, $0x3  }
0x6d: {  	s23 =	simm.s32 @!p0 $0x0;
	s21 =	sadd.s32 @!p0 $0x13C00, s21;
	s22 =	sadd.s32 @!p0 s5, s22  }
0x6e: {  	[tilespmem:s21], [sflag:$0x1] =	stream.linear.gather @!p0 [hbm4b:s22+s23], $0x80, $0x38;
	[tilespmem:$0x1E500] =	vst v63  }
0x6f: {  	p0 =	por p1, p0  }
0x70: {  	s21 =	sshll.u32 @!p0 s20, $0x7  }
0x71: {  	s21 =	sadd.s32 @!p0 $0x280, s21  }
0x72: {  	s22 =	sadd.s32 @!p0 s7, s21  }
0x73: {  	s21 =	sand.u32 @!p0 $0x780, s21;
	s22 =	sshrl.u32 @!p0 s22, $0x3  }
0x74: {  	s23 =	simm.s32 @!p0 $0x0;
	s21 =	sadd.s32 @!p0 $0x13C00, s21;
	s22 =	sadd.s32 @!p0 s5, s22  }
0x75: {  	[tilespmem:s21], [sflag:$0x1] =	stream.linear.gather @!p0 [hbm4b:s22+s23], $0x80, $0x38;
	[tilespmem:$0x1E500] =	vst v63  }
0x76: {  	_ =	swait.ge [sflag:s15], $0x2800  }
0x77: {  	[sflag:s15] =	ssyncset.done $0x0  }
0x78: {  	[sflag:s15] =	ssyncadd.s32 $0xFFFFD800  }
0x79: {  	_ =	swait.ge [sflag:s16], $0x2800  }
0x7a: {  	[sflag:s16] =	ssyncset.done $0x0  }
0x7b: {  	s21 =	simm.s32 $0x0;
	[sflag:s16] =	ssyncadd.s32 $0xFFFFD800  }
0x7c: {  	v7 =	vld [tilespmem:s21+$0x19400]  }
0x7d: {  	v12 =	vld [tilespmem:s21+$0x19410]  }
0x7e: {  	v6 =	vld [tilespmem:s21+$0x19420]  }
0x7f: {  	v5 =	vld [tilespmem:s21+$0x19430]  }
0x80: {  	v4 =	vld [tilespmem:s21+$0x19440]  }
0x81: {  	v3 =	vld [tilespmem:s21+$0x19450]  }
0x82: {  	v2 =	vld [tilespmem:s21+$0x19460]  }
0x83: {  	v1 =	vld [tilespmem:s21+$0x19470]  }
0x84: {  	v13 =	vld [tilespmem:s21+$0x14400]  }
0x85: {  	v14 =	vld [tilespmem:s21+$0x14410]  }
0x86: {  	v11 =	vld [tilespmem:s21+$0x14420]  }
0x87: {  	v10 =	vld [tilespmem:s21+$0x14430]  }
0x88: {  	v9 =	vld [tilespmem:s21+$0x14440]  }
0x89: {  	v8 =	vld [tilespmem:s21+$0x14450];
	v13 =	vadd.f32 v7, v13  }
0x8a: {  	s22 =	simm.s32 $0x200;
	v12 =	vadd.f32 v12, v14;
	v7 =	vld [tilespmem:s21+$0x14460]  }
.LBB2_5:
0x8b: {  	s23 =	sshra.s32 s22, $0x2;
	p0 =	sne.s32 s22, $0x9E00;
	v13 =	vmax.f32 v13, $0.0e+00;
	v6 =	vadd.f32 v6, v11;
	v11 =	vld [tilespmem:s21+$0x14470]  }
0x8c: {  	v14 =	vld [tilespmem:s23+$0x19400];
	[tilespmem:s21+$0x14400] =	vst v13;
	v12 =	vmax.f32 v12, $0.0e+00;
	v5 =	vadd.f32 v5, v10  }
0x8d: {  	v15 =	vld [tilespmem:s23+$0x19410];
	[tilespmem:s21+$0x14410] =	vst v12;
	v10 =	vmax.f32 v6, $0.0e+00;
	v4 =	vadd.f32 v4, v9  }
0x8e: {  	v6 =	vld [tilespmem:s23+$0x19420];
	[tilespmem:s21+$0x14420] =	vst v10;
	v9 =	vmax.f32 v5, $0.0e+00;
	v3 =	vadd.f32 v3, v8  }
0x8f: {  	v5 =	vld [tilespmem:s23+$0x19430];
	[tilespmem:s21+$0x14430] =	vst v9;
	v8 =	vmax.f32 v4, $0.0e+00;
	v2 =	vadd.f32 v2, v7  }
0x90: {  	v4 =	vld [tilespmem:s23+$0x19440];
	[tilespmem:s21+$0x14440] =	vst v8;
	v7 =	vmax.f32 v3, $0.0e+00;
	v1 =	vadd.f32 v1, v11  }
0x91: {  	v3 =	vld [tilespmem:s23+$0x19450];
	[tilespmem:s21+$0x14450] =	vst v7;
	v7 =	vmax.f32 v2, $0.0e+00  }
0x92: {  	v2 =	vld [tilespmem:s23+$0x19460];
	[tilespmem:s21+$0x14460] =	vst v7;
	v7 =	vmax.f32 v1, $0.0e+00  }
0x93: {  	v1 =	vld [tilespmem:s23+$0x19470];
	[tilespmem:s21+$0x14470] =	vst v7;
	s21 =	smov.u32 s23  }
0x94: {  	v7 =	vld [tilespmem:s21+$0x14400]  }
0x95: {  	v12 =	vld [tilespmem:s21+$0x14410]  }
.Ltmp1:
0x96: {  	v11 =	vld [tilespmem:s21+$0x14420];
	(pc) =	sbr.rel @p0 .LBB2_5-.Ltmp1, $4  }
0x97: {  	v10 =	vld [tilespmem:s21+$0x14430]  }
0x98: {  	v9 =	vld [tilespmem:s21+$0x14440]  }
0x99: {  	v13 =	vadd.f32 v14, v7;
	v8 =	vld [tilespmem:s21+$0x14450]  }
0x9a: {  	s22 =	sadd.s32 $0x200, s22;
	v12 =	vadd.f32 v15, v12;
	v7 =	vld [tilespmem:s21+$0x14460]  }
0x9b: {  	v13 =	vmax.f32 v13, $0.0e+00;
	v6 =	vadd.f32 v6, v11;
	v11 =	vld [tilespmem:s21+$0x14470]  }
0x9c: {  	[tilespmem:s21+$0x14400] =	vst v13;
	v12 =	vmax.f32 v12, $0.0e+00;
	v5 =	vadd.f32 v5, v10  }
0x9d: {  	[tilespmem:s21+$0x14410] =	vst v12;
	v6 =	vmax.f32 v6, $0.0e+00;
	v4 =	vadd.f32 v4, v9  }
0x9e: {  	[tilespmem:s21+$0x14420] =	vst v6;
	v5 =	vmax.f32 v5, $0.0e+00;
	v3 =	vadd.f32 v3, v8  }
0x9f: {  	[tilespmem:s21+$0x14430] =	vst v5;
	v4 =	vmax.f32 v4, $0.0e+00;
	v2 =	vadd.f32 v2, v7  }
0xa0: {  	[tilespmem:s21+$0x14440] =	vst v4;
	v3 =	vmax.f32 v3, $0.0e+00;
	v1 =	vadd.f32 v1, v11  }
0xa1: {  	[tilespmem:s21+$0x14450] =	vst v3;
	v2 =	vmax.f32 v2, $0.0e+00  }
0xa2: {  	[tilespmem:s21+$0x14460] =	vst v2;
	v1 =	vmax.f32 v1, $0.0e+00  }
0xa3: {  	[tilespmem:s21+$0x14470] =	vst v1  }
0xa4: {  	_ =	swait.ge [sflag:s17], $0x80  }
0xa5: {  	[sflag:s17] =	ssyncset.done $0x0  }
0xa6: {  	[sflag:s17] =	ssyncadd.s32 $0xFFFFFF80  }
0xa7: {  	[spmem:s2] =	stream.indirect.scatter.add.f32 [tilespmem:s31], [sflag:$0x5], $0x80, s3, s29, $0xb8;
	[tilespmem:$0x1E500] =	vst v63  }
0xa8: {  	s20 =	sadd.s32 $0x2, s20;
	_ =	swait.ge [sflag:s26], $0x2800  }
0xa9: {  	s23 =	smul.u32 $0x50, s20;
	[sflag:s26] =	ssyncset.done $0x0  }
0xaa: {  	s20 =	sshll.u32 s20, $0x7;
	[sflag:s26] =	ssyncadd.s32 $0xFFFFD800  }
0xab: {  	s22 =	sand.u32 $0x700, s20;
	s21 =	sadd.s32 s10, s23;
	_ =	swait.ge [sflag:s28], $0x80  }
0xac: {  	s20 =	sadd.s32 s7, s20;
	s21 =	sshll.u32 s21, $0x4;
	[sflag:s28] =	ssyncset.done $0x0  }
0xad: {  	s23 =	simm.s32 $0x0;
	s21 =	sadd.s32 s8, s21;
	[sflag:s28] =	ssyncadd.s32 $0xFFFFFF80  }
0xae: {  	[tilespmem:s31], [sflag:$0x3] =	stream.linear.gather [hbm4b:s21+s23], $0x2800, $0x38;
	[tilespmem:$0x1E500] =	vst v63  }
0xaf: {  	s22 =	sadd.s32 $0x13C00, s22;
	s20 =	sshrl.u32 s20, $0x3  }
0xb0: {  	[tilespmem:s30], [sflag:$0x4] =	stream.indirect.gather [hbm4b:s1+s29], $0x80, s22, s29, $0xb8;
	[tilespmem:$0x1E500] =	vst v63  }
0xb1: {  	s20 =	sadd.s32 s6, s20  }
0xb2: {  	[tilespmem:s3], [sflag:$0x2] =	stream.linear.gather [hbm4b:s20+s23], $0x80, $0x38;
	[tilespmem:$0x1E500] =	vst v63  }
0xb3: {  	_ =	swait.ge [sflag:s15], $0x2800  }
0xb4: {  	[sflag:s15] =	ssyncset.done $0x0  }
0xb5: {  	[sflag:s15] =	ssyncadd.s32 $0xFFFFD800  }
0xb6: {  	_ =	swait.ge [sflag:s16], $0x2800  }
0xb7: {  	[sflag:s16] =	ssyncset.done $0x0  }
0xb8: {  	s20 =	simm.s32 $0x0;
	[sflag:s16] =	ssyncadd.s32 $0xFFFFD800  }
0xb9: {  	v7 =	vld [tilespmem:s20+$0x1BC00]  }
0xba: {  	v12 =	vld [tilespmem:s20+$0x1BC10]  }
0xbb: {  	v6 =	vld [tilespmem:s20+$0x1BC20]  }
0xbc: {  	v5 =	vld [tilespmem:s20+$0x1BC30]  }
0xbd: {  	v4 =	vld [tilespmem:s20+$0x1BC40]  }
0xbe: {  	v3 =	vld [tilespmem:s20+$0x1BC50]  }
0xbf: {  	v2 =	vld [tilespmem:s20+$0x1BC60]  }
0xc0: {  	v1 =	vld [tilespmem:s20+$0x1BC70]  }
0xc1: {  	v13 =	vld [tilespmem:s20+$0x16C00]  }
0xc2: {  	v14 =	vld [tilespmem:s20+$0x16C10]  }
0xc3: {  	v11 =	vld [tilespmem:s20+$0x16C20]  }
0xc4: {  	v10 =	vld [tilespmem:s20+$0x16C30]  }
0xc5: {  	v9 =	vld [tilespmem:s20+$0x16C40]  }
0xc6: {  	v8 =	vld [tilespmem:s20+$0x16C50];
	v13 =	vadd.f32 v7, v13  }
0xc7: {  	s21 =	simm.s32 $0x200;
	v12 =	vadd.f32 v12, v14;
	v7 =	vld [tilespmem:s20+$0x16C60]  }
.LBB2_7:
0xc8: {  	s22 =	sshra.s32 s21, $0x2;
	p0 =	sne.s32 s21, $0x9E00;
	v13 =	vmax.f32 v13, $0.0e+00;
	v6 =	vadd.f32 v6, v11;
	v11 =	vld [tilespmem:s20+$0x16C70]  }
0xc9: {  	v14 =	vld [tilespmem:s22+$0x1BC00];
	[tilespmem:s20+$0x16C00] =	vst v13;
	v12 =	vmax.f32 v12, $0.0e+00;
	v5 =	vadd.f32 v5, v10  }
0xca: {  	v15 =	vld [tilespmem:s22+$0x1BC10];
	[tilespmem:s20+$0x16C10] =	vst v12;
	v10 =	vmax.f32 v6, $0.0e+00;
	v4 =	vadd.f32 v4, v9  }
0xcb: {  	v6 =	vld [tilespmem:s22+$0x1BC20];
	[tilespmem:s20+$0x16C20] =	vst v10;
	v9 =	vmax.f32 v5, $0.0e+00;
	v3 =	vadd.f32 v3, v8  }
0xcc: {  	v5 =	vld [tilespmem:s22+$0x1BC30];
	[tilespmem:s20+$0x16C30] =	vst v9;
	v8 =	vmax.f32 v4, $0.0e+00;
	v2 =	vadd.f32 v2, v7  }
0xcd: {  	v4 =	vld [tilespmem:s22+$0x1BC40];
	[tilespmem:s20+$0x16C40] =	vst v8;
	v7 =	vmax.f32 v3, $0.0e+00;
	v1 =	vadd.f32 v1, v11  }
0xce: {  	v3 =	vld [tilespmem:s22+$0x1BC50];
	[tilespmem:s20+$0x16C50] =	vst v7;
	v7 =	vmax.f32 v2, $0.0e+00  }
0xcf: {  	v2 =	vld [tilespmem:s22+$0x1BC60];
	[tilespmem:s20+$0x16C60] =	vst v7;
	v7 =	vmax.f32 v1, $0.0e+00  }
0xd0: {  	v1 =	vld [tilespmem:s22+$0x1BC70];
	[tilespmem:s20+$0x16C70] =	vst v7;
	s20 =	smov.u32 s22  }
0xd1: {  	v7 =	vld [tilespmem:s20+$0x16C00]  }
0xd2: {  	v12 =	vld [tilespmem:s20+$0x16C10]  }
.Ltmp2:
0xd3: {  	v11 =	vld [tilespmem:s20+$0x16C20];
	(pc) =	sbr.rel @p0 .LBB2_7-.Ltmp2, $4  }
0xd4: {  	v10 =	vld [tilespmem:s20+$0x16C30]  }
0xd5: {  	v9 =	vld [tilespmem:s20+$0x16C40]  }
0xd6: {  	v13 =	vadd.f32 v14, v7;
	v8 =	vld [tilespmem:s20+$0x16C50]  }
0xd7: {  	s21 =	sadd.s32 $0x200, s21;
	v12 =	vadd.f32 v15, v12;
	v7 =	vld [tilespmem:s20+$0x16C60]  }
0xd8: {  	v13 =	vmax.f32 v13, $0.0e+00;
	v6 =	vadd.f32 v6, v11;
	v63 =	vld [tilespmem:s20+$0x16C70]  }
0xd9: {  	[tilespmem:s20+$0x16C00] =	vst v13;
	v12 =	vmax.f32 v12, $0.0e+00;
	v5 =	vadd.f32 v5, v10  }
0xda: {  	[tilespmem:s20+$0x16C10] =	vst v12;
	v6 =	vmax.f32 v6, $0.0e+00;
	v4 =	vadd.f32 v4, v9  }
0xdb: {  	[tilespmem:s20+$0x16C20] =	vst v6;
	v5 =	vmax.f32 v5, $0.0e+00;
	v3 =	vadd.f32 v3, v8  }
0xdc: {  	[tilespmem:s20+$0x16C30] =	vst v5;
	v4 =	vmax.f32 v4, $0.0e+00;
	v2 =	vadd.f32 v2, v7  }
0xdd: {  	[tilespmem:s20+$0x16C40] =	vst v4;
	v3 =	vmax.f32 v3, $0.0e+00;
	v1 =	vadd.f32 v1, v63  }
0xde: {  	s19 =	sadd.s32 $0x1, s19;
	[tilespmem:s20+$0x16C50] =	vst v3;
	v2 =	vmax.f32 v2, $0.0e+00  }
0xdf: {  	p0 =	sne.s32 s19, $0x3E;
	[tilespmem:s20+$0x16C60] =	vst v2;
	v1 =	vmax.f32 v1, $0.0e+00  }
.Ltmp3:
0xe0: {  	[tilespmem:s20+$0x16C70] =	vst v1;
	(pc) =	sbr.rel @p0 .LBB2_4-.Ltmp3, $4  }
0xe1: {  	_ =	swait.ge [sflag:s17], $0x80  }
0xe2: {  	[sflag:s17] =	ssyncset.done $0x0  }
0xe3: {  	[sflag:s17] =	ssyncadd.s32 $0xFFFFFF80  }
0xe4: {  	[spmem:s2] =	stream.indirect.scatter.add.f32 [tilespmem:s11], [sflag:$0x5], $0x80, s13, s29, $0xb8;
	[tilespmem:$0x1E500] =	vst v63  }
0xe5: {  	_ =	swait.ge [sflag:s26], $0x2800  }
0xe6: {  	[sflag:s26] =	ssyncset.done $0x0  }
0xe7: {  	[sflag:s26] =	ssyncadd.s32 $0xFFFFD800  }
0xe8: {  	_ =	swait.ge [sflag:s15], $0x2800  }
0xe9: {  	[sflag:s15] =	ssyncset.done $0x0  }
0xea: {  	[sflag:s15] =	ssyncadd.s32 $0xFFFFD800  }
0xeb: {  	_ =	swait.ge [sflag:s16], $0x2800  }
0xec: {  	[sflag:s16] =	ssyncset.done $0x0  }
0xed: {  	s19 =	simm.s32 $0x0;
	[sflag:s16] =	ssyncadd.s32 $0xFFFFD800  }
0xee: {  	v7 =	vld [tilespmem:s19+$0x19400]  }
0xef: {  	v12 =	vld [tilespmem:s19+$0x19410]  }
0xf0: {  	v6 =	vld [tilespmem:s19+$0x19420]  }
0xf1: {  	v5 =	vld [tilespmem:s19+$0x19430]  }
0xf2: {  	v4 =	vld [tilespmem:s19+$0x19440]  }
0xf3: {  	v3 =	vld [tilespmem:s19+$0x19450]  }
0xf4: {  	v2 =	vld [tilespmem:s19+$0x19460]  }
0xf5: {  	v1 =	vld [tilespmem:s19+$0x19470]  }
0xf6: {  	v13 =	vld [tilespmem:s19+$0x14400]  }
0xf7: {  	v14 =	vld [tilespmem:s19+$0x14410]  }
0xf8: {  	v11 =	vld [tilespmem:s19+$0x14420]  }
0xf9: {  	v10 =	vld [tilespmem:s19+$0x14430]  }
0xfa: {  	v9 =	vld [tilespmem:s19+$0x14440]  }
0xfb: {  	v8 =	vld [tilespmem:s19+$0x14450];
	v13 =	vadd.f32 v7, v13  }
0xfc: {  	s20 =	simm.s32 $0x200;
	v12 =	vadd.f32 v12, v14;
	v7 =	vld [tilespmem:s19+$0x14460]  }
.LBB2_10:
0xfd: {  	s21 =	sshra.s32 s20, $0x2;
	p0 =	sne.s32 s20, $0x9E00;
	v13 =	vmax.f32 v13, $0.0e+00;
	v6 =	vadd.f32 v6, v11;
	v11 =	vld [tilespmem:s19+$0x14470]  }
0xfe: {  	v14 =	vld [tilespmem:s21+$0x19400];
	[tilespmem:s19+$0x14400] =	vst v13;
	v12 =	vmax.f32 v12, $0.0e+00;
	v5 =	vadd.f32 v5, v10  }
0xff: {  	v15 =	vld [tilespmem:s21+$0x19410];
	[tilespmem:s19+$0x14410] =	vst v12;
	v10 =	vmax.f32 v6, $0.0e+00;
	v4 =	vadd.f32 v4, v9  }
0x100: {  	v6 =	vld [tilespmem:s21+$0x19420];
	[tilespmem:s19+$0x14420] =	vst v10;
	v9 =	vmax.f32 v5, $0.0e+00;
	v3 =	vadd.f32 v3, v8  }
0x101: {  	v5 =	vld [tilespmem:s21+$0x19430];
	[tilespmem:s19+$0x14430] =	vst v9;
	v8 =	vmax.f32 v4, $0.0e+00;
	v2 =	vadd.f32 v2, v7  }
0x102: {  	v4 =	vld [tilespmem:s21+$0x19440];
	[tilespmem:s19+$0x14440] =	vst v8;
	v7 =	vmax.f32 v3, $0.0e+00;
	v1 =	vadd.f32 v1, v11  }
0x103: {  	v3 =	vld [tilespmem:s21+$0x19450];
	[tilespmem:s19+$0x14450] =	vst v7;
	v7 =	vmax.f32 v2, $0.0e+00  }
0x104: {  	v2 =	vld [tilespmem:s21+$0x19460];
	[tilespmem:s19+$0x14460] =	vst v7;
	v7 =	vmax.f32 v1, $0.0e+00  }
0x105: {  	v1 =	vld [tilespmem:s21+$0x19470];
	[tilespmem:s19+$0x14470] =	vst v7;
	s19 =	smov.u32 s21  }
0x106: {  	v7 =	vld [tilespmem:s19+$0x14400]  }
0x107: {  	v12 =	vld [tilespmem:s19+$0x14410]  }
.Ltmp4:
0x108: {  	v11 =	vld [tilespmem:s19+$0x14420];
	(pc) =	sbr.rel @p0 .LBB2_10-.Ltmp4, $4  }
0x109: {  	v10 =	vld [tilespmem:s19+$0x14430]  }
0x10a: {  	v9 =	vld [tilespmem:s19+$0x14440]  }
0x10b: {  	v13 =	vadd.f32 v14, v7;
	v8 =	vld [tilespmem:s19+$0x14450]  }
0x10c: {  	s20 =	sadd.s32 $0x200, s20;
	v12 =	vadd.f32 v15, v12;
	v7 =	vld [tilespmem:s19+$0x14460]  }
0x10d: {  	v13 =	vmax.f32 v13, $0.0e+00;
	v6 =	vadd.f32 v6, v11;
	v63 =	vld [tilespmem:s19+$0x14470]  }
0x10e: {  	[tilespmem:s19+$0x14400] =	vst v13;
	v12 =	vmax.f32 v12, $0.0e+00;
	v5 =	vadd.f32 v5, v10  }
0x10f: {  	[tilespmem:s19+$0x14410] =	vst v12;
	v6 =	vmax.f32 v6, $0.0e+00;
	v4 =	vadd.f32 v4, v9  }
0x110: {  	[tilespmem:s19+$0x14420] =	vst v6;
	v5 =	vmax.f32 v5, $0.0e+00;
	v3 =	vadd.f32 v3, v8  }
0x111: {  	[tilespmem:s19+$0x14430] =	vst v5;
	v4 =	vmax.f32 v4, $0.0e+00;
	v2 =	vadd.f32 v2, v7  }
0x112: {  	[tilespmem:s19+$0x14440] =	vst v4;
	v3 =	vmax.f32 v3, $0.0e+00;
	v1 =	vadd.f32 v1, v63  }
0x113: {  	[tilespmem:s19+$0x14450] =	vst v3;
	v2 =	vmax.f32 v2, $0.0e+00  }
0x114: {  	[tilespmem:s19+$0x14460] =	vst v2;
	v1 =	vmax.f32 v1, $0.0e+00  }
0x115: {  	[tilespmem:s19+$0x14470] =	vst v1  }
0x116: {  	_ =	swait.ge [sflag:s17], $0x80  }
0x117: {  	[sflag:s17] =	ssyncset.done $0x0  }
0x118: {  	[sflag:s17] =	ssyncadd.s32 $0xFFFFFF80  }
0x119: {  	[spmem:s2] =	stream.indirect.scatter.add.f32 [tilespmem:s31], [sflag:$0x5], $0x80, s3, s29, $0xb8;
	[tilespmem:$0x1E500] =	vst v63  }
0x11a: {  	s23 =	stileid.u32;
	_ =	swait.ge [sflag:s26], $0x2800  }
0x11b: {  	s20 =	sshrl.u32 s14, $0x3;
	s18 =	sadd.s32 $0x1, s18;
	[sflag:s26] =	ssyncset.done $0x0  }
0x11c: {  	p0 =	sne.s32 s18, s25;
	s19 =	sshll.u32 s23, $0x6;
	[sflag:s26] =	ssyncadd.s32 $0xFFFFD800  }
.Ltmp5:
0x11d: {  	s19 =	sor.u32 $0x1C06, s19;
	[bflag:$0x0] =	sbarrier.arrive $0xFFFF;
	(pc) =	sbr.rel @p0 .LBB2_1-.Ltmp5, $4  }
0x11e: {  	[hbm:s24], [sflag:s19] =	dma.local [spmem:s20], $0x2780  }
0x11f: {  	_ =	swait.ge [sflag:s0], $0x2780  }
0x120: {  	[sflag:s0] =	ssyncset.done $0x0  }
0x121: {  	s21 =	simm.s32 $0x13C00;
	[sflag:s0] =	ssyncadd.s32 $0xFFFFD880  }
0x122: {  	_ =	sfence.sel $0x180000  }
0x123: {  	[bflag:$0x0] =	sbarrier.arrive $0xFFFF  }
0x124: {  	_ =	strace $0x90000047  }
0x125: {  	s0 =	stileid.u32;
	[bflag:$0x2] =	sbarrier.arrive $0xFFFF  }
0x126: {  	p0 =	sne.s32 s0, $0x0;
	s0 =	rddreg [dreg:$0x3]  }
0x127: {  	s0 =	sadd.s32 @!p0 $0x100000, s0  }
0x128: {  	[sflag:s0] =	ssyncadd.tile.s32 @!p0 $0x1;
	_ =	shalt  }
.Lfunc_end2:
_tile_overlayer_lowered:
.L_overlay_start_2:
0x129: {  	(tag) =	ssettag $0x2  }
0x12a: {  	s0 =	rddreg [dreg:$0x0];
	s2 =	stileid.u32  }
0x12b: {  	s1 =	rddreg [dreg:$0x1];
	p0 =	sne.s32 s2, $0x0  }
0x12c: {  	s3 =	rddreg [dreg:$0x2];
	[bflag:$0x3] =	sbarrier.arrive $0xFFFF;
	s2 =	simm.s32 @!p0 $0x1C06  }
0x12d: {  	[timem:s3], [sflag:s2] =	dma.local @!p0 [hbm:s0], s1  }
0x12e: {  	s0 =	simm.s32 @!p0 $0x6  }
0x12f: {  	_ =	swait.ge @!p0 [sflag:s0], s1  }
0x130: {  	s1 =	ssub.s32 @!p0 $0x0, s1;
	[sflag:s0] =	ssyncset.done @!p0 $0x0  }
0x131: {  	[sflag:s0] =	ssyncadd.s32 @!p0 s1  }
0x132: {  	[bflag:$0x3] =	sbarrier.arrive $0xFFFF  }
0x133: {  	_ =	shalt  }

</sc_bundles>
